<compile_context>
chip_gen: v7x
topology: tpu7x:2x2x1
jax: 0.10.2.dev20260603
libtpu: 0.0.44.dev20260713+nightly
codegen_flags: <defaults>
</compile_context>

<pallas_src>
import functools

import jax
import jax.numpy as jnp
from jax import lax
from jax.experimental import pallas as pl
from jax.experimental.pallas import tpu as pltpu
from jax.experimental.pallas import tpu_sc as plsc

N = 10000
N_PAD = 10240
C = 128
E = 320000
G = 128

NC = 2
NS = 16
NW = NC * NS
EPT = E // NW
KB = 80
NB = EPT // KB
RPT = N_PAD // NS

_mesh = plsc.VectorSubcoreMesh(core_axis_name="c", subcore_axis_name="s")



def _deg_body(dst_hbm, out_hbm, dstv, hist):
    c = lax.axis_index("c")
    s = lax.axis_index("s")
    wid = c * NS + s
    pltpu.sync_copy(dst_hbm.at[wid], dstv)
    zeros = jnp.zeros((16,), jnp.float32)
    ones = jnp.ones((16,), jnp.float32)

    def zbody(i, carry):
        hist[pl.ds(pl.multiple_of(i * 16, 16), 16)] = zeros
        return carry

    lax.fori_loop(0, N_PAD // 16, zbody, 0)

    def body(i, carry):
        idx = dstv[i]
        plsc.addupdate_scatter(hist, [idx], ones)
        return carry

    lax.fori_loop(0, EPT // 16, body, 0)
    pltpu.sync_copy(hist, out_hbm.at[wid])


_deg_kernel = pl.kernel(
    _deg_body,
    out_type=jax.ShapeDtypeStruct((NW, N_PAD), jnp.float32),
    mesh=_mesh,
    compiler_params=pltpu.CompilerParams(needs_layout_passes=False),
    scratch_types=[
        pltpu.VMEM((EPT // 16, 16), jnp.int32),
        pltpu.VMEM((N_PAD,), jnp.float32),
    ],
)


NBUF = 2
NT = (NB - 2 * NBUF) // NBUF + 1
REM = NB - (NT + 1) * NBUF


def _gidx(srcv, j):
    return srcv.at[pl.ds(pl.multiple_of(j * KB, 8), KB)]


def _scatter_body(y_hbm, src_hbm, dst_hbm, out_hbm, srcv, dstv, rows, acc, sem):
    c = lax.axis_index("c")
    s = lax.axis_index("s")
    wid = c * NS + s
    zeros = jnp.zeros((16,), jnp.float32)

    pltpu.sync_copy(src_hbm.at[wid], srcv)
    pltpu.sync_copy(dst_hbm.at[wid], dstv)

    def zbody(t, carry):
        r = t // (C // 16)
        j = t % (C // 16)
        rows[0, r, pl.ds(pl.multiple_of(j * 16, 16), 16)] = zeros
        return carry

    lax.fori_loop(0, KB * C // 16, zbody, 0)
    row0 = s * RPT
    for k in range(RPT // KB):
        pltpu.sync_copy(rows.at[0], acc.at[pl.ds(row0 + k * KB, KB)])

    for b in range(NBUF):
        pltpu.async_copy(y_hbm.at[_gidx(srcv, b)], rows.at[b], sem.at[b])
    plsc.subcore_barrier()

    def body(t, carry):
        for b in range(NBUF):
            j = t * NBUF + b
            pltpu.make_async_copy(y_hbm.at[_gidx(srcv, j)], rows.at[b],
                                  sem.at[b]).wait()
            pltpu.sync_copy(rows.at[b], acc.at[dstv.at[j]], add=True)
            pltpu.async_copy(y_hbm.at[_gidx(srcv, j + NBUF)], rows.at[b],
                             sem.at[b])
        return carry

    lax.fori_loop(0, NT, body, 0)
    for b in range(NBUF):
        j = NT * NBUF + b
        pltpu.make_async_copy(y_hbm.at[_gidx(srcv, j)], rows.at[b],
                              sem.at[b]).wait()
        pltpu.sync_copy(rows.at[b], acc.at[dstv.at[j]], add=True)
        if j + NBUF < NB:
            pltpu.async_copy(y_hbm.at[_gidx(srcv, j + NBUF)], rows.at[b],
                             sem.at[b])
    for b in range(REM):
        j = NT * NBUF + NBUF + b
        pltpu.make_async_copy(y_hbm.at[_gidx(srcv, j)], rows.at[b],
                              sem.at[b]).wait()
        pltpu.sync_copy(rows.at[b], acc.at[dstv.at[j]], add=True)
    plsc.subcore_barrier()
    pltpu.sync_copy(acc.at[pl.ds(row0, RPT)], out_hbm.at[c, pl.ds(row0, RPT)])


_scatter_kernel = pl.kernel(
    _scatter_body,
    out_type=jax.ShapeDtypeStruct((NC, N_PAD, C), jnp.float32),
    mesh=_mesh,
    scratch_types=[
        pltpu.VMEM((EPT,), jnp.int32),
        pltpu.VMEM((NB, KB), jnp.int32),
        pltpu.VMEM((NBUF, KB, C), jnp.float32),
        pltpu.VMEM_SHARED((N_PAD, C), jnp.float32),
        pltpu.SemaphoreType.DMA((NBUF,)),
    ],
)



BLK = 256
GRID = N_PAD // BLK


def _tc_in_body(deg_ref, x_ref, w_ref, y_ref, dinv_ref):
    ones = jnp.ones((NW, 1), jnp.float32)
    deg = lax.dot_general(deg_ref[...], ones, (((0,), (0,)), ((), ())),
                          preferred_element_type=jnp.float32) + 1.0
    dinv = lax.rsqrt(deg)
    xw = jnp.dot(x_ref[...], w_ref[...], preferred_element_type=jnp.float32)
    y_ref[...] = xw * dinv
    dinv_ref[...] = dinv


_tc_in = pl.pallas_call(
    _tc_in_body,
    grid=(GRID,),
    in_specs=[
        pl.BlockSpec((NW, BLK), lambda i: (0, i)),
        pl.BlockSpec((BLK, C), lambda i: (i, 0)),
        pl.BlockSpec((C, C), lambda i: (0, 0)),
    ],
    out_specs=[
        pl.BlockSpec((BLK, C), lambda i: (i, 0)),
        pl.BlockSpec((BLK, 1), lambda i: (i, 0)),
    ],
    out_shape=[
        jax.ShapeDtypeStruct((N_PAD, C), jnp.float32),
        jax.ShapeDtypeStruct((N_PAD, 1), jnp.float32),
    ],
)


def _tc_mid_body(s_ref, y_ref, dinv_ref, b_ref, w_ref, y2_ref):
    sm = s_ref[0] + s_ref[1]
    dinv = dinv_ref[...]
    h = jnp.maximum((sm + y_ref[...]) * dinv + b_ref[...], 0.0)
    y2_ref[...] = jnp.dot(h, w_ref[...], preferred_element_type=jnp.float32) * dinv


_tc_mid = pl.pallas_call(
    _tc_mid_body,
    grid=(GRID,),
    in_specs=[
        pl.BlockSpec((NC, BLK, C), lambda i: (0, i, 0)),
        pl.BlockSpec((BLK, C), lambda i: (i, 0)),
        pl.BlockSpec((BLK, 1), lambda i: (i, 0)),
        pl.BlockSpec((C,), lambda i: (0,)),
        pl.BlockSpec((C, C), lambda i: (0, 0)),
    ],
    out_specs=pl.BlockSpec((BLK, C), lambda i: (i, 0)),
    out_shape=jax.ShapeDtypeStruct((N_PAD, C), jnp.float32),
)


def _tc_fin_body(s_ref, y2_ref, dinv_ref, b_ref, batch_ref, wc_ref, bc_ref,
                 out_ref, pooled, cnt):
    i = pl.program_id(0)

    @pl.when(i == 0)
    def _():
        pooled[...] = jnp.zeros_like(pooled)
        cnt[...] = jnp.zeros_like(cnt)

    sm = s_ref[0] + s_ref[1]
    o2 = (sm + y2_ref[...]) * dinv_ref[...] + b_ref[...]
    onehot = (batch_ref[...] == lax.broadcasted_iota(jnp.int32, (BLK, G), 1)
              ).astype(jnp.float32)
    pooled[...] += lax.dot_general(onehot, o2, (((0,), (0,)), ((), ())),
                                   preferred_element_type=jnp.float32)
    cnt[...] += lax.dot_general(onehot, jnp.ones((BLK, 1), jnp.float32),
                                (((0,), (0,)), ((), ())),
                                preferred_element_type=jnp.float32)

    @pl.when(i == GRID - 1)
    def _():
        g = pooled[...] / jnp.maximum(cnt[...], 1.0)
        out_ref[...] = jnp.dot(g, wc_ref[...], preferred_element_type=jnp.float32) + bc_ref[...]


_tc_fin = pl.pallas_call(
    _tc_fin_body,
    grid=(GRID,),
    in_specs=[
        pl.BlockSpec((NC, BLK, C), lambda i: (0, i, 0)),
        pl.BlockSpec((BLK, C), lambda i: (i, 0)),
        pl.BlockSpec((BLK, 1), lambda i: (i, 0)),
        pl.BlockSpec((C,), lambda i: (0,)),
        pl.BlockSpec((BLK, 1), lambda i: (i, 0)),
        pl.BlockSpec((C, 1), lambda i: (0, 0)),
        pl.BlockSpec((1, 1), lambda i: (0, 0)),
    ],
    out_specs=pl.BlockSpec((G, 1), lambda i: (0, 0)),
    out_shape=jax.ShapeDtypeStruct((G, 1), jnp.float32),
    scratch_shapes=[
        pltpu.VMEM((G, C), jnp.float32),
        pltpu.VMEM((G, 1), jnp.float32),
    ],
)



def kernel(x, edge_index, batch, W1, b1, W2, b2, Wc, bc):
    src = edge_index[0].astype(jnp.int32).reshape(NW, EPT)
    dst = edge_index[1].astype(jnp.int32).reshape(NW, NB, KB)
    dst16 = edge_index[1].astype(jnp.int32).reshape(NW, EPT // 16, 16)
    x_p = jnp.zeros((N_PAD, C), jnp.float32).at[:N].set(x)
    batch_p = jnp.full((N_PAD, 1), G, jnp.int32).at[:N, 0].set(
        batch.astype(jnp.int32))
    bc2 = bc.reshape(1, 1)

    degp = _deg_kernel(dst16)
    y1, dinv = _tc_in(degp, x_p, W1)
    s1 = _scatter_kernel(y1, src, dst)
    y2 = _tc_mid(s1, y1, dinv, b1, W2)
    s2 = _scatter_kernel(y2, src, dst)
    out = _tc_fin(s2, y2, dinv, b2, batch_p, Wc, bc2)
    return out

# --- scband reference (transcript-rebuilt; emitter-appended) ---
"""Pipeline reference for scband-my-gnn-87136296501830 (READ-ONLY COPY).

The authoritative reference and input builder live on the scoring server;
editing this copy changes nothing except your own understanding.
"""

import jax, jax.numpy as jnp
import numpy as np

IN_CH = 128
HID = 128
OUT_CH = 1
N_NODES = 10000
N_EDGES = 320000
N_GRAPHS = 128


def gcn_conv(x, edge_index, W, b):
    # PyG GCNConv: add self-loops, symmetric degree normalization, linear transform, scatter-add
    N = x.shape[0]
    loop = jnp.arange(N, dtype=edge_index.dtype)
    src = jnp.concatenate([edge_index[0], loop])
    dst = jnp.concatenate([edge_index[1], loop])
    deg = jnp.zeros((N,), dtype=x.dtype).at[dst].add(1.0)
    dinv = jnp.where(deg > 0, deg ** -0.5, 0.0)
    norm = dinv[src] * dinv[dst]
    xw = x @ W
    msg = xw[src] * norm[:, None]
    out = jnp.zeros((N, xw.shape[1]), dtype=x.dtype).at[dst].add(msg)
    return out + b


def global_mean_pool(x, batch, num_graphs):
    sums = jax.ops.segment_sum(x, batch, num_segments=num_graphs)
    cnt = jax.ops.segment_sum(jnp.ones((x.shape[0],), dtype=x.dtype), batch, num_segments=num_graphs)
    return sums / jnp.maximum(cnt, 1.0)[:, None]


def setup_inputs(seed: int = 0) -> dict:
    key = jax.random.key(seed)
    ks = jax.random.split(key, 10)
    x = jax.random.normal(ks[0], (N_NODES, IN_CH), dtype=jnp.float32)
    edge_index = jax.random.randint(ks[1], (2, N_EDGES), 0, N_NODES, dtype=jnp.int64)
    batch = jnp.sort(jax.random.randint(ks[2], (N_NODES,), 0, N_GRAPHS, dtype=jnp.int64))
    s1 = (2.0 / (IN_CH + HID)) ** 0.5
    s2 = (2.0 / (HID + HID)) ** 0.5
    s3 = (2.0 / (HID + OUT_CH)) ** 0.5
    W1 = jax.random.normal(ks[3], (IN_CH, HID), dtype=jnp.float32) * s1
    b1 = jnp.zeros((HID,), dtype=jnp.float32)
    W2 = jax.random.normal(ks[4], (HID, HID), dtype=jnp.float32) * s2
    b2 = jnp.zeros((HID,), dtype=jnp.float32)
    Wc = jax.random.normal(ks[5], (HID, OUT_CH), dtype=jnp.float32) * s3
    bc = jnp.zeros((OUT_CH,), dtype=jnp.float32)
    return {"x": x, "edge_index": edge_index, "batch": batch,
            "W1": W1, "b1": b1, "W2": W2, "b2": b2, "Wc": Wc, "bc": bc}


def reference(x, edge_index, batch, W1, b1, W2, b2, Wc, bc):
    # layer 1 (not last conv): relu + dropout (eval mode -> identity)
    h = gcn_conv(x, edge_index, W1, b1)
    h = jax.nn.relu(h)
    # dropout p=0.2, eval mode: identity
    # layer 2 (last conv): no activation
    h = gcn_conv(h, edge_index, W2, b2)
    g = global_mean_pool(h, batch, N_GRAPHS)
    out = g @ Wc + bc
    return out

if __name__ == "__main__":
    import jax
    _d = setup_inputs()
    print(jax.jit(kernel)(*tuple(_d.values())))

</pallas_src>

<mosaic_0001>
#map = affine_map<(d0, d1) -> (0, 0)>
#map1 = affine_map<(d0, d1) -> (0, 0, 0)>
module attributes {stable_mosaic.version = 14 : i64} {
  func.func @_scatter_body(%arg0: i32, %arg1: i32, %arg2: memref<10240x128xf32, #tpu.memory_space<hbm>>, %arg3: memref<32x10000xi32, #tpu.memory_space<hbm>>, %arg4: memref<32x125x80xi32, #tpu.memory_space<hbm>>, %arg5: memref<2x10240x128xf32, #tpu.memory_space<hbm>>, %arg6: memref<10000xi32, #tpu.memory_space<vmem>>, %arg7: memref<125x80xi32, #tpu.memory_space<vmem>>, %arg8: memref<2x80x128xf32, #tpu.memory_space<vmem>>, %arg9: memref<10240x128xf32, #tpu.memory_space<vmem_shared>>, %arg10: memref<2x!tpu.dma_semaphore, #tpu.memory_space<semaphore_mem>>) attributes {dimension_semantics = [#tpu.dimension_semantics<core_parallel>, #tpu.dimension_semantics<subcore_parallel>], iteration_bounds = array<i64: 2, 16>, scalar_prefetch = 0 : i64, scratch_operands = 5 : i64, tpu.core_type = #tpu.core_type<sc_vector_subcore>, window_params = [{transform_indices = #map}, {transform_indices = #map}, {transform_indices = #map1}, {transform_indices = #map1}]} {
    %mul3A = arith.constant 16 : i32
    %mul3A_0 = arith.muli %arg0, %mul3A : i32
    %add3A = arith.addi %mul3A_0, %arg1 : i32
    %broadcast_in_dim3A = arith.constant 0.000000e+00 : f32
    %broadcast_in_dim3A_1 = vector.broadcast %broadcast_in_dim3A : f32 to vector<16xf32>
    "tpu.region"() ({
      %run_scoped3A_126 = tpu.sem_alloc : memref<!tpu.dma_semaphore, #tpu.memory_space<semaphore_mem>>
      %dma_start3A_127 = arith.constant 0 : i32
      %dma_start3A_128 = tpu.memref_slice %arg3[%add3A, %dma_start3A_127] : memref<32x10000xi32, #tpu.memory_space<hbm>> -> memref<1x10000xi32, #tpu.memory_space<hbm>>
      %dma_start3A_129 = tpu.memref_squeeze %dma_start3A_128 : memref<1x10000xi32, #tpu.memory_space<hbm>> -> memref<10000xi32, #tpu.memory_space<hbm>>
      %dma_start3A_130 = arith.constant 0 : i32
      %dma_start3A_131 = tpu.memref_slice %arg3[%add3A, %dma_start3A_130] : memref<32x10000xi32, #tpu.memory_space<hbm>> -> memref<1x10000xi32, #tpu.memory_space<hbm>>
      %dma_start3A_132 = tpu.memref_squeeze %dma_start3A_131 : memref<1x10000xi32, #tpu.memory_space<hbm>> -> memref<10000xi32, #tpu.memory_space<hbm>>
      tpu.enqueue_dma source(%dma_start3A_132 : memref<10000xi32, #tpu.memory_space<hbm>>) target(%arg6 : memref<10000xi32, #tpu.memory_space<vmem>>) target_semaphore(%run_scoped3A_126 : memref<!tpu.dma_semaphore, #tpu.memory_space<semaphore_mem>>)
      %dma_wait3A_133 = arith.constant 0 : i32
      %dma_wait3A_134 = tpu.memref_slice %arg3[%add3A, %dma_wait3A_133] : memref<32x10000xi32, #tpu.memory_space<hbm>> -> memref<1x10000xi32, #tpu.memory_space<hbm>>
      %dma_wait3A_135 = tpu.memref_squeeze %dma_wait3A_134 : memref<1x10000xi32, #tpu.memory_space<hbm>> -> memref<10000xi32, #tpu.memory_space<hbm>>
      %dma_wait3A_136 = arith.constant 0 : i32
      %dma_wait3A_137 = tpu.memref_slice %arg3[%add3A, %dma_wait3A_136] : memref<32x10000xi32, #tpu.memory_space<hbm>> -> memref<1x10000xi32, #tpu.memory_space<hbm>>
      %dma_wait3A_138 = tpu.memref_squeeze %dma_wait3A_137 : memref<1x10000xi32, #tpu.memory_space<hbm>> -> memref<10000xi32, #tpu.memory_space<hbm>>
      tpu.wait_dma2 semaphore(%run_scoped3A_126 : memref<!tpu.dma_semaphore, #tpu.memory_space<semaphore_mem>>) src(%dma_wait3A_138 : memref<10000xi32, #tpu.memory_space<hbm>>) dst(%arg6 : memref<10000xi32, #tpu.memory_space<vmem>>)
      tpu.yield
    }) : () -> ()
    "tpu.region"() ({
      %run_scoped3A_126 = tpu.sem_alloc : memref<!tpu.dma_semaphore, #tpu.memory_space<semaphore_mem>>
      %dma_start3A_127 = arith.constant 0 : i32
      %dma_start3A_128 = arith.constant 0 : i32
      %dma_start3A_129 = tpu.memref_slice %arg4[%add3A, %dma_start3A_127, %dma_start3A_128] : memref<32x125x80xi32, #tpu.memory_space<hbm>> -> memref<1x125x80xi32, #tpu.memory_space<hbm>>
      %dma_start3A_130 = tpu.memref_squeeze %dma_start3A_129 : memref<1x125x80xi32, #tpu.memory_space<hbm>> -> memref<125x80xi32, #tpu.memory_space<hbm>>
      %dma_start3A_131 = arith.constant 0 : i32
      %dma_start3A_132 = arith.constant 0 : i32
      %dma_start3A_133 = tpu.memref_slice %arg4[%add3A, %dma_start3A_131, %dma_start3A_132] : memref<32x125x80xi32, #tpu.memory_space<hbm>> -> memref<1x125x80xi32, #tpu.memory_space<hbm>>
      %dma_start3A_134 = tpu.memref_squeeze %dma_start3A_133 : memref<1x125x80xi32, #tpu.memory_space<hbm>> -> memref<125x80xi32, #tpu.memory_space<hbm>>
      tpu.enqueue_dma source(%dma_start3A_134 : memref<125x80xi32, #tpu.memory_space<hbm>>) target(%arg7 : memref<125x80xi32, #tpu.memory_space<vmem>>) target_semaphore(%run_scoped3A_126 : memref<!tpu.dma_semaphore, #tpu.memory_space<semaphore_mem>>)
      %dma_wait3A_135 = arith.constant 0 : i32
      %dma_wait3A_136 = arith.constant 0 : i32
      %dma_wait3A_137 = tpu.memref_slice %arg4[%add3A, %dma_wait3A_135, %dma_wait3A_136] : memref<32x125x80xi32, #tpu.memory_space<hbm>> -> memref<1x125x80xi32, #tpu.memory_space<hbm>>
      %dma_wait3A_138 = tpu.memref_squeeze %dma_wait3A_137 : memref<1x125x80xi32, #tpu.memory_space<hbm>> -> memref<125x80xi32, #tpu.memory_space<hbm>>
      %dma_wait3A_139 = arith.constant 0 : i32
      %dma_wait3A_140 = arith.constant 0 : i32
      %dma_wait3A_141 = tpu.memref_slice %arg4[%add3A, %dma_wait3A_139, %dma_wait3A_140] : memref<32x125x80xi32, #tpu.memory_space<hbm>> -> memref<1x125x80xi32, #tpu.memory_space<hbm>>
      %dma_wait3A_142 = tpu.memref_squeeze %dma_wait3A_141 : memref<1x125x80xi32, #tpu.memory_space<hbm>> -> memref<125x80xi32, #tpu.memory_space<hbm>>
      tpu.wait_dma2 semaphore(%run_scoped3A_126 : memref<!tpu.dma_semaphore, #tpu.memory_space<semaphore_mem>>) src(%dma_wait3A_142 : memref<125x80xi32, #tpu.memory_space<hbm>>) dst(%arg7 : memref<125x80xi32, #tpu.memory_space<vmem>>)
      tpu.yield
    }) : () -> ()
    %scan3A = arith.constant 0 : i32
    %scan3A_2 = arith.constant 0 : i32
    %scan3A_3 = arith.constant 640 : i32
    %scan3A_4 = arith.addi %scan3A_2, %scan3A_3 : i32
    %scan3A_5 = arith.constant 1 : i32
    scf.for %scan3A_126 = %scan3A_2 to %scan3A_4 step %scan3A_5  : i32 {
      %jit3A = arith.constant 8 : i32
      %div3A = arith.divsi %scan3A_126, %jit3A : i32
      %sign3A = arith.constant 0 : i32
      %sign3A_127 = arith.cmpi sgt, %scan3A_126, %sign3A : i32
      %sign3A_128 = arith.extui %sign3A_127 : i1 to i32
      %sign3A_129 = arith.constant 0 : i32
      %sign3A_130 = arith.cmpi slt, %scan3A_126, %sign3A_129 : i32
      %sign3A_131 = arith.extui %sign3A_130 : i1 to i32
      %sign3A_132 = arith.subi %sign3A_128, %sign3A_131 : i32
      %sign3A_133 = arith.constant 0 : i32
      %sign3A_134 = arith.cmpi sgt, %jit3A, %sign3A_133 : i32
      %sign3A_135 = arith.extui %sign3A_134 : i1 to i32
      %sign3A_136 = arith.constant 0 : i32
      %sign3A_137 = arith.cmpi slt, %jit3A, %sign3A_136 : i32
      %sign3A_138 = arith.extui %sign3A_137 : i1 to i32
      %sign3A_139 = arith.subi %sign3A_135, %sign3A_138 : i32
      %ne3A = arith.cmpi ne, %sign3A_132, %sign3A_139 : i32
      %rem3A = arith.remsi %scan3A_126, %jit3A : i32
      %ne3A_140 = arith.constant 0 : i32
      %ne3A_141 = arith.cmpi ne, %rem3A, %ne3A_140 : i32
      %and3A = arith.andi %ne3A, %ne3A_141 : i1
      %sub3A = arith.constant 1 : i32
      %sub3A_142 = arith.subi %div3A, %sub3A : i32
      %select_n3A = arith.select %and3A, %sub3A_142, %div3A : i32
      %jit3A_143 = arith.constant 8 : i32
      %eq3A = arith.constant 0 : i32
      %eq3A_144 = arith.cmpi eq, %jit3A_143, %eq3A : i32
      %jit3A_145 = arith.constant 1 : i32
      %select_n3A_146 = arith.select %eq3A_144, %jit3A_145, %jit3A_143 : i32
      %rem3A_147 = arith.remsi %scan3A_126, %select_n3A_146 : i32
      %ne3A_148 = arith.constant 0 : i32
      %ne3A_149 = arith.cmpi ne, %rem3A_147, %ne3A_148 : i32
      %lt3A = arith.constant 0 : i32
      %lt3A_150 = arith.cmpi slt, %rem3A_147, %lt3A : i32
      %lt3A_151 = arith.constant 0 : i32
      %lt3A_152 = arith.cmpi slt, %select_n3A_146, %lt3A_151 : i32
      %ne3A_153 = arith.xori %lt3A_150, %lt3A_152 : i1
      %and3A_154 = arith.andi %ne3A_153, %ne3A_149 : i1
      %add3A_155 = arith.addi %rem3A_147, %select_n3A_146 : i32
      %select_n3A_156 = arith.select %and3A_154, %add3A_155, %rem3A_147 : i32
      %mul3A_157 = arith.constant 16 : i32
      %mul3A_158 = arith.muli %select_n3A_156, %mul3A_157 : i32
      %multiple_of3A_159 = tpu.assume_multiple %mul3A_158, 16 : i32
      %swap3A = arith.constant 0 : i32
      %swap3A_160 = arith.index_cast %swap3A : i32 to index
      %swap3A_161 = arith.index_cast %select_n3A : i32 to index
      %swap3A_162 = arith.index_cast %multiple_of3A_159 : i32 to index
      %swap3A_163 = tpu.vector_load %arg8[%swap3A_160, %swap3A_161, %swap3A_162] {strides = array<i32>} : memref<2x80x128xf32, #tpu.memory_space<vmem>>, vector<1x1x16xf32>,
      %swap3A_164 = vector.shape_cast %swap3A_163 : vector<1x1x16xf32> to vector<16xf32>
      %swap3A_165 = vector.shape_cast %broadcast_in_dim3A_1 : vector<16xf32> to vector<1x1x16xf32>
      tpu.vector_store %arg8[%swap3A_160, %swap3A_161, %swap3A_162], %swap3A_165 {strides = array<i32>} : memref<2x80x128xf32, #tpu.memory_space<vmem>>, vector<1x1x16xf32>,
    }
    %scan3A_6 = arith.constant 640 : i32
    %mul3A_7 = arith.constant 640 : i32
    %mul3A_8 = arith.muli %arg1, %mul3A_7 : i32
    %add3A_9 = arith.constant 0 : i32
    %add3A_10 = arith.addi %mul3A_8, %add3A_9 : i32
    %run_scoped3A = arith.constant 0 : i32
    "tpu.region"() ({
      %run_scoped3A_126 = tpu.sem_alloc : memref<!tpu.dma_semaphore, #tpu.memory_space<semaphore_mem>>
      %dma_start3A_127 = arith.constant 0 : i32
      %dma_start3A_128 = arith.constant 0 : i32
      %dma_start3A_129 = tpu.memref_slice %arg8[%run_scoped3A, %dma_start3A_127, %dma_start3A_128] : memref<2x80x128xf32, #tpu.memory_space<vmem>> -> memref<1x80x128xf32, #tpu.memory_space<vmem>>
      %dma_start3A_130 = tpu.memref_squeeze %dma_start3A_129 : memref<1x80x128xf32, #tpu.memory_space<vmem>> -> memref<80x128xf32, #tpu.memory_space<vmem>>
      %dma_start3A_131 = arith.constant 0 : i32
      %dma_start3A_132 = tpu.memref_slice %arg9[%add3A_10, %dma_start3A_131] : memref<10240x128xf32, #tpu.memory_space<vmem_shared>> -> memref<80x128xf32, #tpu.memory_space<vmem_shared>>
      %dma_start3A_133 = arith.constant 0 : i32
      %dma_start3A_134 = tpu.memref_slice %arg9[%add3A_10, %dma_start3A_133] : memref<10240x128xf32, #tpu.memory_space<vmem_shared>> -> memref<80x128xf32, #tpu.memory_space<vmem_shared>>
      %dma_start3A_135 = arith.constant 0 : i32
      %dma_start3A_136 = arith.constant 0 : i32
      %dma_start3A_137 = tpu.memref_slice %arg8[%run_scoped3A, %dma_start3A_135, %dma_start3A_136] : memref<2x80x128xf32, #tpu.memory_space<vmem>> -> memref<1x80x128xf32, #tpu.memory_space<vmem>>
      %dma_start3A_138 = tpu.memref_squeeze %dma_start3A_137 : memref<1x80x128xf32, #tpu.memory_space<vmem>> -> memref<80x128xf32, #tpu.memory_space<vmem>>
      tpu.enqueue_dma source(%dma_start3A_138 : memref<80x128xf32, #tpu.memory_space<vmem>>) target(%dma_start3A_134 : memref<80x128xf32, #tpu.memory_space<vmem_shared>>) target_semaphore(%run_scoped3A_126 : memref<!tpu.dma_semaphore, #tpu.memory_space<semaphore_mem>>)
      %dma_wait3A_139 = arith.constant 0 : i32
      %dma_wait3A_140 = arith.constant 0 : i32
      %dma_wait3A_141 = tpu.memref_slice %arg8[%run_scoped3A, %dma_wait3A_139, %dma_wait3A_140] : memref<2x80x128xf32, #tpu.memory_space<vmem>> -> memref<1x80x128xf32, #tpu.memory_space<vmem>>
      %dma_wait3A_142 = tpu.memref_squeeze %dma_wait3A_141 : memref<1x80x128xf32, #tpu.memory_space<vmem>> -> memref<80x128xf32, #tpu.memory_space<vmem>>
      %dma_wait3A_143 = arith.constant 0 : i32
      %dma_wait3A_144 = tpu.memref_slice %arg9[%add3A_10, %dma_wait3A_143] : memref<10240x128xf32, #tpu.memory_space<vmem_shared>> -> memref<80x128xf32, #tpu.memory_space<vmem_shared>>
      %dma_wait3A_145 = arith.constant 0 : i32
      %dma_wait3A_146 = tpu.memref_slice %arg9[%add3A_10, %dma_wait3A_145] : memref<10240x128xf32, #tpu.memory_space<vmem_shared>> -> memref<80x128xf32, #tpu.memory_space<vmem_shared>>
      %dma_wait3A_147 = arith.constant 0 : i32
      %dma_wait3A_148 = arith.constant 0 : i32
      %dma_wait3A_149 = tpu.memref_slice %arg8[%run_scoped3A, %dma_wait3A_147, %dma_wait3A_148] : memref<2x80x128xf32, #tpu.memory_space<vmem>> -> memref<1x80x128xf32, #tpu.memory_space<vmem>>
      %dma_wait3A_150 = tpu.memref_squeeze %dma_wait3A_149 : memref<1x80x128xf32, #tpu.memory_space<vmem>> -> memref<80x128xf32, #tpu.memory_space<vmem>>
      tpu.wait_dma2 semaphore(%run_scoped3A_126 : memref<!tpu.dma_semaphore, #tpu.memory_space<semaphore_mem>>) src(%dma_wait3A_150 : memref<80x128xf32, #tpu.memory_space<vmem>>) dst(%dma_wait3A_146 : memref<80x128xf32, #tpu.memory_space<vmem_shared>>)
      tpu.yield
    }) : () -> ()
    %add3A_11 = arith.constant 80 : i32
    %add3A_12 = arith.addi %mul3A_8, %add3A_11 : i32
    %run_scoped3A_13 = arith.constant 0 : i32
    "tpu.region"() ({
      %run_scoped3A_126 = tpu.sem_alloc : memref<!tpu.dma_semaphore, #tpu.memory_space<semaphore_mem>>
      %dma_start3A_127 = arith.constant 0 : i32
      %dma_start3A_128 = arith.constant 0 : i32
      %dma_start3A_129 = tpu.memref_slice %arg8[%run_scoped3A_13, %dma_start3A_127, %dma_start3A_128] : memref<2x80x128xf32, #tpu.memory_space<vmem>> -> memref<1x80x128xf32, #tpu.memory_space<vmem>>
      %dma_start3A_130 = tpu.memref_squeeze %dma_start3A_129 : memref<1x80x128xf32, #tpu.memory_space<vmem>> -> memref<80x128xf32, #tpu.memory_space<vmem>>
      %dma_start3A_131 = arith.constant 0 : i32
      %dma_start3A_132 = tpu.memref_slice %arg9[%add3A_12, %dma_start3A_131] : memref<10240x128xf32, #tpu.memory_space<vmem_shared>> -> memref<80x128xf32, #tpu.memory_space<vmem_shared>>
      %dma_start3A_133 = arith.constant 0 : i32
      %dma_start3A_134 = tpu.memref_slice %arg9[%add3A_12, %dma_start3A_133] : memref<10240x128xf32, #tpu.memory_space<vmem_shared>> -> memref<80x128xf32, #tpu.memory_space<vmem_shared>>
      %dma_start3A_135 = arith.constant 0 : i32
      %dma_start3A_136 = arith.constant 0 : i32
      %dma_start3A_137 = tpu.memref_slice %arg8[%run_scoped3A_13, %dma_start3A_135, %dma_start3A_136] : memref<2x80x128xf32, #tpu.memory_space<vmem>> -> memref<1x80x128xf32, #tpu.memory_space<vmem>>
      %dma_start3A_138 = tpu.memref_squeeze %dma_start3A_137 : memref<1x80x128xf32, #tpu.memory_space<vmem>> -> memref<80x128xf32, #tpu.memory_space<vmem>>
      tpu.enqueue_dma source(%dma_start3A_138 : memref<80x128xf32, #tpu.memory_space<vmem>>) target(%dma_start3A_134 : memref<80x128xf32, #tpu.memory_space<vmem_shared>>) target_semaphore(%run_scoped3A_126 : memref<!tpu.dma_semaphore, #tpu.memory_space<semaphore_mem>>)
      %dma_wait3A_139 = arith.constant 0 : i32
      %dma_wait3A_140 = arith.constant 0 : i32
      %dma_wait3A_141 = tpu.memref_slice %arg8[%run_scoped3A_13, %dma_wait3A_139, %dma_wait3A_140] : memref<2x80x128xf32, #tpu.memory_space<vmem>> -> memref<1x80x128xf32, #tpu.memory_space<vmem>>
      %dma_wait3A_142 = tpu.memref_squeeze %dma_wait3A_141 : memref<1x80x128xf32, #tpu.memory_space<vmem>> -> memref<80x128xf32, #tpu.memory_space<vmem>>
      %dma_wait3A_143 = arith.constant 0 : i32
      %dma_wait3A_144 = tpu.memref_slice %arg9[%add3A_12, %dma_wait3A_143] : memref<10240x128xf32, #tpu.memory_space<vmem_shared>> -> memref<80x128xf32, #tpu.memory_space<vmem_shared>>
      %dma_wait3A_145 = arith.constant 0 : i32
      %dma_wait3A_146 = tpu.memref_slice %arg9[%add3A_12, %dma_wait3A_145] : memref<10240x128xf32, #tpu.memory_space<vmem_shared>> -> memref<80x128xf32, #tpu.memory_space<vmem_shared>>
      %dma_wait3A_147 = arith.constant 0 : i32
      %dma_wait3A_148 = arith.constant 0 : i32
      %dma_wait3A_149 = tpu.memref_slice %arg8[%run_scoped3A_13, %dma_wait3A_147, %dma_wait3A_148] : memref<2x80x128xf32, #tpu.memory_space<vmem>> -> memref<1x80x128xf32, #tpu.memory_space<vmem>>
      %dma_wait3A_150 = tpu.memref_squeeze %dma_wait3A_149 : memref<1x80x128xf32, #tpu.memory_space<vmem>> -> memref<80x128xf32, #tpu.memory_space<vmem>>
      tpu.wait_dma2 semaphore(%run_scoped3A_126 : memref<!tpu.dma_semaphore, #tpu.memory_space<semaphore_mem>>) src(%dma_wait3A_150 : memref<80x128xf32, #tpu.memory_space<vmem>>) dst(%dma_wait3A_146 : memref<80x128xf32, #tpu.memory_space<vmem_shared>>)
      tpu.yield
    }) : () -> ()
    %add3A_14 = arith.constant 160 : i32
    %add3A_15 = arith.addi %mul3A_8, %add3A_14 : i32
    %run_scoped3A_16 = arith.constant 0 : i32
    "tpu.region"() ({
      %run_scoped3A_126 = tpu.sem_alloc : memref<!tpu.dma_semaphore, #tpu.memory_space<semaphore_mem>>
      %dma_start3A_127 = arith.constant 0 : i32
      %dma_start3A_128 = arith.constant 0 : i32
      %dma_start3A_129 = tpu.memref_slice %arg8[%run_scoped3A_16, %dma_start3A_127, %dma_start3A_128] : memref<2x80x128xf32, #tpu.memory_space<vmem>> -> memref<1x80x128xf32, #tpu.memory_space<vmem>>
      %dma_start3A_130 = tpu.memref_squeeze %dma_start3A_129 : memref<1x80x128xf32, #tpu.memory_space<vmem>> -> memref<80x128xf32, #tpu.memory_space<vmem>>
      %dma_start3A_131 = arith.constant 0 : i32
      %dma_start3A_132 = tpu.memref_slice %arg9[%add3A_15, %dma_start3A_131] : memref<10240x128xf32, #tpu.memory_space<vmem_shared>> -> memref<80x128xf32, #tpu.memory_space<vmem_shared>>
      %dma_start3A_133 = arith.constant 0 : i32
      %dma_start3A_134 = tpu.memref_slice %arg9[%add3A_15, %dma_start3A_133] : memref<10240x128xf32, #tpu.memory_space<vmem_shared>> -> memref<80x128xf32, #tpu.memory_space<vmem_shared>>
      %dma_start3A_135 = arith.constant 0 : i32
      %dma_start3A_136 = arith.constant 0 : i32
      %dma_start3A_137 = tpu.memref_slice %arg8[%run_scoped3A_16, %dma_start3A_135, %dma_start3A_136] : memref<2x80x128xf32, #tpu.memory_space<vmem>> -> memref<1x80x128xf32, #tpu.memory_space<vmem>>
      %dma_start3A_138 = tpu.memref_squeeze %dma_start3A_137 : memref<1x80x128xf32, #tpu.memory_space<vmem>> -> memref<80x128xf32, #tpu.memory_space<vmem>>
      tpu.enqueue_dma source(%dma_start3A_138 : memref<80x128xf32, #tpu.memory_space<vmem>>) target(%dma_start3A_134 : memref<80x128xf32, #tpu.memory_space<vmem_shared>>) target_semaphore(%run_scoped3A_126 : memref<!tpu.dma_semaphore, #tpu.memory_space<semaphore_mem>>)
      %dma_wait3A_139 = arith.constant 0 : i32
      %dma_wait3A_140 = arith.constant 0 : i32
      %dma_wait3A_141 = tpu.memref_slice %arg8[%run_scoped3A_16, %dma_wait3A_139, %dma_wait3A_140] : memref<2x80x128xf32, #tpu.memory_space<vmem>> -> memref<1x80x128xf32, #tpu.memory_space<vmem>>
      %dma_wait3A_142 = tpu.memref_squeeze %dma_wait3A_141 : memref<1x80x128xf32, #tpu.memory_space<vmem>> -> memref<80x128xf32, #tpu.memory_space<vmem>>
      %dma_wait3A_143 = arith.constant 0 : i32
      %dma_wait3A_144 = tpu.memref_slice %arg9[%add3A_15, %dma_wait3A_143] : memref<10240x128xf32, #tpu.memory_space<vmem_shared>> -> memref<80x128xf32, #tpu.memory_space<vmem_shared>>
      %dma_wait3A_145 = arith.constant 0 : i32
      %dma_wait3A_146 = tpu.memref_slice %arg9[%add3A_15, %dma_wait3A_145] : memref<10240x128xf32, #tpu.memory_space<vmem_shared>> -> memref<80x128xf32, #tpu.memory_space<vmem_shared>>
      %dma_wait3A_147 = arith.constant 0 : i32
      %dma_wait3A_148 = arith.constant 0 : i32
      %dma_wait3A_149 = tpu.memref_slice %arg8[%run_scoped3A_16, %dma_wait3A_147, %dma_wait3A_148] : memref<2x80x128xf32, #tpu.memory_space<vmem>> -> memref<1x80x128xf32, #tpu.memory_space<vmem>>
      %dma_wait3A_150 = tpu.memref_squeeze %dma_wait3A_149 : memref<1x80x128xf32, #tpu.memory_space<vmem>> -> memref<80x128xf32, #tpu.memory_space<vmem>>
      tpu.wait_dma2 semaphore(%run_scoped3A_126 : memref<!tpu.dma_semaphore, #tpu.memory_space<semaphore_mem>>) src(%dma_wait3A_150 : memref<80x128xf32, #tpu.memory_space<vmem>>) dst(%dma_wait3A_146 : memref<80x128xf32, #tpu.memory_space<vmem_shared>>)
      tpu.yield
    }) : () -> ()
    %add3A_17 = arith.constant 240 : i32
    %add3A_18 = arith.addi %mul3A_8, %add3A_17 : i32
    %run_scoped3A_19 = arith.constant 0 : i32
    "tpu.region"() ({
      %run_scoped3A_126 = tpu.sem_alloc : memref<!tpu.dma_semaphore, #tpu.memory_space<semaphore_mem>>
      %dma_start3A_127 = arith.constant 0 : i32
      %dma_start3A_128 = arith.constant 0 : i32
      %dma_start3A_129 = tpu.memref_slice %arg8[%run_scoped3A_19, %dma_start3A_127, %dma_start3A_128] : memref<2x80x128xf32, #tpu.memory_space<vmem>> -> memref<1x80x128xf32, #tpu.memory_space<vmem>>
      %dma_start3A_130 = tpu.memref_squeeze %dma_start3A_129 : memref<1x80x128xf32, #tpu.memory_space<vmem>> -> memref<80x128xf32, #tpu.memory_space<vmem>>
      %dma_start3A_131 = arith.constant 0 : i32
      %dma_start3A_132 = tpu.memref_slice %arg9[%add3A_18, %dma_start3A_131] : memref<10240x128xf32, #tpu.memory_space<vmem_shared>> -> memref<80x128xf32, #tpu.memory_space<vmem_shared>>
      %dma_start3A_133 = arith.constant 0 : i32
      %dma_start3A_134 = tpu.memref_slice %arg9[%add3A_18, %dma_start3A_133] : memref<10240x128xf32, #tpu.memory_space<vmem_shared>> -> memref<80x128xf32, #tpu.memory_space<vmem_shared>>
      %dma_start3A_135 = arith.constant 0 : i32
      %dma_start3A_136 = arith.constant 0 : i32
      %dma_start3A_137 = tpu.memref_slice %arg8[%run_scoped3A_19, %dma_start3A_135, %dma_start3A_136] : memref<2x80x128xf32, #tpu.memory_space<vmem>> -> memref<1x80x128xf32, #tpu.memory_space<vmem>>
      %dma_start3A_138 = tpu.memref_squeeze %dma_start3A_137 : memref<1x80x128xf32, #tpu.memory_space<vmem>> -> memref<80x128xf32, #tpu.memory_space<vmem>>
      tpu.enqueue_dma source(%dma_start3A_138 : memref<80x128xf32, #tpu.memory_space<vmem>>) target(%dma_start3A_134 : memref<80x128xf32, #tpu.memory_space<vmem_shared>>) target_semaphore(%run_scoped3A_126 : memref<!tpu.dma_semaphore, #tpu.memory_space<semaphore_mem>>)
      %dma_wait3A_139 = arith.constant 0 : i32
      %dma_wait3A_140 = arith.constant 0 : i32
      %dma_wait3A_141 = tpu.memref_slice %arg8[%run_scoped3A_19, %dma_wait3A_139, %dma_wait3A_140] : memref<2x80x128xf32, #tpu.memory_space<vmem>> -> memref<1x80x128xf32, #tpu.memory_space<vmem>>
      %dma_wait3A_142 = tpu.memref_squeeze %dma_wait3A_141 : memref<1x80x128xf32, #tpu.memory_space<vmem>> -> memref<80x128xf32, #tpu.memory_space<vmem>>
      %dma_wait3A_143 = arith.constant 0 : i32
      %dma_wait3A_144 = tpu.memref_slice %arg9[%add3A_18, %dma_wait3A_143] : memref<10240x128xf32, #tpu.memory_space<vmem_shared>> -> memref<80x128xf32, #tpu.memory_space<vmem_shared>>
      %dma_wait3A_145 = arith.constant 0 : i32
      %dma_wait3A_146 = tpu.memref_slice %arg9[%add3A_18, %dma_wait3A_145] : memref<10240x128xf32, #tpu.memory_space<vmem_shared>> -> memref<80x128xf32, #tpu.memory_space<vmem_shared>>
      %dma_wait3A_147 = arith.constant 0 : i32
      %dma_wait3A_148 = arith.constant 0 : i32
      %dma_wait3A_149 = tpu.memref_slice %arg8[%run_scoped3A_19, %dma_wait3A_147, %dma_wait3A_148] : memref<2x80x128xf32, #tpu.memory_space<vmem>> -> memref<1x80x128xf32, #tpu.memory_space<vmem>>
      %dma_wait3A_150 = tpu.memref_squeeze %dma_wait3A_149 : memref<1x80x128xf32, #tpu.memory_space<vmem>> -> memref<80x128xf32, #tpu.memory_space<vmem>>
      tpu.wait_dma2 semaphore(%run_scoped3A_126 : memref<!tpu.dma_semaphore, #tpu.memory_space<semaphore_mem>>) src(%dma_wait3A_150 : memref<80x128xf32, #tpu.memory_space<vmem>>) dst(%dma_wait3A_146 : memref<80x128xf32, #tpu.memory_space<vmem_shared>>)
      tpu.yield
    }) : () -> ()
    %add3A_20 = arith.constant 320 : i32
    %add3A_21 = arith.addi %mul3A_8, %add3A_20 : i32
    %run_scoped3A_22 = arith.constant 0 : i32
    "tpu.region"() ({
      %run_scoped3A_126 = tpu.sem_alloc : memref<!tpu.dma_semaphore, #tpu.memory_space<semaphore_mem>>
      %dma_start3A_127 = arith.constant 0 : i32
      %dma_start3A_128 = arith.constant 0 : i32
      %dma_start3A_129 = tpu.memref_slice %arg8[%run_scoped3A_22, %dma_start3A_127, %dma_start3A_128] : memref<2x80x128xf32, #tpu.memory_space<vmem>> -> memref<1x80x128xf32, #tpu.memory_space<vmem>>
      %dma_start3A_130 = tpu.memref_squeeze %dma_start3A_129 : memref<1x80x128xf32, #tpu.memory_space<vmem>> -> memref<80x128xf32, #tpu.memory_space<vmem>>
      %dma_start3A_131 = arith.constant 0 : i32
      %dma_start3A_132 = tpu.memref_slice %arg9[%add3A_21, %dma_start3A_131] : memref<10240x128xf32, #tpu.memory_space<vmem_shared>> -> memref<80x128xf32, #tpu.memory_space<vmem_shared>>
      %dma_start3A_133 = arith.constant 0 : i32
      %dma_start3A_134 = tpu.memref_slice %arg9[%add3A_21, %dma_start3A_133] : memref<10240x128xf32, #tpu.memory_space<vmem_shared>> -> memref<80x128xf32, #tpu.memory_space<vmem_shared>>
      %dma_start3A_135 = arith.constant 0 : i32
      %dma_start3A_136 = arith.constant 0 : i32
      %dma_start3A_137 = tpu.memref_slice %arg8[%run_scoped3A_22, %dma_start3A_135, %dma_start3A_136] : memref<2x80x128xf32, #tpu.memory_space<vmem>> -> memref<1x80x128xf32, #tpu.memory_space<vmem>>
      %dma_start3A_138 = tpu.memref_squeeze %dma_start3A_137 : memref<1x80x128xf32, #tpu.memory_space<vmem>> -> memref<80x128xf32, #tpu.memory_space<vmem>>
      tpu.enqueue_dma source(%dma_start3A_138 : memref<80x128xf32, #tpu.memory_space<vmem>>) target(%dma_start3A_134 : memref<80x128xf32, #tpu.memory_space<vmem_shared>>) target_semaphore(%run_scoped3A_126 : memref<!tpu.dma_semaphore, #tpu.memory_space<semaphore_mem>>)
      %dma_wait3A_139 = arith.constant 0 : i32
      %dma_wait3A_140 = arith.constant 0 : i32
      %dma_wait3A_141 = tpu.memref_slice %arg8[%run_scoped3A_22, %dma_wait3A_139, %dma_wait3A_140] : memref<2x80x128xf32, #tpu.memory_space<vmem>> -> memref<1x80x128xf32, #tpu.memory_space<vmem>>
      %dma_wait3A_142 = tpu.memref_squeeze %dma_wait3A_141 : memref<1x80x128xf32, #tpu.memory_space<vmem>> -> memref<80x128xf32, #tpu.memory_space<vmem>>
      %dma_wait3A_143 = arith.constant 0 : i32
      %dma_wait3A_144 = tpu.memref_slice %arg9[%add3A_21, %dma_wait3A_143] : memref<10240x128xf32, #tpu.memory_space<vmem_shared>> -> memref<80x128xf32, #tpu.memory_space<vmem_shared>>
      %dma_wait3A_145 = arith.constant 0 : i32
      %dma_wait3A_146 = tpu.memref_slice %arg9[%add3A_21, %dma_wait3A_145] : memref<10240x128xf32, #tpu.memory_space<vmem_shared>> -> memref<80x128xf32, #tpu.memory_space<vmem_shared>>
      %dma_wait3A_147 = arith.constant 0 : i32
      %dma_wait3A_148 = arith.constant 0 : i32
      %dma_wait3A_149 = tpu.memref_slice %arg8[%run_scoped3A_22, %dma_wait3A_147, %dma_wait3A_148] : memref<2x80x128xf32, #tpu.memory_space<vmem>> -> memref<1x80x128xf32, #tpu.memory_space<vmem>>
      %dma_wait3A_150 = tpu.memref_squeeze %dma_wait3A_149 : memref<1x80x128xf32, #tpu.memory_space<vmem>> -> memref<80x128xf32, #tpu.memory_space<vmem>>
      tpu.wait_dma2 semaphore(%run_scoped3A_126 : memref<!tpu.dma_semaphore, #tpu.memory_space<semaphore_mem>>) src(%dma_wait3A_150 : memref<80x128xf32, #tpu.memory_space<vmem>>) dst(%dma_wait3A_146 : memref<80x128xf32, #tpu.memory_space<vmem_shared>>)
      tpu.yield
    }) : () -> ()
    %add3A_23 = arith.constant 400 : i32
    %add3A_24 = arith.addi %mul3A_8, %add3A_23 : i32
    %run_scoped3A_25 = arith.constant 0 : i32
    "tpu.region"() ({
      %run_scoped3A_126 = tpu.sem_alloc : memref<!tpu.dma_semaphore, #tpu.memory_space<semaphore_mem>>
      %dma_start3A_127 = arith.constant 0 : i32
      %dma_start3A_128 = arith.constant 0 : i32
      %dma_start3A_129 = tpu.memref_slice %arg8[%run_scoped3A_25, %dma_start3A_127, %dma_start3A_128] : memref<2x80x128xf32, #tpu.memory_space<vmem>> -> memref<1x80x128xf32, #tpu.memory_space<vmem>>
      %dma_start3A_130 = tpu.memref_squeeze %dma_start3A_129 : memref<1x80x128xf32, #tpu.memory_space<vmem>> -> memref<80x128xf32, #tpu.memory_space<vmem>>
      %dma_start3A_131 = arith.constant 0 : i32
      %dma_start3A_132 = tpu.memref_slice %arg9[%add3A_24, %dma_start3A_131] : memref<10240x128xf32, #tpu.memory_space<vmem_shared>> -> memref<80x128xf32, #tpu.memory_space<vmem_shared>>
      %dma_start3A_133 = arith.constant 0 : i32
      %dma_start3A_134 = tpu.memref_slice %arg9[%add3A_24, %dma_start3A_133] : memref<10240x128xf32, #tpu.memory_space<vmem_shared>> -> memref<80x128xf32, #tpu.memory_space<vmem_shared>>
      %dma_start3A_135 = arith.constant 0 : i32
      %dma_start3A_136 = arith.constant 0 : i32
      %dma_start3A_137 = tpu.memref_slice %arg8[%run_scoped3A_25, %dma_start3A_135, %dma_start3A_136] : memref<2x80x128xf32, #tpu.memory_space<vmem>> -> memref<1x80x128xf32, #tpu.memory_space<vmem>>
      %dma_start3A_138 = tpu.memref_squeeze %dma_start3A_137 : memref<1x80x128xf32, #tpu.memory_space<vmem>> -> memref<80x128xf32, #tpu.memory_space<vmem>>
      tpu.enqueue_dma source(%dma_start3A_138 : memref<80x128xf32, #tpu.memory_space<vmem>>) target(%dma_start3A_134 : memref<80x128xf32, #tpu.memory_space<vmem_shared>>) target_semaphore(%run_scoped3A_126 : memref<!tpu.dma_semaphore, #tpu.memory_space<semaphore_mem>>)
      %dma_wait3A_139 = arith.constant 0 : i32
      %dma_wait3A_140 = arith.constant 0 : i32
      %dma_wait3A_141 = tpu.memref_slice %arg8[%run_scoped3A_25, %dma_wait3A_139, %dma_wait3A_140] : memref<2x80x128xf32, #tpu.memory_space<vmem>> -> memref<1x80x128xf32, #tpu.memory_space<vmem>>
      %dma_wait3A_142 = tpu.memref_squeeze %dma_wait3A_141 : memref<1x80x128xf32, #tpu.memory_space<vmem>> -> memref<80x128xf32, #tpu.memory_space<vmem>>
      %dma_wait3A_143 = arith.constant 0 : i32
      %dma_wait3A_144 = tpu.memref_slice %arg9[%add3A_24, %dma_wait3A_143] : memref<10240x128xf32, #tpu.memory_space<vmem_shared>> -> memref<80x128xf32, #tpu.memory_space<vmem_shared>>
      %dma_wait3A_145 = arith.constant 0 : i32
      %dma_wait3A_146 = tpu.memref_slice %arg9[%add3A_24, %dma_wait3A_145] : memref<10240x128xf32, #tpu.memory_space<vmem_shared>> -> memref<80x128xf32, #tpu.memory_space<vmem_shared>>
      %dma_wait3A_147 = arith.constant 0 : i32
      %dma_wait3A_148 = arith.constant 0 : i32
      %dma_wait3A_149 = tpu.memref_slice %arg8[%run_scoped3A_25, %dma_wait3A_147, %dma_wait3A_148] : memref<2x80x128xf32, #tpu.memory_space<vmem>> -> memref<1x80x128xf32, #tpu.memory_space<vmem>>
      %dma_wait3A_150 = tpu.memref_squeeze %dma_wait3A_149 : memref<1x80x128xf32, #tpu.memory_space<vmem>> -> memref<80x128xf32, #tpu.memory_space<vmem>>
      tpu.wait_dma2 semaphore(%run_scoped3A_126 : memref<!tpu.dma_semaphore, #tpu.memory_space<semaphore_mem>>) src(%dma_wait3A_150 : memref<80x128xf32, #tpu.memory_space<vmem>>) dst(%dma_wait3A_146 : memref<80x128xf32, #tpu.memory_space<vmem_shared>>)
      tpu.yield
    }) : () -> ()
    %add3A_26 = arith.constant 480 : i32
    %add3A_27 = arith.addi %mul3A_8, %add3A_26 : i32
    %run_scoped3A_28 = arith.constant 0 : i32
    "tpu.region"() ({
      %run_scoped3A_126 = tpu.sem_alloc : memref<!tpu.dma_semaphore, #tpu.memory_space<semaphore_mem>>
      %dma_start3A_127 = arith.constant 0 : i32
      %dma_start3A_128 = arith.constant 0 : i32
      %dma_start3A_129 = tpu.memref_slice %arg8[%run_scoped3A_28, %dma_start3A_127, %dma_start3A_128] : memref<2x80x128xf32, #tpu.memory_space<vmem>> -> memref<1x80x128xf32, #tpu.memory_space<vmem>>
      %dma_start3A_130 = tpu.memref_squeeze %dma_start3A_129 : memref<1x80x128xf32, #tpu.memory_space<vmem>> -> memref<80x128xf32, #tpu.memory_space<vmem>>
      %dma_start3A_131 = arith.constant 0 : i32
      %dma_start3A_132 = tpu.memref_slice %arg9[%add3A_27, %dma_start3A_131] : memref<10240x128xf32, #tpu.memory_space<vmem_shared>> -> memref<80x128xf32, #tpu.memory_space<vmem_shared>>
      %dma_start3A_133 = arith.constant 0 : i32
      %dma_start3A_134 = tpu.memref_slice %arg9[%add3A_27, %dma_start3A_133] : memref<10240x128xf32, #tpu.memory_space<vmem_shared>> -> memref<80x128xf32, #tpu.memory_space<vmem_shared>>
      %dma_start3A_135 = arith.constant 0 : i32
      %dma_start3A_136 = arith.constant 0 : i32
      %dma_start3A_137 = tpu.memref_slice %arg8[%run_scoped3A_28, %dma_start3A_135, %dma_start3A_136] : memref<2x80x128xf32, #tpu.memory_space<vmem>> -> memref<1x80x128xf32, #tpu.memory_space<vmem>>
      %dma_start3A_138 = tpu.memref_squeeze %dma_start3A_137 : memref<1x80x128xf32, #tpu.memory_space<vmem>> -> memref<80x128xf32, #tpu.memory_space<vmem>>
      tpu.enqueue_dma source(%dma_start3A_138 : memref<80x128xf32, #tpu.memory_space<vmem>>) target(%dma_start3A_134 : memref<80x128xf32, #tpu.memory_space<vmem_shared>>) target_semaphore(%run_scoped3A_126 : memref<!tpu.dma_semaphore, #tpu.memory_space<semaphore_mem>>)
      %dma_wait3A_139 = arith.constant 0 : i32
      %dma_wait3A_140 = arith.constant 0 : i32
      %dma_wait3A_141 = tpu.memref_slice %arg8[%run_scoped3A_28, %dma_wait3A_139, %dma_wait3A_140] : memref<2x80x128xf32, #tpu.memory_space<vmem>> -> memref<1x80x128xf32, #tpu.memory_space<vmem>>
      %dma_wait3A_142 = tpu.memref_squeeze %dma_wait3A_141 : memref<1x80x128xf32, #tpu.memory_space<vmem>> -> memref<80x128xf32, #tpu.memory_space<vmem>>
      %dma_wait3A_143 = arith.constant 0 : i32
      %dma_wait3A_144 = tpu.memref_slice %arg9[%add3A_27, %dma_wait3A_143] : memref<10240x128xf32, #tpu.memory_space<vmem_shared>> -> memref<80x128xf32, #tpu.memory_space<vmem_shared>>
      %dma_wait3A_145 = arith.constant 0 : i32
      %dma_wait3A_146 = tpu.memref_slice %arg9[%add3A_27, %dma_wait3A_145] : memref<10240x128xf32, #tpu.memory_space<vmem_shared>> -> memref<80x128xf32, #tpu.memory_space<vmem_shared>>
      %dma_wait3A_147 = arith.constant 0 : i32
      %dma_wait3A_148 = arith.constant 0 : i32
      %dma_wait3A_149 = tpu.memref_slice %arg8[%run_scoped3A_28, %dma_wait3A_147, %dma_wait3A_148] : memref<2x80x128xf32, #tpu.memory_space<vmem>> -> memref<1x80x128xf32, #tpu.memory_space<vmem>>
      %dma_wait3A_150 = tpu.memref_squeeze %dma_wait3A_149 : memref<1x80x128xf32, #tpu.memory_space<vmem>> -> memref<80x128xf32, #tpu.memory_space<vmem>>
      tpu.wait_dma2 semaphore(%run_scoped3A_126 : memref<!tpu.dma_semaphore, #tpu.memory_space<semaphore_mem>>) src(%dma_wait3A_150 : memref<80x128xf32, #tpu.memory_space<vmem>>) dst(%dma_wait3A_146 : memref<80x128xf32, #tpu.memory_space<vmem_shared>>)
      tpu.yield
    }) : () -> ()
    %add3A_29 = arith.constant 560 : i32
    %add3A_30 = arith.addi %mul3A_8, %add3A_29 : i32
    %run_scoped3A_31 = arith.constant 0 : i32
    "tpu.region"() ({
      %run_scoped3A_126 = tpu.sem_alloc : memref<!tpu.dma_semaphore, #tpu.memory_space<semaphore_mem>>
      %dma_start3A_127 = arith.constant 0 : i32
      %dma_start3A_128 = arith.constant 0 : i32
      %dma_start3A_129 = tpu.memref_slice %arg8[%run_scoped3A_31, %dma_start3A_127, %dma_start3A_128] : memref<2x80x128xf32, #tpu.memory_space<vmem>> -> memref<1x80x128xf32, #tpu.memory_space<vmem>>
      %dma_start3A_130 = tpu.memref_squeeze %dma_start3A_129 : memref<1x80x128xf32, #tpu.memory_space<vmem>> -> memref<80x128xf32, #tpu.memory_space<vmem>>
      %dma_start3A_131 = arith.constant 0 : i32
      %dma_start3A_132 = tpu.memref_slice %arg9[%add3A_30, %dma_start3A_131] : memref<10240x128xf32, #tpu.memory_space<vmem_shared>> -> memref<80x128xf32, #tpu.memory_space<vmem_shared>>
      %dma_start3A_133 = arith.constant 0 : i32
      %dma_start3A_134 = tpu.memref_slice %arg9[%add3A_30, %dma_start3A_133] : memref<10240x128xf32, #tpu.memory_space<vmem_shared>> -> memref<80x128xf32, #tpu.memory_space<vmem_shared>>
      %dma_start3A_135 = arith.constant 0 : i32
      %dma_start3A_136 = arith.constant 0 : i32
      %dma_start3A_137 = tpu.memref_slice %arg8[%run_scoped3A_31, %dma_start3A_135, %dma_start3A_136] : memref<2x80x128xf32, #tpu.memory_space<vmem>> -> memref<1x80x128xf32, #tpu.memory_space<vmem>>
      %dma_start3A_138 = tpu.memref_squeeze %dma_start3A_137 : memref<1x80x128xf32, #tpu.memory_space<vmem>> -> memref<80x128xf32, #tpu.memory_space<vmem>>
      tpu.enqueue_dma source(%dma_start3A_138 : memref<80x128xf32, #tpu.memory_space<vmem>>) target(%dma_start3A_134 : memref<80x128xf32, #tpu.memory_space<vmem_shared>>) target_semaphore(%run_scoped3A_126 : memref<!tpu.dma_semaphore, #tpu.memory_space<semaphore_mem>>)
      %dma_wait3A_139 = arith.constant 0 : i32
      %dma_wait3A_140 = arith.constant 0 : i32
      %dma_wait3A_141 = tpu.memref_slice %arg8[%run_scoped3A_31, %dma_wait3A_139, %dma_wait3A_140] : memref<2x80x128xf32, #tpu.memory_space<vmem>> -> memref<1x80x128xf32, #tpu.memory_space<vmem>>
      %dma_wait3A_142 = tpu.memref_squeeze %dma_wait3A_141 : memref<1x80x128xf32, #tpu.memory_space<vmem>> -> memref<80x128xf32, #tpu.memory_space<vmem>>
      %dma_wait3A_143 = arith.constant 0 : i32
      %dma_wait3A_144 = tpu.memref_slice %arg9[%add3A_30, %dma_wait3A_143] : memref<10240x128xf32, #tpu.memory_space<vmem_shared>> -> memref<80x128xf32, #tpu.memory_space<vmem_shared>>
      %dma_wait3A_145 = arith.constant 0 : i32
      %dma_wait3A_146 = tpu.memref_slice %arg9[%add3A_30, %dma_wait3A_145] : memref<10240x128xf32, #tpu.memory_space<vmem_shared>> -> memref<80x128xf32, #tpu.memory_space<vmem_shared>>
      %dma_wait3A_147 = arith.constant 0 : i32
      %dma_wait3A_148 = arith.constant 0 : i32
      %dma_wait3A_149 = tpu.memref_slice %arg8[%run_scoped3A_31, %dma_wait3A_147, %dma_wait3A_148] : memref<2x80x128xf32, #tpu.memory_space<vmem>> -> memref<1x80x128xf32, #tpu.memory_space<vmem>>
      %dma_wait3A_150 = tpu.memref_squeeze %dma_wait3A_149 : memref<1x80x128xf32, #tpu.memory_space<vmem>> -> memref<80x128xf32, #tpu.memory_space<vmem>>
      tpu.wait_dma2 semaphore(%run_scoped3A_126 : memref<!tpu.dma_semaphore, #tpu.memory_space<semaphore_mem>>) src(%dma_wait3A_150 : memref<80x128xf32, #tpu.memory_space<vmem>>) dst(%dma_wait3A_146 : memref<80x128xf32, #tpu.memory_space<vmem_shared>>)
      tpu.yield
    }) : () -> ()
    %multiple_of3A = arith.constant 0 : i32
    %multiple_of3A_32 = tpu.assume_multiple %multiple_of3A, 8 : i32
    %dma_start3A = arith.constant 0 : i32
    %dma_start3A_33 = arith.constant 0 : i32
    %dma_start3A_34 = arith.constant 0 : i32
    %dma_start3A_35 = arith.constant 0 : i32
    %dma_start3A_36 = tpu.memref_slice %arg8[%dma_start3A, %dma_start3A_34, %dma_start3A_35] : memref<2x80x128xf32, #tpu.memory_space<vmem>> -> memref<1x80x128xf32, #tpu.memory_space<vmem>>
    %dma_start3A_37 = tpu.memref_squeeze %dma_start3A_36 : memref<1x80x128xf32, #tpu.memory_space<vmem>> -> memref<80x128xf32, #tpu.memory_space<vmem>>
    %dma_start3A_38 = tpu.memref_slice %arg6[%multiple_of3A_32] : memref<10000xi32, #tpu.memory_space<vmem>> -> memref<80xi32, #tpu.memory_space<vmem>>
    %dma_start3A_39 = arith.constant 0 : i32
    %dma_start3A_40 = arith.constant 0 : i32
    %dma_start3A_41 = tpu.memref_slice %arg2[%dma_start3A_39, %dma_start3A_40] : memref<10240x128xf32, #tpu.memory_space<hbm>> -> memref<10240x128xf32, #tpu.memory_space<hbm>>
    %dma_start3A_42 = tpu.memref_slice %arg10[%dma_start3A_33] : memref<2x!tpu.dma_semaphore, #tpu.memory_space<semaphore_mem>> -> memref<1x!tpu.dma_semaphore, #tpu.memory_space<semaphore_mem>>
    %dma_start3A_43 = tpu.memref_squeeze %dma_start3A_42 : memref<1x!tpu.dma_semaphore, #tpu.memory_space<semaphore_mem>> -> memref<!tpu.dma_semaphore, #tpu.memory_space<semaphore_mem>>
    tpu.enqueue_indirect_dma source(%dma_start3A_41 : memref<10240x128xf32, #tpu.memory_space<hbm>>) target(%dma_start3A_37 : memref<80x128xf32, #tpu.memory_space<vmem>>) offsets(%dma_start3A_38 : memref<80xi32, #tpu.memory_space<vmem>>) semaphore(%dma_start3A_43 : memref<!tpu.dma_semaphore, #tpu.memory_space<semaphore_mem>>)
    %multiple_of3A_44 = arith.constant 80 : i32
    %multiple_of3A_45 = tpu.assume_multiple %multiple_of3A_44, 8 : i32
    %dma_start3A_46 = arith.constant 1 : i32
    %dma_start3A_47 = arith.constant 1 : i32
    %dma_start3A_48 = arith.constant 0 : i32
    %dma_start3A_49 = arith.constant 0 : i32
    %dma_start3A_50 = tpu.memref_slice %arg8[%dma_start3A_46, %dma_start3A_48, %dma_start3A_49] : memref<2x80x128xf32, #tpu.memory_space<vmem>> -> memref<1x80x128xf32, #tpu.memory_space<vmem>>
    %dma_start3A_51 = tpu.memref_squeeze %dma_start3A_50 : memref<1x80x128xf32, #tpu.memory_space<vmem>> -> memref<80x128xf32, #tpu.memory_space<vmem>>
    %dma_start3A_52 = tpu.memref_slice %arg6[%multiple_of3A_45] : memref<10000xi32, #tpu.memory_space<vmem>> -> memref<80xi32, #tpu.memory_space<vmem>>
    %dma_start3A_53 = arith.constant 0 : i32
    %dma_start3A_54 = arith.constant 0 : i32
    %dma_start3A_55 = tpu.memref_slice %arg2[%dma_start3A_53, %dma_start3A_54] : memref<10240x128xf32, #tpu.memory_space<hbm>> -> memref<10240x128xf32, #tpu.memory_space<hbm>>
    %dma_start3A_56 = tpu.memref_slice %arg10[%dma_start3A_47] : memref<2x!tpu.dma_semaphore, #tpu.memory_space<semaphore_mem>> -> memref<1x!tpu.dma_semaphore, #tpu.memory_space<semaphore_mem>>
    %dma_start3A_57 = tpu.memref_squeeze %dma_start3A_56 : memref<1x!tpu.dma_semaphore, #tpu.memory_space<semaphore_mem>> -> memref<!tpu.dma_semaphore, #tpu.memory_space<semaphore_mem>>
    tpu.enqueue_indirect_dma source(%dma_start3A_55 : memref<10240x128xf32, #tpu.memory_space<hbm>>) target(%dma_start3A_51 : memref<80x128xf32, #tpu.memory_space<vmem>>) offsets(%dma_start3A_52 : memref<80xi32, #tpu.memory_space<vmem>>) semaphore(%dma_start3A_57 : memref<!tpu.dma_semaphore, #tpu.memory_space<semaphore_mem>>)
    %barrier3A = arith.constant 0 : index
    tpu.barrier barrier_id(%barrier3A)
    %scan3A_58 = arith.constant 0 : i32
    %scan3A_59 = arith.constant 0 : i32
    %scan3A_60 = arith.constant 61 : i32
    %scan3A_61 = arith.addi %scan3A_59, %scan3A_60 : i32
    %scan3A_62 = arith.constant 1 : i32
    scf.for %scan3A_126 = %scan3A_59 to %scan3A_61 step %scan3A_62  : i32 {
      %mul3A_127 = arith.constant 2 : i32
      %mul3A_128 = arith.muli %scan3A_126, %mul3A_127 : i32
      %add3A_129 = arith.constant 0 : i32
      %add3A_130 = arith.addi %mul3A_128, %add3A_129 : i32
      %mul3A_131 = arith.constant 80 : i32
      %mul3A_132 = arith.muli %add3A_130, %mul3A_131 : i32
      %multiple_of3A_133 = tpu.assume_multiple %mul3A_132, 8 : i32
      %dma_wait3A_134 = arith.constant 0 : i32
      %dma_wait3A_135 = arith.constant 0 : i32
      %dma_wait3A_136 = arith.constant 0 : i32
      %dma_wait3A_137 = arith.constant 0 : i32
      %dma_wait3A_138 = tpu.memref_slice %arg8[%dma_wait3A_134, %dma_wait3A_136, %dma_wait3A_137] : memref<2x80x128xf32, #tpu.memory_space<vmem>> -> memref<1x80x128xf32, #tpu.memory_space<vmem>>
      %dma_wait3A_139 = tpu.memref_squeeze %dma_wait3A_138 : memref<1x80x128xf32, #tpu.memory_space<vmem>> -> memref<80x128xf32, #tpu.memory_space<vmem>>
      %dma_wait3A_140 = tpu.memref_slice %arg6[%multiple_of3A_133] : memref<10000xi32, #tpu.memory_space<vmem>> -> memref<80xi32, #tpu.memory_space<vmem>>
      %dma_wait3A_141 = arith.constant 0 : i32
      %dma_wait3A_142 = arith.constant 0 : i32
      %dma_wait3A_143 = tpu.memref_slice %arg2[%dma_wait3A_141, %dma_wait3A_142] : memref<10240x128xf32, #tpu.memory_space<hbm>> -> memref<10240x128xf32, #tpu.memory_space<hbm>>
      %dma_wait3A_144 = tpu.memref_slice %arg10[%dma_wait3A_135] : memref<2x!tpu.dma_semaphore, #tpu.memory_space<semaphore_mem>> -> memref<1x!tpu.dma_semaphore, #tpu.memory_space<semaphore_mem>>
      %dma_wait3A_145 = tpu.memref_squeeze %dma_wait3A_144 : memref<1x!tpu.dma_semaphore, #tpu.memory_space<semaphore_mem>> -> memref<!tpu.dma_semaphore, #tpu.memory_space<semaphore_mem>>
      tpu.wait_indirect_dma semaphore(%dma_wait3A_145 : memref<!tpu.dma_semaphore, #tpu.memory_space<semaphore_mem>>) src(%dma_wait3A_143 : memref<10240x128xf32, #tpu.memory_space<hbm>>) dst(%dma_wait3A_139 : memref<80x128xf32, #tpu.memory_space<vmem>>)
      %run_scoped3A_146 = arith.constant 0 : i32
      "tpu.region"() ({
        %run_scoped3A_201 = tpu.sem_alloc : memref<!tpu.dma_semaphore, #tpu.memory_space<semaphore_mem>>
        %dma_start3A_202 = arith.constant 0 : i32
        %dma_start3A_203 = arith.constant 0 : i32
        %dma_start3A_204 = tpu.memref_slice %arg8[%run_scoped3A_146, %dma_start3A_202, %dma_start3A_203] : memref<2x80x128xf32, #tpu.memory_space<vmem>> -> memref<1x80x128xf32, #tpu.memory_space<vmem>>
        %dma_start3A_205 = tpu.memref_squeeze %dma_start3A_204 : memref<1x80x128xf32, #tpu.memory_space<vmem>> -> memref<80x128xf32, #tpu.memory_space<vmem>>
        %dma_start3A_206 = arith.constant 0 : i32
        %dma_start3A_207 = tpu.memref_slice %arg7[%add3A_130, %dma_start3A_206] : memref<125x80xi32, #tpu.memory_space<vmem>> -> memref<1x80xi32, #tpu.memory_space<vmem>>
        %dma_start3A_208 = tpu.memref_squeeze %dma_start3A_207 : memref<1x80xi32, #tpu.memory_space<vmem>> -> memref<80xi32, #tpu.memory_space<vmem>>
        %dma_start3A_209 = arith.constant 0 : i32
        %dma_start3A_210 = arith.constant 0 : i32
        %dma_start3A_211 = tpu.memref_slice %arg9[%dma_start3A_209, %dma_start3A_210] : memref<10240x128xf32, #tpu.memory_space<vmem_shared>> -> memref<10240x128xf32, #tpu.memory_space<vmem_shared>>
        tpu.enqueue_indirect_dma source(%dma_start3A_205 : memref<80x128xf32, #tpu.memory_space<vmem>>) target(%dma_start3A_211 : memref<10240x128xf32, #tpu.memory_space<vmem_shared>>) offsets(%dma_start3A_208 : memref<80xi32, #tpu.memory_space<vmem>>) semaphore(%run_scoped3A_201 : memref<!tpu.dma_semaphore, #tpu.memory_space<semaphore_mem>>) {add = true}
        %dma_wait3A_212 = arith.constant 0 : i32
        %dma_wait3A_213 = arith.constant 0 : i32
        %dma_wait3A_214 = tpu.memref_slice %arg8[%run_scoped3A_146, %dma_wait3A_212, %dma_wait3A_213] : memref<2x80x128xf32, #tpu.memory_space<vmem>> -> memref<1x80x128xf32, #tpu.memory_space<vmem>>
        %dma_wait3A_215 = tpu.memref_squeeze %dma_wait3A_214 : memref<1x80x128xf32, #tpu.memory_space<vmem>> -> memref<80x128xf32, #tpu.memory_space<vmem>>
        %dma_wait3A_216 = arith.constant 0 : i32
        %dma_wait3A_217 = tpu.memref_slice %arg7[%add3A_130, %dma_wait3A_216] : memref<125x80xi32, #tpu.memory_space<vmem>> -> memref<1x80xi32, #tpu.memory_space<vmem>>
        %dma_wait3A_218 = tpu.memref_squeeze %dma_wait3A_217 : memref<1x80xi32, #tpu.memory_space<vmem>> -> memref<80xi32, #tpu.memory_space<vmem>>
        %dma_wait3A_219 = arith.constant 0 : i32
        %dma_wait3A_220 = arith.constant 0 : i32
        %dma_wait3A_221 = tpu.memref_slice %arg9[%dma_wait3A_219, %dma_wait3A_220] : memref<10240x128xf32, #tpu.memory_space<vmem_shared>> -> memref<10240x128xf32, #tpu.memory_space<vmem_shared>>
        tpu.wait_indirect_dma semaphore(%run_scoped3A_201 : memref<!tpu.dma_semaphore, #tpu.memory_space<semaphore_mem>>) src(%dma_wait3A_215 : memref<80x128xf32, #tpu.memory_space<vmem>>) dst(%dma_wait3A_221 : memref<10240x128xf32, #tpu.memory_space<vmem_shared>>)
        tpu.yield
      }) : () -> ()
      %add3A_147 = arith.constant 2 : i32
      %add3A_148 = arith.addi %add3A_130, %add3A_147 : i32
      %mul3A_149 = arith.constant 80 : i32
      %mul3A_150 = arith.muli %add3A_148, %mul3A_149 : i32
      %multiple_of3A_151 = tpu.assume_multiple %mul3A_150, 8 : i32
      %dma_start3A_152 = arith.constant 0 : i32
      %dma_start3A_153 = arith.constant 0 : i32
      %dma_start3A_154 = arith.constant 0 : i32
      %dma_start3A_155 = arith.constant 0 : i32
      %dma_start3A_156 = tpu.memref_slice %arg8[%dma_start3A_152, %dma_start3A_154, %dma_start3A_155] : memref<2x80x128xf32, #tpu.memory_space<vmem>> -> memref<1x80x128xf32, #tpu.memory_space<vmem>>
      %dma_start3A_157 = tpu.memref_squeeze %dma_start3A_156 : memref<1x80x128xf32, #tpu.memory_space<vmem>> -> memref<80x128xf32, #tpu.memory_space<vmem>>
      %dma_start3A_158 = tpu.memref_slice %arg6[%multiple_of3A_151] : memref<10000xi32, #tpu.memory_space<vmem>> -> memref<80xi32, #tpu.memory_space<vmem>>
      %dma_start3A_159 = arith.constant 0 : i32
      %dma_start3A_160 = arith.constant 0 : i32
      %dma_start3A_161 = tpu.memref_slice %arg2[%dma_start3A_159, %dma_start3A_160] : memref<10240x128xf32, #tpu.memory_space<hbm>> -> memref<10240x128xf32, #tpu.memory_space<hbm>>
      %dma_start3A_162 = tpu.memref_slice %arg10[%dma_start3A_153] : memref<2x!tpu.dma_semaphore, #tpu.memory_space<semaphore_mem>> -> memref<1x!tpu.dma_semaphore, #tpu.memory_space<semaphore_mem>>
      %dma_start3A_163 = tpu.memref_squeeze %dma_start3A_162 : memref<1x!tpu.dma_semaphore, #tpu.memory_space<semaphore_mem>> -> memref<!tpu.dma_semaphore, #tpu.memory_space<semaphore_mem>>
      tpu.enqueue_indirect_dma source(%dma_start3A_161 : memref<10240x128xf32, #tpu.memory_space<hbm>>) target(%dma_start3A_157 : memref<80x128xf32, #tpu.memory_space<vmem>>) offsets(%dma_start3A_158 : memref<80xi32, #tpu.memory_space<vmem>>) semaphore(%dma_start3A_163 : memref<!tpu.dma_semaphore, #tpu.memory_space<semaphore_mem>>)
      %mul3A_164 = arith.constant 2 : i32
      %mul3A_165 = arith.muli %scan3A_126, %mul3A_164 : i32
      %add3A_166 = arith.constant 1 : i32
      %add3A_167 = arith.addi %mul3A_165, %add3A_166 : i32
      %mul3A_168 = arith.constant 80 : i32
      %mul3A_169 = arith.muli %add3A_167, %mul3A_168 : i32
      %multiple_of3A_170 = tpu.assume_multiple %mul3A_169, 8 : i32
      %dma_wait3A_171 = arith.constant 1 : i32
      %dma_wait3A_172 = arith.constant 1 : i32
      %dma_wait3A_173 = arith.constant 0 : i32
      %dma_wait3A_174 = arith.constant 0 : i32
      %dma_wait3A_175 = tpu.memref_slice %arg8[%dma_wait3A_171, %dma_wait3A_173, %dma_wait3A_174] : memref<2x80x128xf32, #tpu.memory_space<vmem>> -> memref<1x80x128xf32, #tpu.memory_space<vmem>>
      %dma_wait3A_176 = tpu.memref_squeeze %dma_wait3A_175 : memref<1x80x128xf32, #tpu.memory_space<vmem>> -> memref<80x128xf32, #tpu.memory_space<vmem>>
      %dma_wait3A_177 = tpu.memref_slice %arg6[%multiple_of3A_170] : memref<10000xi32, #tpu.memory_space<vmem>> -> memref<80xi32, #tpu.memory_space<vmem>>
      %dma_wait3A_178 = arith.constant 0 : i32
      %dma_wait3A_179 = arith.constant 0 : i32
      %dma_wait3A_180 = tpu.memref_slice %arg2[%dma_wait3A_178, %dma_wait3A_179] : memref<10240x128xf32, #tpu.memory_space<hbm>> -> memref<10240x128xf32, #tpu.memory_space<hbm>>
      %dma_wait3A_181 = tpu.memref_slice %arg10[%dma_wait3A_172] : memref<2x!tpu.dma_semaphore, #tpu.memory_space<semaphore_mem>> -> memref<1x!tpu.dma_semaphore, #tpu.memory_space<semaphore_mem>>
      %dma_wait3A_182 = tpu.memref_squeeze %dma_wait3A_181 : memref<1x!tpu.dma_semaphore, #tpu.memory_space<semaphore_mem>> -> memref<!tpu.dma_semaphore, #tpu.memory_space<semaphore_mem>>
      tpu.wait_indirect_dma semaphore(%dma_wait3A_182 : memref<!tpu.dma_semaphore, #tpu.memory_space<semaphore_mem>>) src(%dma_wait3A_180 : memref<10240x128xf32, #tpu.memory_space<hbm>>) dst(%dma_wait3A_176 : memref<80x128xf32, #tpu.memory_space<vmem>>)
      %run_scoped3A_183 = arith.constant 1 : i32
      "tpu.region"() ({
        %run_scoped3A_201 = tpu.sem_alloc : memref<!tpu.dma_semaphore, #tpu.memory_space<semaphore_mem>>
        %dma_start3A_202 = arith.constant 0 : i32
        %dma_start3A_203 = arith.constant 0 : i32
        %dma_start3A_204 = tpu.memref_slice %arg8[%run_scoped3A_183, %dma_start3A_202, %dma_start3A_203] : memref<2x80x128xf32, #tpu.memory_space<vmem>> -> memref<1x80x128xf32, #tpu.memory_space<vmem>>
        %dma_start3A_205 = tpu.memref_squeeze %dma_start3A_204 : memref<1x80x128xf32, #tpu.memory_space<vmem>> -> memref<80x128xf32, #tpu.memory_space<vmem>>
        %dma_start3A_206 = arith.constant 0 : i32
        %dma_start3A_207 = tpu.memref_slice %arg7[%add3A_167, %dma_start3A_206] : memref<125x80xi32, #tpu.memory_space<vmem>> -> memref<1x80xi32, #tpu.memory_space<vmem>>
        %dma_start3A_208 = tpu.memref_squeeze %dma_start3A_207 : memref<1x80xi32, #tpu.memory_space<vmem>> -> memref<80xi32, #tpu.memory_space<vmem>>
        %dma_start3A_209 = arith.constant 0 : i32
        %dma_start3A_210 = arith.constant 0 : i32
        %dma_start3A_211 = tpu.memref_slice %arg9[%dma_start3A_209, %dma_start3A_210] : memref<10240x128xf32, #tpu.memory_space<vmem_shared>> -> memref<10240x128xf32, #tpu.memory_space<vmem_shared>>
        tpu.enqueue_indirect_dma source(%dma_start3A_205 : memref<80x128xf32, #tpu.memory_space<vmem>>) target(%dma_start3A_211 : memref<10240x128xf32, #tpu.memory_space<vmem_shared>>) offsets(%dma_start3A_208 : memref<80xi32, #tpu.memory_space<vmem>>) semaphore(%run_scoped3A_201 : memref<!tpu.dma_semaphore, #tpu.memory_space<semaphore_mem>>) {add = true}
        %dma_wait3A_212 = arith.constant 0 : i32
        %dma_wait3A_213 = arith.constant 0 : i32
        %dma_wait3A_214 = tpu.memref_slice %arg8[%run_scoped3A_183, %dma_wait3A_212, %dma_wait3A_213] : memref<2x80x128xf32, #tpu.memory_space<vmem>> -> memref<1x80x128xf32, #tpu.memory_space<vmem>>
        %dma_wait3A_215 = tpu.memref_squeeze %dma_wait3A_214 : memref<1x80x128xf32, #tpu.memory_space<vmem>> -> memref<80x128xf32, #tpu.memory_space<vmem>>
        %dma_wait3A_216 = arith.constant 0 : i32
        %dma_wait3A_217 = tpu.memref_slice %arg7[%add3A_167, %dma_wait3A_216] : memref<125x80xi32, #tpu.memory_space<vmem>> -> memref<1x80xi32, #tpu.memory_space<vmem>>
        %dma_wait3A_218 = tpu.memref_squeeze %dma_wait3A_217 : memref<1x80xi32, #tpu.memory_space<vmem>> -> memref<80xi32, #tpu.memory_space<vmem>>
        %dma_wait3A_219 = arith.constant 0 : i32
        %dma_wait3A_220 = arith.constant 0 : i32
        %dma_wait3A_221 = tpu.memref_slice %arg9[%dma_wait3A_219, %dma_wait3A_220] : memref<10240x128xf32, #tpu.memory_space<vmem_shared>> -> memref<10240x128xf32, #tpu.memory_space<vmem_shared>>
        tpu.wait_indirect_dma semaphore(%run_scoped3A_201 : memref<!tpu.dma_semaphore, #tpu.memory_space<semaphore_mem>>) src(%dma_wait3A_215 : memref<80x128xf32, #tpu.memory_space<vmem>>) dst(%dma_wait3A_221 : memref<10240x128xf32, #tpu.memory_space<vmem_shared>>)
        tpu.yield
      }) : () -> ()
      %add3A_184 = arith.constant 2 : i32
      %add3A_185 = arith.addi %add3A_167, %add3A_184 : i32
      %mul3A_186 = arith.constant 80 : i32
      %mul3A_187 = arith.muli %add3A_185, %mul3A_186 : i32
      %multiple_of3A_188 = tpu.assume_multiple %mul3A_187, 8 : i32
      %dma_start3A_189 = arith.constant 1 : i32
      %dma_start3A_190 = arith.constant 1 : i32
      %dma_start3A_191 = arith.constant 0 : i32
      %dma_start3A_192 = arith.constant 0 : i32
      %dma_start3A_193 = tpu.memref_slice %arg8[%dma_start3A_189, %dma_start3A_191, %dma_start3A_192] : memref<2x80x128xf32, #tpu.memory_space<vmem>> -> memref<1x80x128xf32, #tpu.memory_space<vmem>>
      %dma_start3A_194 = tpu.memref_squeeze %dma_start3A_193 : memref<1x80x128xf32, #tpu.memory_space<vmem>> -> memref<80x128xf32, #tpu.memory_space<vmem>>
      %dma_start3A_195 = tpu.memref_slice %arg6[%multiple_of3A_188] : memref<10000xi32, #tpu.memory_space<vmem>> -> memref<80xi32, #tpu.memory_space<vmem>>
      %dma_start3A_196 = arith.constant 0 : i32
      %dma_start3A_197 = arith.constant 0 : i32
      %dma_start3A_198 = tpu.memref_slice %arg2[%dma_start3A_196, %dma_start3A_197] : memref<10240x128xf32, #tpu.memory_space<hbm>> -> memref<10240x128xf32, #tpu.memory_space<hbm>>
      %dma_start3A_199 = tpu.memref_slice %arg10[%dma_start3A_190] : memref<2x!tpu.dma_semaphore, #tpu.memory_space<semaphore_mem>> -> memref<1x!tpu.dma_semaphore, #tpu.memory_space<semaphore_mem>>
      %dma_start3A_200 = tpu.memref_squeeze %dma_start3A_199 : memref<1x!tpu.dma_semaphore, #tpu.memory_space<semaphore_mem>> -> memref<!tpu.dma_semaphore, #tpu.memory_space<semaphore_mem>>
      tpu.enqueue_indirect_dma source(%dma_start3A_198 : memref<10240x128xf32, #tpu.memory_space<hbm>>) target(%dma_start3A_194 : memref<80x128xf32, #tpu.memory_space<vmem>>) offsets(%dma_start3A_195 : memref<80xi32, #tpu.memory_space<vmem>>) semaphore(%dma_start3A_200 : memref<!tpu.dma_semaphore, #tpu.memory_space<semaphore_mem>>)
    }
    %scan3A_63 = arith.constant 61 : i32
    %multiple_of3A_64 = arith.constant 9760 : i32
    %multiple_of3A_65 = tpu.assume_multiple %multiple_of3A_64, 8 : i32
    %dma_wait3A = arith.constant 0 : i32
    %dma_wait3A_66 = arith.constant 0 : i32
    %dma_wait3A_67 = arith.constant 0 : i32
    %dma_wait3A_68 = arith.constant 0 : i32
    %dma_wait3A_69 = tpu.memref_slice %arg8[%dma_wait3A, %dma_wait3A_67, %dma_wait3A_68] : memref<2x80x128xf32, #tpu.memory_space<vmem>> -> memref<1x80x128xf32, #tpu.memory_space<vmem>>
    %dma_wait3A_70 = tpu.memref_squeeze %dma_wait3A_69 : memref<1x80x128xf32, #tpu.memory_space<vmem>> -> memref<80x128xf32, #tpu.memory_space<vmem>>
    %dma_wait3A_71 = tpu.memref_slice %arg6[%multiple_of3A_65] : memref<10000xi32, #tpu.memory_space<vmem>> -> memref<80xi32, #tpu.memory_space<vmem>>
    %dma_wait3A_72 = arith.constant 0 : i32
    %dma_wait3A_73 = arith.constant 0 : i32
    %dma_wait3A_74 = tpu.memref_slice %arg2[%dma_wait3A_72, %dma_wait3A_73] : memref<10240x128xf32, #tpu.memory_space<hbm>> -> memref<10240x128xf32, #tpu.memory_space<hbm>>
    %dma_wait3A_75 = tpu.memref_slice %arg10[%dma_wait3A_66] : memref<2x!tpu.dma_semaphore, #tpu.memory_space<semaphore_mem>> -> memref<1x!tpu.dma_semaphore, #tpu.memory_space<semaphore_mem>>
    %dma_wait3A_76 = tpu.memref_squeeze %dma_wait3A_75 : memref<1x!tpu.dma_semaphore, #tpu.memory_space<semaphore_mem>> -> memref<!tpu.dma_semaphore, #tpu.memory_space<semaphore_mem>>
    tpu.wait_indirect_dma semaphore(%dma_wait3A_76 : memref<!tpu.dma_semaphore, #tpu.memory_space<semaphore_mem>>) src(%dma_wait3A_74 : memref<10240x128xf32, #tpu.memory_space<hbm>>) dst(%dma_wait3A_70 : memref<80x128xf32, #tpu.memory_space<vmem>>)
    %run_scoped3A_77 = arith.constant 0 : i32
    %run_scoped3A_78 = arith.constant 122 : i32
    "tpu.region"() ({
      %run_scoped3A_126 = tpu.sem_alloc : memref<!tpu.dma_semaphore, #tpu.memory_space<semaphore_mem>>
      %dma_start3A_127 = arith.constant 0 : i32
      %dma_start3A_128 = arith.constant 0 : i32
      %dma_start3A_129 = tpu.memref_slice %arg8[%run_scoped3A_77, %dma_start3A_127, %dma_start3A_128] : memref<2x80x128xf32, #tpu.memory_space<vmem>> -> memref<1x80x128xf32, #tpu.memory_space<vmem>>
      %dma_start3A_130 = tpu.memref_squeeze %dma_start3A_129 : memref<1x80x128xf32, #tpu.memory_space<vmem>> -> memref<80x128xf32, #tpu.memory_space<vmem>>
      %dma_start3A_131 = arith.constant 0 : i32
      %dma_start3A_132 = tpu.memref_slice %arg7[%run_scoped3A_78, %dma_start3A_131] : memref<125x80xi32, #tpu.memory_space<vmem>> -> memref<1x80xi32, #tpu.memory_space<vmem>>
      %dma_start3A_133 = tpu.memref_squeeze %dma_start3A_132 : memref<1x80xi32, #tpu.memory_space<vmem>> -> memref<80xi32, #tpu.memory_space<vmem>>
      %dma_start3A_134 = arith.constant 0 : i32
      %dma_start3A_135 = arith.constant 0 : i32
      %dma_start3A_136 = tpu.memref_slice %arg9[%dma_start3A_134, %dma_start3A_135] : memref<10240x128xf32, #tpu.memory_space<vmem_shared>> -> memref<10240x128xf32, #tpu.memory_space<vmem_shared>>
      tpu.enqueue_indirect_dma source(%dma_start3A_130 : memref<80x128xf32, #tpu.memory_space<vmem>>) target(%dma_start3A_136 : memref<10240x128xf32, #tpu.memory_space<vmem_shared>>) offsets(%dma_start3A_133 : memref<80xi32, #tpu.memory_space<vmem>>) semaphore(%run_scoped3A_126 : memref<!tpu.dma_semaphore, #tpu.memory_space<semaphore_mem>>) {add = true}
      %dma_wait3A_137 = arith.constant 0 : i32
      %dma_wait3A_138 = arith.constant 0 : i32
      %dma_wait3A_139 = tpu.memref_slice %arg8[%run_scoped3A_77, %dma_wait3A_137, %dma_wait3A_138] : memref<2x80x128xf32, #tpu.memory_space<vmem>> -> memref<1x80x128xf32, #tpu.memory_space<vmem>>
      %dma_wait3A_140 = tpu.memref_squeeze %dma_wait3A_139 : memref<1x80x128xf32, #tpu.memory_space<vmem>> -> memref<80x128xf32, #tpu.memory_space<vmem>>
      %dma_wait3A_141 = arith.constant 0 : i32
      %dma_wait3A_142 = tpu.memref_slice %arg7[%run_scoped3A_78, %dma_wait3A_141] : memref<125x80xi32, #tpu.memory_space<vmem>> -> memref<1x80xi32, #tpu.memory_space<vmem>>
      %dma_wait3A_143 = tpu.memref_squeeze %dma_wait3A_142 : memref<1x80xi32, #tpu.memory_space<vmem>> -> memref<80xi32, #tpu.memory_space<vmem>>
      %dma_wait3A_144 = arith.constant 0 : i32
      %dma_wait3A_145 = arith.constant 0 : i32
      %dma_wait3A_146 = tpu.memref_slice %arg9[%dma_wait3A_144, %dma_wait3A_145] : memref<10240x128xf32, #tpu.memory_space<vmem_shared>> -> memref<10240x128xf32, #tpu.memory_space<vmem_shared>>
      tpu.wait_indirect_dma semaphore(%run_scoped3A_126 : memref<!tpu.dma_semaphore, #tpu.memory_space<semaphore_mem>>) src(%dma_wait3A_140 : memref<80x128xf32, #tpu.memory_space<vmem>>) dst(%dma_wait3A_146 : memref<10240x128xf32, #tpu.memory_space<vmem_shared>>)
      tpu.yield
    }) : () -> ()
    %multiple_of3A_79 = arith.constant 9920 : i32
    %multiple_of3A_80 = tpu.assume_multiple %multiple_of3A_79, 8 : i32
    %dma_start3A_81 = arith.constant 0 : i32
    %dma_start3A_82 = arith.constant 0 : i32
    %dma_start3A_83 = arith.constant 0 : i32
    %dma_start3A_84 = arith.constant 0 : i32
    %dma_start3A_85 = tpu.memref_slice %arg8[%dma_start3A_81, %dma_start3A_83, %dma_start3A_84] : memref<2x80x128xf32, #tpu.memory_space<vmem>> -> memref<1x80x128xf32, #tpu.memory_space<vmem>>
    %dma_start3A_86 = tpu.memref_squeeze %dma_start3A_85 : memref<1x80x128xf32, #tpu.memory_space<vmem>> -> memref<80x128xf32, #tpu.memory_space<vmem>>
    %dma_start3A_87 = tpu.memref_slice %arg6[%multiple_of3A_80] : memref<10000xi32, #tpu.memory_space<vmem>> -> memref<80xi32, #tpu.memory_space<vmem>>
    %dma_start3A_88 = arith.constant 0 : i32
    %dma_start3A_89 = arith.constant 0 : i32
    %dma_start3A_90 = tpu.memref_slice %arg2[%dma_start3A_88, %dma_start3A_89] : memref<10240x128xf32, #tpu.memory_space<hbm>> -> memref<10240x128xf32, #tpu.memory_space<hbm>>
    %dma_start3A_91 = tpu.memref_slice %arg10[%dma_start3A_82] : memref<2x!tpu.dma_semaphore, #tpu.memory_space<semaphore_mem>> -> memref<1x!tpu.dma_semaphore, #tpu.memory_space<semaphore_mem>>
    %dma_start3A_92 = tpu.memref_squeeze %dma_start3A_91 : memref<1x!tpu.dma_semaphore, #tpu.memory_space<semaphore_mem>> -> memref<!tpu.dma_semaphore, #tpu.memory_space<semaphore_mem>>
    tpu.enqueue_indirect_dma source(%dma_start3A_90 : memref<10240x128xf32, #tpu.memory_space<hbm>>) target(%dma_start3A_86 : memref<80x128xf32, #tpu.memory_space<vmem>>) offsets(%dma_start3A_87 : memref<80xi32, #tpu.memory_space<vmem>>) semaphore(%dma_start3A_92 : memref<!tpu.dma_semaphore, #tpu.memory_space<semaphore_mem>>)
    %multiple_of3A_93 = arith.constant 9840 : i32
    %multiple_of3A_94 = tpu.assume_multiple %multiple_of3A_93, 8 : i32
    %dma_wait3A_95 = arith.constant 1 : i32
    %dma_wait3A_96 = arith.constant 1 : i32
    %dma_wait3A_97 = arith.constant 0 : i32
    %dma_wait3A_98 = arith.constant 0 : i32
    %dma_wait3A_99 = tpu.memref_slice %arg8[%dma_wait3A_95, %dma_wait3A_97, %dma_wait3A_98] : memref<2x80x128xf32, #tpu.memory_space<vmem>> -> memref<1x80x128xf32, #tpu.memory_space<vmem>>
    %dma_wait3A_100 = tpu.memref_squeeze %dma_wait3A_99 : memref<1x80x128xf32, #tpu.memory_space<vmem>> -> memref<80x128xf32, #tpu.memory_space<vmem>>
    %dma_wait3A_101 = tpu.memref_slice %arg6[%multiple_of3A_94] : memref<10000xi32, #tpu.memory_space<vmem>> -> memref<80xi32, #tpu.memory_space<vmem>>
    %dma_wait3A_102 = arith.constant 0 : i32
    %dma_wait3A_103 = arith.constant 0 : i32
    %dma_wait3A_104 = tpu.memref_slice %arg2[%dma_wait3A_102, %dma_wait3A_103] : memref<10240x128xf32, #tpu.memory_space<hbm>> -> memref<10240x128xf32, #tpu.memory_space<hbm>>
    %dma_wait3A_105 = tpu.memref_slice %arg10[%dma_wait3A_96] : memref<2x!tpu.dma_semaphore, #tpu.memory_space<semaphore_mem>> -> memref<1x!tpu.dma_semaphore, #tpu.memory_space<semaphore_mem>>
    %dma_wait3A_106 = tpu.memref_squeeze %dma_wait3A_105 : memref<1x!tpu.dma_semaphore, #tpu.memory_space<semaphore_mem>> -> memref<!tpu.dma_semaphore, #tpu.memory_space<semaphore_mem>>
    tpu.wait_indirect_dma semaphore(%dma_wait3A_106 : memref<!tpu.dma_semaphore, #tpu.memory_space<semaphore_mem>>) src(%dma_wait3A_104 : memref<10240x128xf32, #tpu.memory_space<hbm>>) dst(%dma_wait3A_100 : memref<80x128xf32, #tpu.memory_space<vmem>>)
    %run_scoped3A_107 = arith.constant 1 : i32
    %run_scoped3A_108 = arith.constant 123 : i32
    "tpu.region"() ({
      %run_scoped3A_126 = tpu.sem_alloc : memref<!tpu.dma_semaphore, #tpu.memory_space<semaphore_mem>>
      %dma_start3A_127 = arith.constant 0 : i32
      %dma_start3A_128 = arith.constant 0 : i32
      %dma_start3A_129 = tpu.memref_slice %arg8[%run_scoped3A_107, %dma_start3A_127, %dma_start3A_128] : memref<2x80x128xf32, #tpu.memory_space<vmem>> -> memref<1x80x128xf32, #tpu.memory_space<vmem>>
      %dma_start3A_130 = tpu.memref_squeeze %dma_start3A_129 : memref<1x80x128xf32, #tpu.memory_space<vmem>> -> memref<80x128xf32, #tpu.memory_space<vmem>>
      %dma_start3A_131 = arith.constant 0 : i32
      %dma_start3A_132 = tpu.memref_slice %arg7[%run_scoped3A_108, %dma_start3A_131] : memref<125x80xi32, #tpu.memory_space<vmem>> -> memref<1x80xi32, #tpu.memory_space<vmem>>
      %dma_start3A_133 = tpu.memref_squeeze %dma_start3A_132 : memref<1x80xi32, #tpu.memory_space<vmem>> -> memref<80xi32, #tpu.memory_space<vmem>>
      %dma_start3A_134 = arith.constant 0 : i32
      %dma_start3A_135 = arith.constant 0 : i32
      %dma_start3A_136 = tpu.memref_slice %arg9[%dma_start3A_134, %dma_start3A_135] : memref<10240x128xf32, #tpu.memory_space<vmem_shared>> -> memref<10240x128xf32, #tpu.memory_space<vmem_shared>>
      tpu.enqueue_indirect_dma source(%dma_start3A_130 : memref<80x128xf32, #tpu.memory_space<vmem>>) target(%dma_start3A_136 : memref<10240x128xf32, #tpu.memory_space<vmem_shared>>) offsets(%dma_start3A_133 : memref<80xi32, #tpu.memory_space<vmem>>) semaphore(%run_scoped3A_126 : memref<!tpu.dma_semaphore, #tpu.memory_space<semaphore_mem>>) {add = true}
      %dma_wait3A_137 = arith.constant 0 : i32
      %dma_wait3A_138 = arith.constant 0 : i32
      %dma_wait3A_139 = tpu.memref_slice %arg8[%run_scoped3A_107, %dma_wait3A_137, %dma_wait3A_138] : memref<2x80x128xf32, #tpu.memory_space<vmem>> -> memref<1x80x128xf32, #tpu.memory_space<vmem>>
      %dma_wait3A_140 = tpu.memref_squeeze %dma_wait3A_139 : memref<1x80x128xf32, #tpu.memory_space<vmem>> -> memref<80x128xf32, #tpu.memory_space<vmem>>
      %dma_wait3A_141 = arith.constant 0 : i32
      %dma_wait3A_142 = tpu.memref_slice %arg7[%run_scoped3A_108, %dma_wait3A_141] : memref<125x80xi32, #tpu.memory_space<vmem>> -> memref<1x80xi32, #tpu.memory_space<vmem>>
      %dma_wait3A_143 = tpu.memref_squeeze %dma_wait3A_142 : memref<1x80xi32, #tpu.memory_space<vmem>> -> memref<80xi32, #tpu.memory_space<vmem>>
      %dma_wait3A_144 = arith.constant 0 : i32
      %dma_wait3A_145 = arith.constant 0 : i32
      %dma_wait3A_146 = tpu.memref_slice %arg9[%dma_wait3A_144, %dma_wait3A_145] : memref<10240x128xf32, #tpu.memory_space<vmem_shared>> -> memref<10240x128xf32, #tpu.memory_space<vmem_shared>>
      tpu.wait_indirect_dma semaphore(%run_scoped3A_126 : memref<!tpu.dma_semaphore, #tpu.memory_space<semaphore_mem>>) src(%dma_wait3A_140 : memref<80x128xf32, #tpu.memory_space<vmem>>) dst(%dma_wait3A_146 : memref<10240x128xf32, #tpu.memory_space<vmem_shared>>)
      tpu.yield
    }) : () -> ()
    %multiple_of3A_109 = arith.constant 9920 : i32
    %multiple_of3A_110 = tpu.assume_multiple %multiple_of3A_109, 8 : i32
    %dma_wait3A_111 = arith.constant 0 : i32
    %dma_wait3A_112 = arith.constant 0 : i32
    %dma_wait3A_113 = arith.constant 0 : i32
    %dma_wait3A_114 = arith.constant 0 : i32
    %dma_wait3A_115 = tpu.memref_slice %arg8[%dma_wait3A_111, %dma_wait3A_113, %dma_wait3A_114] : memref<2x80x128xf32, #tpu.memory_space<vmem>> -> memref<1x80x128xf32, #tpu.memory_space<vmem>>
    %dma_wait3A_116 = tpu.memref_squeeze %dma_wait3A_115 : memref<1x80x128xf32, #tpu.memory_space<vmem>> -> memref<80x128xf32, #tpu.memory_space<vmem>>
    %dma_wait3A_117 = tpu.memref_slice %arg6[%multiple_of3A_110] : memref<10000xi32, #tpu.memory_space<vmem>> -> memref<80xi32, #tpu.memory_space<vmem>>
    %dma_wait3A_118 = arith.constant 0 : i32
    %dma_wait3A_119 = arith.constant 0 : i32
    %dma_wait3A_120 = tpu.memref_slice %arg2[%dma_wait3A_118, %dma_wait3A_119] : memref<10240x128xf32, #tpu.memory_space<hbm>> -> memref<10240x128xf32, #tpu.memory_space<hbm>>
    %dma_wait3A_121 = tpu.memref_slice %arg10[%dma_wait3A_112] : memref<2x!tpu.dma_semaphore, #tpu.memory_space<semaphore_mem>> -> memref<1x!tpu.dma_semaphore, #tpu.memory_space<semaphore_mem>>
    %dma_wait3A_122 = tpu.memref_squeeze %dma_wait3A_121 : memref<1x!tpu.dma_semaphore, #tpu.memory_space<semaphore_mem>> -> memref<!tpu.dma_semaphore, #tpu.memory_space<semaphore_mem>>
    tpu.wait_indirect_dma semaphore(%dma_wait3A_122 : memref<!tpu.dma_semaphore, #tpu.memory_space<semaphore_mem>>) src(%dma_wait3A_120 : memref<10240x128xf32, #tpu.memory_space<hbm>>) dst(%dma_wait3A_116 : memref<80x128xf32, #tpu.memory_space<vmem>>)
    %run_scoped3A_123 = arith.constant 0 : i32
    %run_scoped3A_124 = arith.constant 124 : i32
    "tpu.region"() ({
      %run_scoped3A_126 = tpu.sem_alloc : memref<!tpu.dma_semaphore, #tpu.memory_space<semaphore_mem>>
      %dma_start3A_127 = arith.constant 0 : i32
      %dma_start3A_128 = arith.constant 0 : i32
      %dma_start3A_129 = tpu.memref_slice %arg8[%run_scoped3A_123, %dma_start3A_127, %dma_start3A_128] : memref<2x80x128xf32, #tpu.memory_space<vmem>> -> memref<1x80x128xf32, #tpu.memory_space<vmem>>
      %dma_start3A_130 = tpu.memref_squeeze %dma_start3A_129 : memref<1x80x128xf32, #tpu.memory_space<vmem>> -> memref<80x128xf32, #tpu.memory_space<vmem>>
      %dma_start3A_131 = arith.constant 0 : i32
      %dma_start3A_132 = tpu.memref_slice %arg7[%run_scoped3A_124, %dma_start3A_131] : memref<125x80xi32, #tpu.memory_space<vmem>> -> memref<1x80xi32, #tpu.memory_space<vmem>>
      %dma_start3A_133 = tpu.memref_squeeze %dma_start3A_132 : memref<1x80xi32, #tpu.memory_space<vmem>> -> memref<80xi32, #tpu.memory_space<vmem>>
      %dma_start3A_134 = arith.constant 0 : i32
      %dma_start3A_135 = arith.constant 0 : i32
      %dma_start3A_136 = tpu.memref_slice %arg9[%dma_start3A_134, %dma_start3A_135] : memref<10240x128xf32, #tpu.memory_space<vmem_shared>> -> memref<10240x128xf32, #tpu.memory_space<vmem_shared>>
      tpu.enqueue_indirect_dma source(%dma_start3A_130 : memref<80x128xf32, #tpu.memory_space<vmem>>) target(%dma_start3A_136 : memref<10240x128xf32, #tpu.memory_space<vmem_shared>>) offsets(%dma_start3A_133 : memref<80xi32, #tpu.memory_space<vmem>>) semaphore(%run_scoped3A_126 : memref<!tpu.dma_semaphore, #tpu.memory_space<semaphore_mem>>) {add = true}
      %dma_wait3A_137 = arith.constant 0 : i32
      %dma_wait3A_138 = arith.constant 0 : i32
      %dma_wait3A_139 = tpu.memref_slice %arg8[%run_scoped3A_123, %dma_wait3A_137, %dma_wait3A_138] : memref<2x80x128xf32, #tpu.memory_space<vmem>> -> memref<1x80x128xf32, #tpu.memory_space<vmem>>
      %dma_wait3A_140 = tpu.memref_squeeze %dma_wait3A_139 : memref<1x80x128xf32, #tpu.memory_space<vmem>> -> memref<80x128xf32, #tpu.memory_space<vmem>>
      %dma_wait3A_141 = arith.constant 0 : i32
      %dma_wait3A_142 = tpu.memref_slice %arg7[%run_scoped3A_124, %dma_wait3A_141] : memref<125x80xi32, #tpu.memory_space<vmem>> -> memref<1x80xi32, #tpu.memory_space<vmem>>
      %dma_wait3A_143 = tpu.memref_squeeze %dma_wait3A_142 : memref<1x80xi32, #tpu.memory_space<vmem>> -> memref<80xi32, #tpu.memory_space<vmem>>
      %dma_wait3A_144 = arith.constant 0 : i32
      %dma_wait3A_145 = arith.constant 0 : i32
      %dma_wait3A_146 = tpu.memref_slice %arg9[%dma_wait3A_144, %dma_wait3A_145] : memref<10240x128xf32, #tpu.memory_space<vmem_shared>> -> memref<10240x128xf32, #tpu.memory_space<vmem_shared>>
      tpu.wait_indirect_dma semaphore(%run_scoped3A_126 : memref<!tpu.dma_semaphore, #tpu.memory_space<semaphore_mem>>) src(%dma_wait3A_140 : memref<80x128xf32, #tpu.memory_space<vmem>>) dst(%dma_wait3A_146 : memref<10240x128xf32, #tpu.memory_space<vmem_shared>>)
      tpu.yield
    }) : () -> ()
    %barrier3A_125 = arith.constant 0 : index
    tpu.barrier barrier_id(%barrier3A_125)
    "tpu.region"() ({
      %run_scoped3A_126 = tpu.sem_alloc : memref<!tpu.dma_semaphore, #tpu.memory_space<semaphore_mem>>
      %dma_start3A_127 = arith.constant 0 : i32
      %dma_start3A_128 = tpu.memref_slice %arg5[%arg0, %mul3A_8, %dma_start3A_127] : memref<2x10240x128xf32, #tpu.memory_space<hbm>> -> memref<1x640x128xf32, #tpu.memory_space<hbm>>
      %dma_start3A_129 = tpu.memref_squeeze %dma_start3A_128 : memref<1x640x128xf32, #tpu.memory_space<hbm>> -> memref<640x128xf32, #tpu.memory_space<hbm>>
      %dma_start3A_130 = arith.constant 0 : i32
      %dma_start3A_131 = tpu.memref_slice %arg9[%mul3A_8, %dma_start3A_130] : memref<10240x128xf32, #tpu.memory_space<vmem_shared>> -> memref<640x128xf32, #tpu.memory_space<vmem_shared>>
      tpu.enqueue_dma source(%dma_start3A_131 : memref<640x128xf32, #tpu.memory_space<vmem_shared>>) target(%dma_start3A_129 : memref<640x128xf32, #tpu.memory_space<hbm>>) target_semaphore(%run_scoped3A_126 : memref<!tpu.dma_semaphore, #tpu.memory_space<semaphore_mem>>)
      %dma_wait3A_132 = arith.constant 0 : i32
      %dma_wait3A_133 = tpu.memref_slice %arg5[%arg0, %mul3A_8, %dma_wait3A_132] : memref<2x10240x128xf32, #tpu.memory_space<hbm>> -> memref<1x640x128xf32, #tpu.memory_space<hbm>>
      %dma_wait3A_134 = tpu.memref_squeeze %dma_wait3A_133 : memref<1x640x128xf32, #tpu.memory_space<hbm>> -> memref<640x128xf32, #tpu.memory_space<hbm>>
      %dma_wait3A_135 = arith.constant 0 : i32
      %dma_wait3A_136 = tpu.memref_slice %arg9[%mul3A_8, %dma_wait3A_135] : memref<10240x128xf32, #tpu.memory_space<vmem_shared>> -> memref<640x128xf32, #tpu.memory_space<vmem_shared>>
      tpu.wait_dma2 semaphore(%run_scoped3A_126 : memref<!tpu.dma_semaphore, #tpu.memory_space<semaphore_mem>>) src(%dma_wait3A_136 : memref<640x128xf32, #tpu.memory_space<vmem_shared>>) dst(%dma_wait3A_134 : memref<640x128xf32, #tpu.memory_space<hbm>>)
      tpu.yield
    }) : () -> ()
    return
  }
}

#map = affine_map<(d0, d1) -> (0, 0, 0)>
#map1 = affine_map<(d0, d1) -> (0, 0)>
module attributes {stable_mosaic.version = 14 : i64} {
  func.func @_deg_body(%arg0: i32, %arg1: i32, %arg2: memref<32x625x16xi32, #tpu.memory_space<hbm>>, %arg3: memref<32x10240xf32, #tpu.memory_space<hbm>>, %arg4: memref<625x16xi32, #tpu.memory_space<vmem>>, %arg5: memref<10240xf32, #tpu.memory_space<vmem>>) attributes {dimension_semantics = [#tpu.dimension_semantics<core_parallel>, #tpu.dimension_semantics<subcore_parallel>], iteration_bounds = array<i64: 2, 16>, scalar_prefetch = 0 : i64, scratch_operands = 2 : i64, tpu.core_type = #tpu.core_type<sc_vector_subcore>, window_params = [{transform_indices = #map}, {transform_indices = #map1}]} {
    %mul3A = arith.constant 16 : i32
    %mul3A_0 = arith.muli %arg0, %mul3A : i32
    %add3A = arith.addi %mul3A_0, %arg1 : i32
    "tpu.region"() ({
      %run_scoped3A = tpu.sem_alloc : memref<!tpu.dma_semaphore, #tpu.memory_space<semaphore_mem>>
      %dma_start3A = arith.constant 0 : i32
      %dma_start3A_15 = arith.constant 0 : i32
      %dma_start3A_16 = tpu.memref_slice %arg2[%add3A, %dma_start3A, %dma_start3A_15] : memref<32x625x16xi32, #tpu.memory_space<hbm>> -> memref<1x625x16xi32, #tpu.memory_space<hbm>>
      %dma_start3A_17 = tpu.memref_squeeze %dma_start3A_16 : memref<1x625x16xi32, #tpu.memory_space<hbm>> -> memref<625x16xi32, #tpu.memory_space<hbm>>
      %dma_start3A_18 = arith.constant 0 : i32
      %dma_start3A_19 = arith.constant 0 : i32
      %dma_start3A_20 = tpu.memref_slice %arg2[%add3A, %dma_start3A_18, %dma_start3A_19] : memref<32x625x16xi32, #tpu.memory_space<hbm>> -> memref<1x625x16xi32, #tpu.memory_space<hbm>>
      %dma_start3A_21 = tpu.memref_squeeze %dma_start3A_20 : memref<1x625x16xi32, #tpu.memory_space<hbm>> -> memref<625x16xi32, #tpu.memory_space<hbm>>
      tpu.enqueue_dma source(%dma_start3A_21 : memref<625x16xi32, #tpu.memory_space<hbm>>) target(%arg4 : memref<625x16xi32, #tpu.memory_space<vmem>>) target_semaphore(%run_scoped3A : memref<!tpu.dma_semaphore, #tpu.memory_space<semaphore_mem>>)
      %dma_wait3A = arith.constant 0 : i32
      %dma_wait3A_22 = arith.constant 0 : i32
      %dma_wait3A_23 = tpu.memref_slice %arg2[%add3A, %dma_wait3A, %dma_wait3A_22] : memref<32x625x16xi32, #tpu.memory_space<hbm>> -> memref<1x625x16xi32, #tpu.memory_space<hbm>>
      %dma_wait3A_24 = tpu.memref_squeeze %dma_wait3A_23 : memref<1x625x16xi32, #tpu.memory_space<hbm>> -> memref<625x16xi32, #tpu.memory_space<hbm>>
      %dma_wait3A_25 = arith.constant 0 : i32
      %dma_wait3A_26 = arith.constant 0 : i32
      %dma_wait3A_27 = tpu.memref_slice %arg2[%add3A, %dma_wait3A_25, %dma_wait3A_26] : memref<32x625x16xi32, #tpu.memory_space<hbm>> -> memref<1x625x16xi32, #tpu.memory_space<hbm>>
      %dma_wait3A_28 = tpu.memref_squeeze %dma_wait3A_27 : memref<1x625x16xi32, #tpu.memory_space<hbm>> -> memref<625x16xi32, #tpu.memory_space<hbm>>
      tpu.wait_dma2 semaphore(%run_scoped3A : memref<!tpu.dma_semaphore, #tpu.memory_space<semaphore_mem>>) src(%dma_wait3A_28 : memref<625x16xi32, #tpu.memory_space<hbm>>) dst(%arg4 : memref<625x16xi32, #tpu.memory_space<vmem>>)
      tpu.yield
    }) : () -> ()
    %broadcast_in_dim3A = arith.constant 0.000000e+00 : f32
    %broadcast_in_dim3A_1 = vector.broadcast %broadcast_in_dim3A : f32 to vector<16xf32>
    %broadcast_in_dim3A_2 = arith.constant 1.000000e+00 : f32
    %broadcast_in_dim3A_3 = vector.broadcast %broadcast_in_dim3A_2 : f32 to vector<16xf32>
    %scan3A = arith.constant 0 : i32
    %scan3A_4 = arith.constant 0 : i32
    %scan3A_5 = arith.constant 640 : i32
    %scan3A_6 = arith.addi %scan3A_4, %scan3A_5 : i32
    %scan3A_7 = arith.constant 1 : i32
    scf.for %scan3A_15 = %scan3A_4 to %scan3A_6 step %scan3A_7  : i32 {
      %mul3A_16 = arith.constant 16 : i32
      %mul3A_17 = arith.muli %scan3A_15, %mul3A_16 : i32
      %multiple_of3A = tpu.assume_multiple %mul3A_17, 16 : i32
      %swap3A = arith.index_cast %multiple_of3A : i32 to index
      %swap3A_18 = tpu.vector_load %arg5[%swap3A] {strides = array<i32>} : memref<10240xf32, #tpu.memory_space<vmem>>, vector<16xf32>,
      tpu.vector_store %arg5[%swap3A], %broadcast_in_dim3A_1 {strides = array<i32>} : memref<10240xf32, #tpu.memory_space<vmem>>, vector<16xf32>,
    }
    %scan3A_8 = arith.constant 640 : i32
    %scan3A_9 = arith.constant 0 : i32
    %scan3A_10 = arith.constant 0 : i32
    %scan3A_11 = arith.constant 625 : i32
    %scan3A_12 = arith.addi %scan3A_10, %scan3A_11 : i32
    %scan3A_13 = arith.constant 1 : i32
    scf.for %scan3A_15 = %scan3A_10 to %scan3A_12 step %scan3A_13  : i32 {
      %get3A = arith.index_cast %scan3A_15 : i32 to index
      %get3A_16 = arith.constant 0 : index
      %get3A_17 = tpu.vector_load %arg4[%get3A, %get3A_16] {strides = array<i32>} : memref<625x16xi32, #tpu.memory_space<vmem>>, vector<16xi32>,
      tpu.vector_store_idx %arg5[%get3A_17], %broadcast_in_dim3A_3 {add = true} : memref<10240xf32, #tpu.memory_space<vmem>>[vector<16xi32>], vector<16xf32>,
    }
    %scan3A_14 = arith.constant 625 : i32
    "tpu.region"() ({
      %run_scoped3A = tpu.sem_alloc : memref<!tpu.dma_semaphore, #tpu.memory_space<semaphore_mem>>
      %dma_start3A = arith.constant 0 : i32
      %dma_start3A_15 = tpu.memref_slice %arg3[%add3A, %dma_start3A] : memref<32x10240xf32, #tpu.memory_space<hbm>> -> memref<1x10240xf32, #tpu.memory_space<hbm>>
      %dma_start3A_16 = tpu.memref_squeeze %dma_start3A_15 : memref<1x10240xf32, #tpu.memory_space<hbm>> -> memref<10240xf32, #tpu.memory_space<hbm>>
      %dma_start3A_17 = arith.constant 0 : i32
      %dma_start3A_18 = tpu.memref_slice %arg3[%add3A, %dma_start3A_17] : memref<32x10240xf32, #tpu.memory_space<hbm>> -> memref<1x10240xf32, #tpu.memory_space<hbm>>
      %dma_start3A_19 = tpu.memref_squeeze %dma_start3A_18 : memref<1x10240xf32, #tpu.memory_space<hbm>> -> memref<10240xf32, #tpu.memory_space<hbm>>
      tpu.enqueue_dma source(%arg5 : memref<10240xf32, #tpu.memory_space<vmem>>) target(%dma_start3A_19 : memref<10240xf32, #tpu.memory_space<hbm>>) target_semaphore(%run_scoped3A : memref<!tpu.dma_semaphore, #tpu.memory_space<semaphore_mem>>)
      %dma_wait3A = arith.constant 0 : i32
      %dma_wait3A_20 = tpu.memref_slice %arg3[%add3A, %dma_wait3A] : memref<32x10240xf32, #tpu.memory_space<hbm>> -> memref<1x10240xf32, #tpu.memory_space<hbm>>
      %dma_wait3A_21 = tpu.memref_squeeze %dma_wait3A_20 : memref<1x10240xf32, #tpu.memory_space<hbm>> -> memref<10240xf32, #tpu.memory_space<hbm>>
      %dma_wait3A_22 = arith.constant 0 : i32
      %dma_wait3A_23 = tpu.memref_slice %arg3[%add3A, %dma_wait3A_22] : memref<32x10240xf32, #tpu.memory_space<hbm>> -> memref<1x10240xf32, #tpu.memory_space<hbm>>
      %dma_wait3A_24 = tpu.memref_squeeze %dma_wait3A_23 : memref<1x10240xf32, #tpu.memory_space<hbm>> -> memref<10240xf32, #tpu.memory_space<hbm>>
      tpu.wait_dma2 semaphore(%run_scoped3A : memref<!tpu.dma_semaphore, #tpu.memory_space<semaphore_mem>>) src(%arg5 : memref<10240xf32, #tpu.memory_space<vmem>>) dst(%dma_wait3A_24 : memref<10240xf32, #tpu.memory_space<hbm>>)
      tpu.yield
    }) : () -> ()
    return
  }
}

#map = affine_map<(d0, d1) -> (0, 0)>
#map1 = affine_map<(d0, d1) -> (0, 0, 0)>
module attributes {stable_mosaic.version = 14 : i64} {
  func.func @_scatter_body(%arg0: i32, %arg1: i32, %arg2: memref<10240x128xf32, #tpu.memory_space<hbm>>, %arg3: memref<32x10000xi32, #tpu.memory_space<hbm>>, %arg4: memref<32x125x80xi32, #tpu.memory_space<hbm>>, %arg5: memref<2x10240x128xf32, #tpu.memory_space<hbm>>, %arg6: memref<10000xi32, #tpu.memory_space<vmem>>, %arg7: memref<125x80xi32, #tpu.memory_space<vmem>>, %arg8: memref<2x80x128xf32, #tpu.memory_space<vmem>>, %arg9: memref<10240x128xf32, #tpu.memory_space<vmem_shared>>, %arg10: memref<2x!tpu.dma_semaphore, #tpu.memory_space<semaphore_mem>>) attributes {dimension_semantics = [#tpu.dimension_semantics<core_parallel>, #tpu.dimension_semantics<subcore_parallel>], iteration_bounds = array<i64: 2, 16>, scalar_prefetch = 0 : i64, scratch_operands = 5 : i64, tpu.core_type = #tpu.core_type<sc_vector_subcore>, window_params = [{transform_indices = #map}, {transform_indices = #map}, {transform_indices = #map1}, {transform_indices = #map1}]} {
    %mul3A = arith.constant 16 : i32
    %mul3A_0 = arith.muli %arg0, %mul3A : i32
    %add3A = arith.addi %mul3A_0, %arg1 : i32
    %broadcast_in_dim3A = arith.constant 0.000000e+00 : f32
    %broadcast_in_dim3A_1 = vector.broadcast %broadcast_in_dim3A : f32 to vector<16xf32>
    "tpu.region"() ({
      %run_scoped3A_126 = tpu.sem_alloc : memref<!tpu.dma_semaphore, #tpu.memory_space<semaphore_mem>>
      %dma_start3A_127 = arith.constant 0 : i32
      %dma_start3A_128 = tpu.memref_slice %arg3[%add3A, %dma_start3A_127] : memref<32x10000xi32, #tpu.memory_space<hbm>> -> memref<1x10000xi32, #tpu.memory_space<hbm>>
      %dma_start3A_129 = tpu.memref_squeeze %dma_start3A_128 : memref<1x10000xi32, #tpu.memory_space<hbm>> -> memref<10000xi32, #tpu.memory_space<hbm>>
      %dma_start3A_130 = arith.constant 0 : i32
      %dma_start3A_131 = tpu.memref_slice %arg3[%add3A, %dma_start3A_130] : memref<32x10000xi32, #tpu.memory_space<hbm>> -> memref<1x10000xi32, #tpu.memory_space<hbm>>
      %dma_start3A_132 = tpu.memref_squeeze %dma_start3A_131 : memref<1x10000xi32, #tpu.memory_space<hbm>> -> memref<10000xi32, #tpu.memory_space<hbm>>
      tpu.enqueue_dma source(%dma_start3A_132 : memref<10000xi32, #tpu.memory_space<hbm>>) target(%arg6 : memref<10000xi32, #tpu.memory_space<vmem>>) target_semaphore(%run_scoped3A_126 : memref<!tpu.dma_semaphore, #tpu.memory_space<semaphore_mem>>)
      %dma_wait3A_133 = arith.constant 0 : i32
      %dma_wait3A_134 = tpu.memref_slice %arg3[%add3A, %dma_wait3A_133] : memref<32x10000xi32, #tpu.memory_space<hbm>> -> memref<1x10000xi32, #tpu.memory_space<hbm>>
      %dma_wait3A_135 = tpu.memref_squeeze %dma_wait3A_134 : memref<1x10000xi32, #tpu.memory_space<hbm>> -> memref<10000xi32, #tpu.memory_space<hbm>>
      %dma_wait3A_136 = arith.constant 0 : i32
      %dma_wait3A_137 = tpu.memref_slice %arg3[%add3A, %dma_wait3A_136] : memref<32x10000xi32, #tpu.memory_space<hbm>> -> memref<1x10000xi32, #tpu.memory_space<hbm>>
      %dma_wait3A_138 = tpu.memref_squeeze %dma_wait3A_137 : memref<1x10000xi32, #tpu.memory_space<hbm>> -> memref<10000xi32, #tpu.memory_space<hbm>>
      tpu.wait_dma2 semaphore(%run_scoped3A_126 : memref<!tpu.dma_semaphore, #tpu.memory_space<semaphore_mem>>) src(%dma_wait3A_138 : memref<10000xi32, #tpu.memory_space<hbm>>) dst(%arg6 : memref<10000xi32, #tpu.memory_space<vmem>>)
      tpu.yield
    }) : () -> ()
    "tpu.region"() ({
      %run_scoped3A_126 = tpu.sem_alloc : memref<!tpu.dma_semaphore, #tpu.memory_space<semaphore_mem>>
      %dma_start3A_127 = arith.constant 0 : i32
      %dma_start3A_128 = arith.constant 0 : i32
      %dma_start3A_129 = tpu.memref_slice %arg4[%add3A, %dma_start3A_127, %dma_start3A_128] : memref<32x125x80xi32, #tpu.memory_space<hbm>> -> memref<1x125x80xi32, #tpu.memory_space<hbm>>
      %dma_start3A_130 = tpu.memref_squeeze %dma_start3A_129 : memref<1x125x80xi32, #tpu.memory_space<hbm>> -> memref<125x80xi32, #tpu.memory_space<hbm>>
      %dma_start3A_131 = arith.constant 0 : i32
      %dma_start3A_132 = arith.constant 0 : i32
      %dma_start3A_133 = tpu.memref_slice %arg4[%add3A, %dma_start3A_131, %dma_start3A_132] : memref<32x125x80xi32, #tpu.memory_space<hbm>> -> memref<1x125x80xi32, #tpu.memory_space<hbm>>
      %dma_start3A_134 = tpu.memref_squeeze %dma_start3A_133 : memref<1x125x80xi32, #tpu.memory_space<hbm>> -> memref<125x80xi32, #tpu.memory_space<hbm>>
      tpu.enqueue_dma source(%dma_start3A_134 : memref<125x80xi32, #tpu.memory_space<hbm>>) target(%arg7 : memref<125x80xi32, #tpu.memory_space<vmem>>) target_semaphore(%run_scoped3A_126 : memref<!tpu.dma_semaphore, #tpu.memory_space<semaphore_mem>>)
      %dma_wait3A_135 = arith.constant 0 : i32
      %dma_wait3A_136 = arith.constant 0 : i32
      %dma_wait3A_137 = tpu.memref_slice %arg4[%add3A, %dma_wait3A_135, %dma_wait3A_136] : memref<32x125x80xi32, #tpu.memory_space<hbm>> -> memref<1x125x80xi32, #tpu.memory_space<hbm>>
      %dma_wait3A_138 = tpu.memref_squeeze %dma_wait3A_137 : memref<1x125x80xi32, #tpu.memory_space<hbm>> -> memref<125x80xi32, #tpu.memory_space<hbm>>
      %dma_wait3A_139 = arith.constant 0 : i32
      %dma_wait3A_140 = arith.constant 0 : i32
      %dma_wait3A_141 = tpu.memref_slice %arg4[%add3A, %dma_wait3A_139, %dma_wait3A_140] : memref<32x125x80xi32, #tpu.memory_space<hbm>> -> memref<1x125x80xi32, #tpu.memory_space<hbm>>
      %dma_wait3A_142 = tpu.memref_squeeze %dma_wait3A_141 : memref<1x125x80xi32, #tpu.memory_space<hbm>> -> memref<125x80xi32, #tpu.memory_space<hbm>>
      tpu.wait_dma2 semaphore(%run_scoped3A_126 : memref<!tpu.dma_semaphore, #tpu.memory_space<semaphore_mem>>) src(%dma_wait3A_142 : memref<125x80xi32, #tpu.memory_space<hbm>>) dst(%arg7 : memref<125x80xi32, #tpu.memory_space<vmem>>)
      tpu.yield
    }) : () -> ()
    %scan3A = arith.constant 0 : i32
    %scan3A_2 = arith.constant 0 : i32
    %scan3A_3 = arith.constant 640 : i32
    %scan3A_4 = arith.addi %scan3A_2, %scan3A_3 : i32
    %scan3A_5 = arith.constant 1 : i32
    scf.for %scan3A_126 = %scan3A_2 to %scan3A_4 step %scan3A_5  : i32 {
      %jit3A = arith.constant 8 : i32
      %div3A = arith.divsi %scan3A_126, %jit3A : i32
      %sign3A = arith.constant 0 : i32
      %sign3A_127 = arith.cmpi sgt, %scan3A_126, %sign3A : i32
      %sign3A_128 = arith.extui %sign3A_127 : i1 to i32
      %sign3A_129 = arith.constant 0 : i32
      %sign3A_130 = arith.cmpi slt, %scan3A_126, %sign3A_129 : i32
      %sign3A_131 = arith.extui %sign3A_130 : i1 to i32
      %sign3A_132 = arith.subi %sign3A_128, %sign3A_131 : i32
      %sign3A_133 = arith.constant 0 : i32
      %sign3A_134 = arith.cmpi sgt, %jit3A, %sign3A_133 : i32
      %sign3A_135 = arith.extui %sign3A_134 : i1 to i32
      %sign3A_136 = arith.constant 0 : i32
      %sign3A_137 = arith.cmpi slt, %jit3A, %sign3A_136 : i32
      %sign3A_138 = arith.extui %sign3A_137 : i1 to i32
      %sign3A_139 = arith.subi %sign3A_135, %sign3A_138 : i32
      %ne3A = arith.cmpi ne, %sign3A_132, %sign3A_139 : i32
      %rem3A = arith.remsi %scan3A_126, %jit3A : i32
      %ne3A_140 = arith.constant 0 : i32
      %ne3A_141 = arith.cmpi ne, %rem3A, %ne3A_140 : i32
      %and3A = arith.andi %ne3A, %ne3A_141 : i1
      %sub3A = arith.constant 1 : i32
      %sub3A_142 = arith.subi %div3A, %sub3A : i32
      %select_n3A = arith.select %and3A, %sub3A_142, %div3A : i32
      %jit3A_143 = arith.constant 8 : i32
      %eq3A = arith.constant 0 : i32
      %eq3A_144 = arith.cmpi eq, %jit3A_143, %eq3A : i32
      %jit3A_145 = arith.constant 1 : i32
      %select_n3A_146 = arith.select %eq3A_144, %jit3A_145, %jit3A_143 : i32
      %rem3A_147 = arith.remsi %scan3A_126, %select_n3A_146 : i32
      %ne3A_148 = arith.constant 0 : i32
      %ne3A_149 = arith.cmpi ne, %rem3A_147, %ne3A_148 : i32
      %lt3A = arith.constant 0 : i32
      %lt3A_150 = arith.cmpi slt, %rem3A_147, %lt3A : i32
      %lt3A_151 = arith.constant 0 : i32
      %lt3A_152 = arith.cmpi slt, %select_n3A_146, %lt3A_151 : i32
      %ne3A_153 = arith.xori %lt3A_150, %lt3A_152 : i1
      %and3A_154 = arith.andi %ne3A_153, %ne3A_149 : i1
      %add3A_155 = arith.addi %rem3A_147, %select_n3A_146 : i32
      %select_n3A_156 = arith.select %and3A_154, %add3A_155, %rem3A_147 : i32
      %mul3A_157 = arith.constant 16 : i32
      %mul3A_158 = arith.muli %select_n3A_156, %mul3A_157 : i32
      %multiple_of3A_159 = tpu.assume_multiple %mul3A_158, 16 : i32
      %swap3A = arith.constant 0 : i32
      %swap3A_160 = arith.index_cast %swap3A : i32 to index
      %swap3A_161 = arith.index_cast %select_n3A : i32 to index
      %swap3A_162 = arith.index_cast %multiple_of3A_159 : i32 to index
      %swap3A_163 = tpu.vector_load %arg8[%swap3A_160, %swap3A_161, %swap3A_162] {strides = array<i32>} : memref<2x80x128xf32, #tpu.memory_space<vmem>>, vector<1x1x16xf32>,
      %swap3A_164 = vector.shape_cast %swap3A_163 : vector<1x1x16xf32> to vector<16xf32>
      %swap3A_165 = vector.shape_cast %broadcast_in_dim3A_1 : vector<16xf32> to vector<1x1x16xf32>
      tpu.vector_store %arg8[%swap3A_160, %swap3A_161, %swap3A_162], %swap3A_165 {strides = array<i32>} : memref<2x80x128xf32, #tpu.memory_space<vmem>>, vector<1x1x16xf32>,
    }
    %scan3A_6 = arith.constant 640 : i32
    %mul3A_7 = arith.constant 640 : i32
    %mul3A_8 = arith.muli %arg1, %mul3A_7 : i32
    %add3A_9 = arith.constant 0 : i32
    %add3A_10 = arith.addi %mul3A_8, %add3A_9 : i32
    %run_scoped3A = arith.constant 0 : i32
    "tpu.region"() ({
      %run_scoped3A_126 = tpu.sem_alloc : memref<!tpu.dma_semaphore, #tpu.memory_space<semaphore_mem>>
      %dma_start3A_127 = arith.constant 0 : i32
      %dma_start3A_128 = arith.constant 0 : i32
      %dma_start3A_129 = tpu.memref_slice %arg8[%run_scoped3A, %dma_start3A_127, %dma_start3A_128] : memref<2x80x128xf32, #tpu.memory_space<vmem>> -> memref<1x80x128xf32, #tpu.memory_space<vmem>>
      %dma_start3A_130 = tpu.memref_squeeze %dma_start3A_129 : memref<1x80x128xf32, #tpu.memory_space<vmem>> -> memref<80x128xf32, #tpu.memory_space<vmem>>
      %dma_start3A_131 = arith.constant 0 : i32
      %dma_start3A_132 = tpu.memref_slice %arg9[%add3A_10, %dma_start3A_131] : memref<10240x128xf32, #tpu.memory_space<vmem_shared>> -> memref<80x128xf32, #tpu.memory_space<vmem_shared>>
      %dma_start3A_133 = arith.constant 0 : i32
      %dma_start3A_134 = tpu.memref_slice %arg9[%add3A_10, %dma_start3A_133] : memref<10240x128xf32, #tpu.memory_space<vmem_shared>> -> memref<80x128xf32, #tpu.memory_space<vmem_shared>>
      %dma_start3A_135 = arith.constant 0 : i32
      %dma_start3A_136 = arith.constant 0 : i32
      %dma_start3A_137 = tpu.memref_slice %arg8[%run_scoped3A, %dma_start3A_135, %dma_start3A_136] : memref<2x80x128xf32, #tpu.memory_space<vmem>> -> memref<1x80x128xf32, #tpu.memory_space<vmem>>
      %dma_start3A_138 = tpu.memref_squeeze %dma_start3A_137 : memref<1x80x128xf32, #tpu.memory_space<vmem>> -> memref<80x128xf32, #tpu.memory_space<vmem>>
      tpu.enqueue_dma source(%dma_start3A_138 : memref<80x128xf32, #tpu.memory_space<vmem>>) target(%dma_start3A_134 : memref<80x128xf32, #tpu.memory_space<vmem_shared>>) target_semaphore(%run_scoped3A_126 : memref<!tpu.dma_semaphore, #tpu.memory_space<semaphore_mem>>)
      %dma_wait3A_139 = arith.constant 0 : i32
      %dma_wait3A_140 = arith.constant 0 : i32
      %dma_wait3A_141 = tpu.memref_slice %arg8[%run_scoped3A, %dma_wait3A_139, %dma_wait3A_140] : memref<2x80x128xf32, #tpu.memory_space<vmem>> -> memref<1x80x128xf32, #tpu.memory_space<vmem>>
      %dma_wait3A_142 = tpu.memref_squeeze %dma_wait3A_141 : memref<1x80x128xf32, #tpu.memory_space<vmem>> -> memref<80x128xf32, #tpu.memory_space<vmem>>
      %dma_wait3A_143 = arith.constant 0 : i32
      %dma_wait3A_144 = tpu.memref_slice %arg9[%add3A_10, %dma_wait3A_143] : memref<10240x128xf32, #tpu.memory_space<vmem_shared>> -> memref<80x128xf32, #tpu.memory_space<vmem_shared>>
      %dma_wait3A_145 = arith.constant 0 : i32
      %dma_wait3A_146 = tpu.memref_slice %arg9[%add3A_10, %dma_wait3A_145] : memref<10240x128xf32, #tpu.memory_space<vmem_shared>> -> memref<80x128xf32, #tpu.memory_space<vmem_shared>>
      %dma_wait3A_147 = arith.constant 0 : i32
      %dma_wait3A_148 = arith.constant 0 : i32
      %dma_wait3A_149 = tpu.memref_slice %arg8[%run_scoped3A, %dma_wait3A_147, %dma_wait3A_148] : memref<2x80x128xf32, #tpu.memory_space<vmem>> -> memref<1x80x128xf32, #tpu.memory_space<vmem>>
      %dma_wait3A_150 = tpu.memref_squeeze %dma_wait3A_149 : memref<1x80x128xf32, #tpu.memory_space<vmem>> -> memref<80x128xf32, #tpu.memory_space<vmem>>
      tpu.wait_dma2 semaphore(%run_scoped3A_126 : memref<!tpu.dma_semaphore, #tpu.memory_space<semaphore_mem>>) src(%dma_wait3A_150 : memref<80x128xf32, #tpu.memory_space<vmem>>) dst(%dma_wait3A_146 : memref<80x128xf32, #tpu.memory_space<vmem_shared>>)
      tpu.yield
    }) : () -> ()
    %add3A_11 = arith.constant 80 : i32
    %add3A_12 = arith.addi %mul3A_8, %add3A_11 : i32
    %run_scoped3A_13 = arith.constant 0 : i32
    "tpu.region"() ({
      %run_scoped3A_126 = tpu.sem_alloc : memref<!tpu.dma_semaphore, #tpu.memory_space<semaphore_mem>>
      %dma_start3A_127 = arith.constant 0 : i32
      %dma_start3A_128 = arith.constant 0 : i32
      %dma_start3A_129 = tpu.memref_slice %arg8[%run_scoped3A_13, %dma_start3A_127, %dma_start3A_128] : memref<2x80x128xf32, #tpu.memory_space<vmem>> -> memref<1x80x128xf32, #tpu.memory_space<vmem>>
      %dma_start3A_130 = tpu.memref_squeeze %dma_start3A_129 : memref<1x80x128xf32, #tpu.memory_space<vmem>> -> memref<80x128xf32, #tpu.memory_space<vmem>>
      %dma_start3A_131 = arith.constant 0 : i32
      %dma_start3A_132 = tpu.memref_slice %arg9[%add3A_12, %dma_start3A_131] : memref<10240x128xf32, #tpu.memory_space<vmem_shared>> -> memref<80x128xf32, #tpu.memory_space<vmem_shared>>
      %dma_start3A_133 = arith.constant 0 : i32
      %dma_start3A_134 = tpu.memref_slice %arg9[%add3A_12, %dma_start3A_133] : memref<10240x128xf32, #tpu.memory_space<vmem_shared>> -> memref<80x128xf32, #tpu.memory_space<vmem_shared>>
      %dma_start3A_135 = arith.constant 0 : i32
      %dma_start3A_136 = arith.constant 0 : i32
      %dma_start3A_137 = tpu.memref_slice %arg8[%run_scoped3A_13, %dma_start3A_135, %dma_start3A_136] : memref<2x80x128xf32, #tpu.memory_space<vmem>> -> memref<1x80x128xf32, #tpu.memory_space<vmem>>
      %dma_start3A_138 = tpu.memref_squeeze %dma_start3A_137 : memref<1x80x128xf32, #tpu.memory_space<vmem>> -> memref<80x128xf32, #tpu.memory_space<vmem>>
      tpu.enqueue_dma source(%dma_start3A_138 : memref<80x128xf32, #tpu.memory_space<vmem>>) target(%dma_start3A_134 : memref<80x128xf32, #tpu.memory_space<vmem_shared>>) target_semaphore(%run_scoped3A_126 : memref<!tpu.dma_semaphore, #tpu.memory_space<semaphore_mem>>)
      %dma_wait3A_139 = arith.constant 0 : i32
      %dma_wait3A_140 = arith.constant 0 : i32
      %dma_wait3A_141 = tpu.memref_slice %arg8[%run_scoped3A_13, %dma_wait3A_139, %dma_wait3A_140] : memref<2x80x128xf32, #tpu.memory_space<vmem>> -> memref<1x80x128xf32, #tpu.memory_space<vmem>>
      %dma_wait3A_142 = tpu.memref_squeeze %dma_wait3A_141 : memref<1x80x128xf32, #tpu.memory_space<vmem>> -> memref<80x128xf32, #tpu.memory_space<vmem>>
      %dma_wait3A_143 = arith.constant 0 : i32
      %dma_wait3A_144 = tpu.memref_slice %arg9[%add3A_12, %dma_wait3A_143] : memref<10240x128xf32, #tpu.memory_space<vmem_shared>> -> memref<80x128xf32, #tpu.memory_space<vmem_shared>>
      %dma_wait3A_145 = arith.constant 0 : i32
      %dma_wait3A_146 = tpu.memref_slice %arg9[%add3A_12, %dma_wait3A_145] : memref<10240x128xf32, #tpu.memory_space<vmem_shared>> -> memref<80x128xf32, #tpu.memory_space<vmem_shared>>
      %dma_wait3A_147 = arith.constant 0 : i32
      %dma_wait3A_148 = arith.constant 0 : i32
      %dma_wait3A_149 = tpu.memref_slice %arg8[%run_scoped3A_13, %dma_wait3A_147, %dma_wait3A_148] : memref<2x80x128xf32, #tpu.memory_space<vmem>> -> memref<1x80x128xf32, #tpu.memory_space<vmem>>
      %dma_wait3A_150 = tpu.memref_squeeze %dma_wait3A_149 : memref<1x80x128xf32, #tpu.memory_space<vmem>> -> memref<80x128xf32, #tpu.memory_space<vmem>>
      tpu.wait_dma2 semaphore(%run_scoped3A_126 : memref<!tpu.dma_semaphore, #tpu.memory_space<semaphore_mem>>) src(%dma_wait3A_150 : memref<80x128xf32, #tpu.memory_space<vmem>>) dst(%dma_wait3A_146 : memref<80x128xf32, #tpu.memory_space<vmem_shared>>)
      tpu.yield
    }) : () -> ()
    %add3A_14 = arith.constant 160 : i32
    %add3A_15 = arith.addi %mul3A_8, %add3A_14 : i32
    %run_scoped3A_16 = arith.constant 0 : i32
    "tpu.region"() ({
      %run_scoped3A_126 = tpu.sem_alloc : memref<!tpu.dma_semaphore, #tpu.memory_space<semaphore_mem>>
      %dma_start3A_127 = arith.constant 0 : i32
      %dma_start3A_128 = arith.constant 0 : i32
      %dma_start3A_129 = tpu.memref_slice %arg8[%run_scoped3A_16, %dma_start3A_127, %dma_start3A_128] : memref<2x80x128xf32, #tpu.memory_space<vmem>> -> memref<1x80x128xf32, #tpu.memory_space<vmem>>
      %dma_start3A_130 = tpu.memref_squeeze %dma_start3A_129 : memref<1x80x128xf32, #tpu.memory_space<vmem>> -> memref<80x128xf32, #tpu.memory_space<vmem>>
      %dma_start3A_131 = arith.constant 0 : i32
      %dma_start3A_132 = tpu.memref_slice %arg9[%add3A_15, %dma_start3A_131] : memref<10240x128xf32, #tpu.memory_space<vmem_shared>> -> memref<80x128xf32, #tpu.memory_space<vmem_shared>>
      %dma_start3A_133 = arith.constant 0 : i32
      %dma_start3A_134 = tpu.memref_slice %arg9[%add3A_15, %dma_start3A_133] : memref<10240x128xf32, #tpu.memory_space<vmem_shared>> -> memref<80x128xf32, #tpu.memory_space<vmem_shared>>
      %dma_start3A_135 = arith.constant 0 : i32
      %dma_start3A_136 = arith.constant 0 : i32
      %dma_start3A_137 = tpu.memref_slice %arg8[%run_scoped3A_16, %dma_start3A_135, %dma_start3A_136] : memref<2x80x128xf32, #tpu.memory_space<vmem>> -> memref<1x80x128xf32, #tpu.memory_space<vmem>>
      %dma_start3A_138 = tpu.memref_squeeze %dma_start3A_137 : memref<1x80x128xf32, #tpu.memory_space<vmem>> -> memref<80x128xf32, #tpu.memory_space<vmem>>
      tpu.enqueue_dma source(%dma_start3A_138 : memref<80x128xf32, #tpu.memory_space<vmem>>) target(%dma_start3A_134 : memref<80x128xf32, #tpu.memory_space<vmem_shared>>) target_semaphore(%run_scoped3A_126 : memref<!tpu.dma_semaphore, #tpu.memory_space<semaphore_mem>>)
      %dma_wait3A_139 = arith.constant 0 : i32
      %dma_wait3A_140 = arith.constant 0 : i32
      %dma_wait3A_141 = tpu.memref_slice %arg8[%run_scoped3A_16, %dma_wait3A_139, %dma_wait3A_140] : memref<2x80x128xf32, #tpu.memory_space<vmem>> -> memref<1x80x128xf32, #tpu.memory_space<vmem>>
      %dma_wait3A_142 = tpu.memref_squeeze %dma_wait3A_141 : memref<1x80x128xf32, #tpu.memory_space<vmem>> -> memref<80x128xf32, #tpu.memory_space<vmem>>
      %dma_wait3A_143 = arith.constant 0 : i32
      %dma_wait3A_144 = tpu.memref_slice %arg9[%add3A_15, %dma_wait3A_143] : memref<10240x128xf32, #tpu.memory_space<vmem_shared>> -> memref<80x128xf32, #tpu.memory_space<vmem_shared>>
      %dma_wait3A_145 = arith.constant 0 : i32
      %dma_wait3A_146 = tpu.memref_slice %arg9[%add3A_15, %dma_wait3A_145] : memref<10240x128xf32, #tpu.memory_space<vmem_shared>> -> memref<80x128xf32, #tpu.memory_space<vmem_shared>>
      %dma_wait3A_147 = arith.constant 0 : i32
      %dma_wait3A_148 = arith.constant 0 : i32
      %dma_wait3A_149 = tpu.memref_slice %arg8[%run_scoped3A_16, %dma_wait3A_147, %dma_wait3A_148] : memref<2x80x128xf32, #tpu.memory_space<vmem>> -> memref<1x80x128xf32, #tpu.memory_space<vmem>>
      %dma_wait3A_150 = tpu.memref_squeeze %dma_wait3A_149 : memref<1x80x128xf32, #tpu.memory_space<vmem>> -> memref<80x128xf32, #tpu.memory_space<vmem>>
      tpu.wait_dma2 semaphore(%run_scoped3A_126 : memref<!tpu.dma_semaphore, #tpu.memory_space<semaphore_mem>>) src(%dma_wait3A_150 : memref<80x128xf32, #tpu.memory_space<vmem>>) dst(%dma_wait3A_146 : memref<80x128xf32, #tpu.memory_space<vmem_shared>>)
      tpu.yield
    }) : () -> ()
    %add3A_17 = arith.constant 240 : i32
    %add3A_18 = arith.addi %mul3A_8, %add3A_17 : i32
    %run_scoped3A_19 = arith.constant 0 : i32
    "tpu.region"() ({
      %run_scoped3A_126 = tpu.sem_alloc : memref<!tpu.dma_semaphore, #tpu.memory_space<semaphore_mem>>
      %dma_start3A_127 = arith.constant 0 : i32
      %dma_start3A_128 = arith.constant 0 : i32
      %dma_start3A_129 = tpu.memref_slice %arg8[%run_scoped3A_19, %dma_start3A_127, %dma_start3A_128] : memref<2x80x128xf32, #tpu.memory_space<vmem>> -> memref<1x80x128xf32, #tpu.memory_space<vmem>>
      %dma_start3A_130 = tpu.memref_squeeze %dma_start3A_129 : memref<1x80x128xf32, #tpu.memory_space<vmem>> -> memref<80x128xf32, #tpu.memory_space<vmem>>
      %dma_start3A_131 = arith.constant 0 : i32
      %dma_start3A_132 = tpu.memref_slice %arg9[%add3A_18, %dma_start3A_131] : memref<10240x128xf32, #tpu.memory_space<vmem_shared>> -> memref<80x128xf32, #tpu.memory_space<vmem_shared>>
      %dma_start3A_133 = arith.constant 0 : i32
      %dma_start3A_134 = tpu.memref_slice %arg9[%add3A_18, %dma_start3A_133] : memref<10240x128xf32, #tpu.memory_space<vmem_shared>> -> memref<80x128xf32, #tpu.memory_space<vmem_shared>>
      %dma_start3A_135 = arith.constant 0 : i32
      %dma_start3A_136 = arith.constant 0 : i32
      %dma_start3A_137 = tpu.memref_slice %arg8[%run_scoped3A_19, %dma_start3A_135, %dma_start3A_136] : memref<2x80x128xf32, #tpu.memory_space<vmem>> -> memref<1x80x128xf32, #tpu.memory_space<vmem>>
      %dma_start3A_138 = tpu.memref_squeeze %dma_start3A_137 : memref<1x80x128xf32, #tpu.memory_space<vmem>> -> memref<80x128xf32, #tpu.memory_space<vmem>>
      tpu.enqueue_dma source(%dma_start3A_138 : memref<80x128xf32, #tpu.memory_space<vmem>>) target(%dma_start3A_134 : memref<80x128xf32, #tpu.memory_space<vmem_shared>>) target_semaphore(%run_scoped3A_126 : memref<!tpu.dma_semaphore, #tpu.memory_space<semaphore_mem>>)
      %dma_wait3A_139 = arith.constant 0 : i32
      %dma_wait3A_140 = arith.constant 0 : i32
      %dma_wait3A_141 = tpu.memref_slice %arg8[%run_scoped3A_19, %dma_wait3A_139, %dma_wait3A_140] : memref<2x80x128xf32, #tpu.memory_space<vmem>> -> memref<1x80x128xf32, #tpu.memory_space<vmem>>
      %dma_wait3A_142 = tpu.memref_squeeze %dma_wait3A_141 : memref<1x80x128xf32, #tpu.memory_space<vmem>> -> memref<80x128xf32, #tpu.memory_space<vmem>>
      %dma_wait3A_143 = arith.constant 0 : i32
      %dma_wait3A_144 = tpu.memref_slice %arg9[%add3A_18, %dma_wait3A_143] : memref<10240x128xf32, #tpu.memory_space<vmem_shared>> -> memref<80x128xf32, #tpu.memory_space<vmem_shared>>
      %dma_wait3A_145 = arith.constant 0 : i32
      %dma_wait3A_146 = tpu.memref_slice %arg9[%add3A_18, %dma_wait3A_145] : memref<10240x128xf32, #tpu.memory_space<vmem_shared>> -> memref<80x128xf32, #tpu.memory_space<vmem_shared>>
      %dma_wait3A_147 = arith.constant 0 : i32
      %dma_wait3A_148 = arith.constant 0 : i32
      %dma_wait3A_149 = tpu.memref_slice %arg8[%run_scoped3A_19, %dma_wait3A_147, %dma_wait3A_148] : memref<2x80x128xf32, #tpu.memory_space<vmem>> -> memref<1x80x128xf32, #tpu.memory_space<vmem>>
      %dma_wait3A_150 = tpu.memref_squeeze %dma_wait3A_149 : memref<1x80x128xf32, #tpu.memory_space<vmem>> -> memref<80x128xf32, #tpu.memory_space<vmem>>
      tpu.wait_dma2 semaphore(%run_scoped3A_126 : memref<!tpu.dma_semaphore, #tpu.memory_space<semaphore_mem>>) src(%dma_wait3A_150 : memref<80x128xf32, #tpu.memory_space<vmem>>) dst(%dma_wait3A_146 : memref<80x128xf32, #tpu.memory_space<vmem_shared>>)
      tpu.yield
    }) : () -> ()
    %add3A_20 = arith.constant 320 : i32
    %add3A_21 = arith.addi %mul3A_8, %add3A_20 : i32
    %run_scoped3A_22 = arith.constant 0 : i32
    "tpu.region"() ({
      %run_scoped3A_126 = tpu.sem_alloc : memref<!tpu.dma_semaphore, #tpu.memory_space<semaphore_mem>>
      %dma_start3A_127 = arith.constant 0 : i32
      %dma_start3A_128 = arith.constant 0 : i32
      %dma_start3A_129 = tpu.memref_slice %arg8[%run_scoped3A_22, %dma_start3A_127, %dma_start3A_128] : memref<2x80x128xf32, #tpu.memory_space<vmem>> -> memref<1x80x128xf32, #tpu.memory_space<vmem>>
      %dma_start3A_130 = tpu.memref_squeeze %dma_start3A_129 : memref<1x80x128xf32, #tpu.memory_space<vmem>> -> memref<80x128xf32, #tpu.memory_space<vmem>>
      %dma_start3A_131 = arith.constant 0 : i32
      %dma_start3A_132 = tpu.memref_slice %arg9[%add3A_21, %dma_start3A_131] : memref<10240x128xf32, #tpu.memory_space<vmem_shared>> -> memref<80x128xf32, #tpu.memory_space<vmem_shared>>
      %dma_start3A_133 = arith.constant 0 : i32
      %dma_start3A_134 = tpu.memref_slice %arg9[%add3A_21, %dma_start3A_133] : memref<10240x128xf32, #tpu.memory_space<vmem_shared>> -> memref<80x128xf32, #tpu.memory_space<vmem_shared>>
      %dma_start3A_135 = arith.constant 0 : i32
      %dma_start3A_136 = arith.constant 0 : i32
      %dma_start3A_137 = tpu.memref_slice %arg8[%run_scoped3A_22, %dma_start3A_135, %dma_start3A_136] : memref<2x80x128xf32, #tpu.memory_space<vmem>> -> memref<1x80x128xf32, #tpu.memory_space<vmem>>
      %dma_start3A_138 = tpu.memref_squeeze %dma_start3A_137 : memref<1x80x128xf32, #tpu.memory_space<vmem>> -> memref<80x128xf32, #tpu.memory_space<vmem>>
      tpu.enqueue_dma source(%dma_start3A_138 : memref<80x128xf32, #tpu.memory_space<vmem>>) target(%dma_start3A_134 : memref<80x128xf32, #tpu.memory_space<vmem_shared>>) target_semaphore(%run_scoped3A_126 : memref<!tpu.dma_semaphore, #tpu.memory_space<semaphore_mem>>)
      %dma_wait3A_139 = arith.constant 0 : i32
      %dma_wait3A_140 = arith.constant 0 : i32
      %dma_wait3A_141 = tpu.memref_slice %arg8[%run_scoped3A_22, %dma_wait3A_139, %dma_wait3A_140] : memref<2x80x128xf32, #tpu.memory_space<vmem>> -> memref<1x80x128xf32, #tpu.memory_space<vmem>>
      %dma_wait3A_142 = tpu.memref_squeeze %dma_wait3A_141 : memref<1x80x128xf32, #tpu.memory_space<vmem>> -> memref<80x128xf32, #tpu.memory_space<vmem>>
      %dma_wait3A_143 = arith.constant 0 : i32
      %dma_wait3A_144 = tpu.memref_slice %arg9[%add3A_21, %dma_wait3A_143] : memref<10240x128xf32, #tpu.memory_space<vmem_shared>> -> memref<80x128xf32, #tpu.memory_space<vmem_shared>>
      %dma_wait3A_145 = arith.constant 0 : i32
      %dma_wait3A_146 = tpu.memref_slice %arg9[%add3A_21, %dma_wait3A_145] : memref<10240x128xf32, #tpu.memory_space<vmem_shared>> -> memref<80x128xf32, #tpu.memory_space<vmem_shared>>
      %dma_wait3A_147 = arith.constant 0 : i32
      %dma_wait3A_148 = arith.constant 0 : i32
      %dma_wait3A_149 = tpu.memref_slice %arg8[%run_scoped3A_22, %dma_wait3A_147, %dma_wait3A_148] : memref<2x80x128xf32, #tpu.memory_space<vmem>> -> memref<1x80x128xf32, #tpu.memory_space<vmem>>
      %dma_wait3A_150 = tpu.memref_squeeze %dma_wait3A_149 : memref<1x80x128xf32, #tpu.memory_space<vmem>> -> memref<80x128xf32, #tpu.memory_space<vmem>>
      tpu.wait_dma2 semaphore(%run_scoped3A_126 : memref<!tpu.dma_semaphore, #tpu.memory_space<semaphore_mem>>) src(%dma_wait3A_150 : memref<80x128xf32, #tpu.memory_space<vmem>>) dst(%dma_wait3A_146 : memref<80x128xf32, #tpu.memory_space<vmem_shared>>)
      tpu.yield
    }) : () -> ()
    %add3A_23 = arith.constant 400 : i32
    %add3A_24 = arith.addi %mul3A_8, %add3A_23 : i32
    %run_scoped3A_25 = arith.constant 0 : i32
    "tpu.region"() ({
      %run_scoped3A_126 = tpu.sem_alloc : memref<!tpu.dma_semaphore, #tpu.memory_space<semaphore_mem>>
      %dma_start3A_127 = arith.constant 0 : i32
      %dma_start3A_128 = arith.constant 0 : i32
      %dma_start3A_129 = tpu.memref_slice %arg8[%run_scoped3A_25, %dma_start3A_127, %dma_start3A_128] : memref<2x80x128xf32, #tpu.memory_space<vmem>> -> memref<1x80x128xf32, #tpu.memory_space<vmem>>
      %dma_start3A_130 = tpu.memref_squeeze %dma_start3A_129 : memref<1x80x128xf32, #tpu.memory_space<vmem>> -> memref<80x128xf32, #tpu.memory_space<vmem>>
      %dma_start3A_131 = arith.constant 0 : i32
      %dma_start3A_132 = tpu.memref_slice %arg9[%add3A_24, %dma_start3A_131] : memref<10240x128xf32, #tpu.memory_space<vmem_shared>> -> memref<80x128xf32, #tpu.memory_space<vmem_shared>>
      %dma_start3A_133 = arith.constant 0 : i32
      %dma_start3A_134 = tpu.memref_slice %arg9[%add3A_24, %dma_start3A_133] : memref<10240x128xf32, #tpu.memory_space<vmem_shared>> -> memref<80x128xf32, #tpu.memory_space<vmem_shared>>
      %dma_start3A_135 = arith.constant 0 : i32
      %dma_start3A_136 = arith.constant 0 : i32
      %dma_start3A_137 = tpu.memref_slice %arg8[%run_scoped3A_25, %dma_start3A_135, %dma_start3A_136] : memref<2x80x128xf32, #tpu.memory_space<vmem>> -> memref<1x80x128xf32, #tpu.memory_space<vmem>>
      %dma_start3A_138 = tpu.memref_squeeze %dma_start3A_137 : memref<1x80x128xf32, #tpu.memory_space<vmem>> -> memref<80x128xf32, #tpu.memory_space<vmem>>
      tpu.enqueue_dma source(%dma_start3A_138 : memref<80x128xf32, #tpu.memory_space<vmem>>) target(%dma_start3A_134 : memref<80x128xf32, #tpu.memory_space<vmem_shared>>) target_semaphore(%run_scoped3A_126 : memref<!tpu.dma_semaphore, #tpu.memory_space<semaphore_mem>>)
      %dma_wait3A_139 = arith.constant 0 : i32
      %dma_wait3A_140 = arith.constant 0 : i32
      %dma_wait3A_141 = tpu.memref_slice %arg8[%run_scoped3A_25, %dma_wait3A_139, %dma_wait3A_140] : memref<2x80x128xf32, #tpu.memory_space<vmem>> -> memref<1x80x128xf32, #tpu.memory_space<vmem>>
      %dma_wait3A_142 = tpu.memref_squeeze %dma_wait3A_141 : memref<1x80x128xf32, #tpu.memory_space<vmem>> -> memref<80x128xf32, #tpu.memory_space<vmem>>
      %dma_wait3A_143 = arith.constant 0 : i32
      %dma_wait3A_144 = tpu.memref_slice %arg9[%add3A_24, %dma_wait3A_143] : memref<10240x128xf32, #tpu.memory_space<vmem_shared>> -> memref<80x128xf32, #tpu.memory_space<vmem_shared>>
      %dma_wait3A_145 = arith.constant 0 : i32
      %dma_wait3A_146 = tpu.memref_slice %arg9[%add3A_24, %dma_wait3A_145] : memref<10240x128xf32, #tpu.memory_space<vmem_shared>> -> memref<80x128xf32, #tpu.memory_space<vmem_shared>>
      %dma_wait3A_147 = arith.constant 0 : i32
      %dma_wait3A_148 = arith.constant 0 : i32
      %dma_wait3A_149 = tpu.memref_slice %arg8[%run_scoped3A_25, %dma_wait3A_147, %dma_wait3A_148] : memref<2x80x128xf32, #tpu.memory_space<vmem>> -> memref<1x80x128xf32, #tpu.memory_space<vmem>>
      %dma_wait3A_150 = tpu.memref_squeeze %dma_wait3A_149 : memref<1x80x128xf32, #tpu.memory_space<vmem>> -> memref<80x128xf32, #tpu.memory_space<vmem>>
      tpu.wait_dma2 semaphore(%run_scoped3A_126 : memref<!tpu.dma_semaphore, #tpu.memory_space<semaphore_mem>>) src(%dma_wait3A_150 : memref<80x128xf32, #tpu.memory_space<vmem>>) dst(%dma_wait3A_146 : memref<80x128xf32, #tpu.memory_space<vmem_shared>>)
      tpu.yield
    }) : () -> ()
    %add3A_26 = arith.constant 480 : i32
    %add3A_27 = arith.addi %mul3A_8, %add3A_26 : i32
    %run_scoped3A_28 = arith.constant 0 : i32
    "tpu.region"() ({
      %run_scoped3A_126 = tpu.sem_alloc : memref<!tpu.dma_semaphore, #tpu.memory_space<semaphore_mem>>
      %dma_start3A_127 = arith.constant 0 : i32
      %dma_start3A_128 = arith.constant 0 : i32
      %dma_start3A_129 = tpu.memref_slice %arg8[%run_scoped3A_28, %dma_start3A_127, %dma_start3A_128] : memref<2x80x128xf32, #tpu.memory_space<vmem>> -> memref<1x80x128xf32, #tpu.memory_space<vmem>>
      %dma_start3A_130 = tpu.memref_squeeze %dma_start3A_129 : memref<1x80x128xf32, #tpu.memory_space<vmem>> -> memref<80x128xf32, #tpu.memory_space<vmem>>
      %dma_start3A_131 = arith.constant 0 : i32
      %dma_start3A_132 = tpu.memref_slice %arg9[%add3A_27, %dma_start3A_131] : memref<10240x128xf32, #tpu.memory_space<vmem_shared>> -> memref<80x128xf32, #tpu.memory_space<vmem_shared>>
      %dma_start3A_133 = arith.constant 0 : i32
      %dma_start3A_134 = tpu.memref_slice %arg9[%add3A_27, %dma_start3A_133] : memref<10240x128xf32, #tpu.memory_space<vmem_shared>> -> memref<80x128xf32, #tpu.memory_space<vmem_shared>>
      %dma_start3A_135 = arith.constant 0 : i32
      %dma_start3A_136 = arith.constant 0 : i32
      %dma_start3A_137 = tpu.memref_slice %arg8[%run_scoped3A_28, %dma_start3A_135, %dma_start3A_136] : memref<2x80x128xf32, #tpu.memory_space<vmem>> -> memref<1x80x128xf32, #tpu.memory_space<vmem>>
      %dma_start3A_138 = tpu.memref_squeeze %dma_start3A_137 : memref<1x80x128xf32, #tpu.memory_space<vmem>> -> memref<80x128xf32, #tpu.memory_space<vmem>>
      tpu.enqueue_dma source(%dma_start3A_138 : memref<80x128xf32, #tpu.memory_space<vmem>>) target(%dma_start3A_134 : memref<80x128xf32, #tpu.memory_space<vmem_shared>>) target_semaphore(%run_scoped3A_126 : memref<!tpu.dma_semaphore, #tpu.memory_space<semaphore_mem>>)
      %dma_wait3A_139 = arith.constant 0 : i32
      %dma_wait3A_140 = arith.constant 0 : i32
      %dma_wait3A_141 = tpu.memref_slice %arg8[%run_scoped3A_28, %dma_wait3A_139, %dma_wait3A_140] : memref<2x80x128xf32, #tpu.memory_space<vmem>> -> memref<1x80x128xf32, #tpu.memory_space<vmem>>
      %dma_wait3A_142 = tpu.memref_squeeze %dma_wait3A_141 : memref<1x80x128xf32, #tpu.memory_space<vmem>> -> memref<80x128xf32, #tpu.memory_space<vmem>>
      %dma_wait3A_143 = arith.constant 0 : i32
      %dma_wait3A_144 = tpu.memref_slice %arg9[%add3A_27, %dma_wait3A_143] : memref<10240x128xf32, #tpu.memory_space<vmem_shared>> -> memref<80x128xf32, #tpu.memory_space<vmem_shared>>
      %dma_wait3A_145 = arith.constant 0 : i32
      %dma_wait3A_146 = tpu.memref_slice %arg9[%add3A_27, %dma_wait3A_145] : memref<10240x128xf32, #tpu.memory_space<vmem_shared>> -> memref<80x128xf32, #tpu.memory_space<vmem_shared>>
      %dma_wait3A_147 = arith.constant 0 : i32
      %dma_wait3A_148 = arith.constant 0 : i32
      %dma_wait3A_149 = tpu.memref_slice %arg8[%run_scoped3A_28, %dma_wait3A_147, %dma_wait3A_148] : memref<2x80x128xf32, #tpu.memory_space<vmem>> -> memref<1x80x128xf32, #tpu.memory_space<vmem>>
      %dma_wait3A_150 = tpu.memref_squeeze %dma_wait3A_149 : memref<1x80x128xf32, #tpu.memory_space<vmem>> -> memref<80x128xf32, #tpu.memory_space<vmem>>
      tpu.wait_dma2 semaphore(%run_scoped3A_126 : memref<!tpu.dma_semaphore, #tpu.memory_space<semaphore_mem>>) src(%dma_wait3A_150 : memref<80x128xf32, #tpu.memory_space<vmem>>) dst(%dma_wait3A_146 : memref<80x128xf32, #tpu.memory_space<vmem_shared>>)
      tpu.yield
    }) : () -> ()
    %add3A_29 = arith.constant 560 : i32
    %add3A_30 = arith.addi %mul3A_8, %add3A_29 : i32
    %run_scoped3A_31 = arith.constant 0 : i32
    "tpu.region"() ({
      %run_scoped3A_126 = tpu.sem_alloc : memref<!tpu.dma_semaphore, #tpu.memory_space<semaphore_mem>>
      %dma_start3A_127 = arith.constant 0 : i32
      %dma_start3A_128 = arith.constant 0 : i32
      %dma_start3A_129 = tpu.memref_slice %arg8[%run_scoped3A_31, %dma_start3A_127, %dma_start3A_128] : memref<2x80x128xf32, #tpu.memory_space<vmem>> -> memref<1x80x128xf32, #tpu.memory_space<vmem>>
      %dma_start3A_130 = tpu.memref_squeeze %dma_start3A_129 : memref<1x80x128xf32, #tpu.memory_space<vmem>> -> memref<80x128xf32, #tpu.memory_space<vmem>>
      %dma_start3A_131 = arith.constant 0 : i32
      %dma_start3A_132 = tpu.memref_slice %arg9[%add3A_30, %dma_start3A_131] : memref<10240x128xf32, #tpu.memory_space<vmem_shared>> -> memref<80x128xf32, #tpu.memory_space<vmem_shared>>
      %dma_start3A_133 = arith.constant 0 : i32
      %dma_start3A_134 = tpu.memref_slice %arg9[%add3A_30, %dma_start3A_133] : memref<10240x128xf32, #tpu.memory_space<vmem_shared>> -> memref<80x128xf32, #tpu.memory_space<vmem_shared>>
      %dma_start3A_135 = arith.constant 0 : i32
      %dma_start3A_136 = arith.constant 0 : i32
      %dma_start3A_137 = tpu.memref_slice %arg8[%run_scoped3A_31, %dma_start3A_135, %dma_start3A_136] : memref<2x80x128xf32, #tpu.memory_space<vmem>> -> memref<1x80x128xf32, #tpu.memory_space<vmem>>
      %dma_start3A_138 = tpu.memref_squeeze %dma_start3A_137 : memref<1x80x128xf32, #tpu.memory_space<vmem>> -> memref<80x128xf32, #tpu.memory_space<vmem>>
      tpu.enqueue_dma source(%dma_start3A_138 : memref<80x128xf32, #tpu.memory_space<vmem>>) target(%dma_start3A_134 : memref<80x128xf32, #tpu.memory_space<vmem_shared>>) target_semaphore(%run_scoped3A_126 : memref<!tpu.dma_semaphore, #tpu.memory_space<semaphore_mem>>)
      %dma_wait3A_139 = arith.constant 0 : i32
      %dma_wait3A_140 = arith.constant 0 : i32
      %dma_wait3A_141 = tpu.memref_slice %arg8[%run_scoped3A_31, %dma_wait3A_139, %dma_wait3A_140] : memref<2x80x128xf32, #tpu.memory_space<vmem>> -> memref<1x80x128xf32, #tpu.memory_space<vmem>>
      %dma_wait3A_142 = tpu.memref_squeeze %dma_wait3A_141 : memref<1x80x128xf32, #tpu.memory_space<vmem>> -> memref<80x128xf32, #tpu.memory_space<vmem>>
      %dma_wait3A_143 = arith.constant 0 : i32
      %dma_wait3A_144 = tpu.memref_slice %arg9[%add3A_30, %dma_wait3A_143] : memref<10240x128xf32, #tpu.memory_space<vmem_shared>> -> memref<80x128xf32, #tpu.memory_space<vmem_shared>>
      %dma_wait3A_145 = arith.constant 0 : i32
      %dma_wait3A_146 = tpu.memref_slice %arg9[%add3A_30, %dma_wait3A_145] : memref<10240x128xf32, #tpu.memory_space<vmem_shared>> -> memref<80x128xf32, #tpu.memory_space<vmem_shared>>
      %dma_wait3A_147 = arith.constant 0 : i32
      %dma_wait3A_148 = arith.constant 0 : i32
      %dma_wait3A_149 = tpu.memref_slice %arg8[%run_scoped3A_31, %dma_wait3A_147, %dma_wait3A_148] : memref<2x80x128xf32, #tpu.memory_space<vmem>> -> memref<1x80x128xf32, #tpu.memory_space<vmem>>
      %dma_wait3A_150 = tpu.memref_squeeze %dma_wait3A_149 : memref<1x80x128xf32, #tpu.memory_space<vmem>> -> memref<80x128xf32, #tpu.memory_space<vmem>>
      tpu.wait_dma2 semaphore(%run_scoped3A_126 : memref<!tpu.dma_semaphore, #tpu.memory_space<semaphore_mem>>) src(%dma_wait3A_150 : memref<80x128xf32, #tpu.memory_space<vmem>>) dst(%dma_wait3A_146 : memref<80x128xf32, #tpu.memory_space<vmem_shared>>)
      tpu.yield
    }) : () -> ()
    %multiple_of3A = arith.constant 0 : i32
    %multiple_of3A_32 = tpu.assume_multiple %multiple_of3A, 8 : i32
    %dma_start3A = arith.constant 0 : i32
    %dma_start3A_33 = arith.constant 0 : i32
    %dma_start3A_34 = arith.constant 0 : i32
    %dma_start3A_35 = arith.constant 0 : i32
    %dma_start3A_36 = tpu.memref_slice %arg8[%dma_start3A, %dma_start3A_34, %dma_start3A_35] : memref<2x80x128xf32, #tpu.memory_space<vmem>> -> memref<1x80x128xf32, #tpu.memory_space<vmem>>
    %dma_start3A_37 = tpu.memref_squeeze %dma_start3A_36 : memref<1x80x128xf32, #tpu.memory_space<vmem>> -> memref<80x128xf32, #tpu.memory_space<vmem>>
    %dma_start3A_38 = tpu.memref_slice %arg6[%multiple_of3A_32] : memref<10000xi32, #tpu.memory_space<vmem>> -> memref<80xi32, #tpu.memory_space<vmem>>
    %dma_start3A_39 = arith.constant 0 : i32
    %dma_start3A_40 = arith.constant 0 : i32
    %dma_start3A_41 = tpu.memref_slice %arg2[%dma_start3A_39, %dma_start3A_40] : memref<10240x128xf32, #tpu.memory_space<hbm>> -> memref<10240x128xf32, #tpu.memory_space<hbm>>
    %dma_start3A_42 = tpu.memref_slice %arg10[%dma_start3A_33] : memref<2x!tpu.dma_semaphore, #tpu.memory_space<semaphore_mem>> -> memref<1x!tpu.dma_semaphore, #tpu.memory_space<semaphore_mem>>
    %dma_start3A_43 = tpu.memref_squeeze %dma_start3A_42 : memref<1x!tpu.dma_semaphore, #tpu.memory_space<semaphore_mem>> -> memref<!tpu.dma_semaphore, #tpu.memory_space<semaphore_mem>>
    tpu.enqueue_indirect_dma source(%dma_start3A_41 : memref<10240x128xf32, #tpu.memory_space<hbm>>) target(%dma_start3A_37 : memref<80x128xf32, #tpu.memory_space<vmem>>) offsets(%dma_start3A_38 : memref<80xi32, #tpu.memory_space<vmem>>) semaphore(%dma_start3A_43 : memref<!tpu.dma_semaphore, #tpu.memory_space<semaphore_mem>>)
    %multiple_of3A_44 = arith.constant 80 : i32
    %multiple_of3A_45 = tpu.assume_multiple %multiple_of3A_44, 8 : i32
    %dma_start3A_46 = arith.constant 1 : i32
    %dma_start3A_47 = arith.constant 1 : i32
    %dma_start3A_48 = arith.constant 0 : i32
    %dma_start3A_49 = arith.constant 0 : i32
    %dma_start3A_50 = tpu.memref_slice %arg8[%dma_start3A_46, %dma_start3A_48, %dma_start3A_49] : memref<2x80x128xf32, #tpu.memory_space<vmem>> -> memref<1x80x128xf32, #tpu.memory_space<vmem>>
    %dma_start3A_51 = tpu.memref_squeeze %dma_start3A_50 : memref<1x80x128xf32, #tpu.memory_space<vmem>> -> memref<80x128xf32, #tpu.memory_space<vmem>>
    %dma_start3A_52 = tpu.memref_slice %arg6[%multiple_of3A_45] : memref<10000xi32, #tpu.memory_space<vmem>> -> memref<80xi32, #tpu.memory_space<vmem>>
    %dma_start3A_53 = arith.constant 0 : i32
    %dma_start3A_54 = arith.constant 0 : i32
    %dma_start3A_55 = tpu.memref_slice %arg2[%dma_start3A_53, %dma_start3A_54] : memref<10240x128xf32, #tpu.memory_space<hbm>> -> memref<10240x128xf32, #tpu.memory_space<hbm>>
    %dma_start3A_56 = tpu.memref_slice %arg10[%dma_start3A_47] : memref<2x!tpu.dma_semaphore, #tpu.memory_space<semaphore_mem>> -> memref<1x!tpu.dma_semaphore, #tpu.memory_space<semaphore_mem>>
    %dma_start3A_57 = tpu.memref_squeeze %dma_start3A_56 : memref<1x!tpu.dma_semaphore, #tpu.memory_space<semaphore_mem>> -> memref<!tpu.dma_semaphore, #tpu.memory_space<semaphore_mem>>
    tpu.enqueue_indirect_dma source(%dma_start3A_55 : memref<10240x128xf32, #tpu.memory_space<hbm>>) target(%dma_start3A_51 : memref<80x128xf32, #tpu.memory_space<vmem>>) offsets(%dma_start3A_52 : memref<80xi32, #tpu.memory_space<vmem>>) semaphore(%dma_start3A_57 : memref<!tpu.dma_semaphore, #tpu.memory_space<semaphore_mem>>)
    %barrier3A = arith.constant 0 : index
    tpu.barrier barrier_id(%barrier3A)
    %scan3A_58 = arith.constant 0 : i32
    %scan3A_59 = arith.constant 0 : i32
    %scan3A_60 = arith.constant 61 : i32
    %scan3A_61 = arith.addi %scan3A_59, %scan3A_60 : i32
    %scan3A_62 = arith.constant 1 : i32
    scf.for %scan3A_126 = %scan3A_59 to %scan3A_61 step %scan3A_62  : i32 {
      %mul3A_127 = arith.constant 2 : i32
      %mul3A_128 = arith.muli %scan3A_126, %mul3A_127 : i32
      %add3A_129 = arith.constant 0 : i32
      %add3A_130 = arith.addi %mul3A_128, %add3A_129 : i32
      %mul3A_131 = arith.constant 80 : i32
      %mul3A_132 = arith.muli %add3A_130, %mul3A_131 : i32
      %multiple_of3A_133 = tpu.assume_multiple %mul3A_132, 8 : i32
      %dma_wait3A_134 = arith.constant 0 : i32
      %dma_wait3A_135 = arith.constant 0 : i32
      %dma_wait3A_136 = arith.constant 0 : i32
      %dma_wait3A_137 = arith.constant 0 : i32
      %dma_wait3A_138 = tpu.memref_slice %arg8[%dma_wait3A_134, %dma_wait3A_136, %dma_wait3A_137] : memref<2x80x128xf32, #tpu.memory_space<vmem>> -> memref<1x80x128xf32, #tpu.memory_space<vmem>>
      %dma_wait3A_139 = tpu.memref_squeeze %dma_wait3A_138 : memref<1x80x128xf32, #tpu.memory_space<vmem>> -> memref<80x128xf32, #tpu.memory_space<vmem>>
      %dma_wait3A_140 = tpu.memref_slice %arg6[%multiple_of3A_133] : memref<10000xi32, #tpu.memory_space<vmem>> -> memref<80xi32, #tpu.memory_space<vmem>>
      %dma_wait3A_141 = arith.constant 0 : i32
      %dma_wait3A_142 = arith.constant 0 : i32
      %dma_wait3A_143 = tpu.memref_slice %arg2[%dma_wait3A_141, %dma_wait3A_142] : memref<10240x128xf32, #tpu.memory_space<hbm>> -> memref<10240x128xf32, #tpu.memory_space<hbm>>
      %dma_wait3A_144 = tpu.memref_slice %arg10[%dma_wait3A_135] : memref<2x!tpu.dma_semaphore, #tpu.memory_space<semaphore_mem>> -> memref<1x!tpu.dma_semaphore, #tpu.memory_space<semaphore_mem>>
      %dma_wait3A_145 = tpu.memref_squeeze %dma_wait3A_144 : memref<1x!tpu.dma_semaphore, #tpu.memory_space<semaphore_mem>> -> memref<!tpu.dma_semaphore, #tpu.memory_space<semaphore_mem>>
      tpu.wait_indirect_dma semaphore(%dma_wait3A_145 : memref<!tpu.dma_semaphore, #tpu.memory_space<semaphore_mem>>) src(%dma_wait3A_143 : memref<10240x128xf32, #tpu.memory_space<hbm>>) dst(%dma_wait3A_139 : memref<80x128xf32, #tpu.memory_space<vmem>>)
      %run_scoped3A_146 = arith.constant 0 : i32
      "tpu.region"() ({
        %run_scoped3A_201 = tpu.sem_alloc : memref<!tpu.dma_semaphore, #tpu.memory_space<semaphore_mem>>
        %dma_start3A_202 = arith.constant 0 : i32
        %dma_start3A_203 = arith.constant 0 : i32
        %dma_start3A_204 = tpu.memref_slice %arg8[%run_scoped3A_146, %dma_start3A_202, %dma_start3A_203] : memref<2x80x128xf32, #tpu.memory_space<vmem>> -> memref<1x80x128xf32, #tpu.memory_space<vmem>>
        %dma_start3A_205 = tpu.memref_squeeze %dma_start3A_204 : memref<1x80x128xf32, #tpu.memory_space<vmem>> -> memref<80x128xf32, #tpu.memory_space<vmem>>
        %dma_start3A_206 = arith.constant 0 : i32
        %dma_start3A_207 = tpu.memref_slice %arg7[%add3A_130, %dma_start3A_206] : memref<125x80xi32, #tpu.memory_space<vmem>> -> memref<1x80xi32, #tpu.memory_space<vmem>>
        %dma_start3A_208 = tpu.memref_squeeze %dma_start3A_207 : memref<1x80xi32, #tpu.memory_space<vmem>> -> memref<80xi32, #tpu.memory_space<vmem>>
        %dma_start3A_209 = arith.constant 0 : i32
        %dma_start3A_210 = arith.constant 0 : i32
        %dma_start3A_211 = tpu.memref_slice %arg9[%dma_start3A_209, %dma_start3A_210] : memref<10240x128xf32, #tpu.memory_space<vmem_shared>> -> memref<10240x128xf32, #tpu.memory_space<vmem_shared>>
        tpu.enqueue_indirect_dma source(%dma_start3A_205 : memref<80x128xf32, #tpu.memory_space<vmem>>) target(%dma_start3A_211 : memref<10240x128xf32, #tpu.memory_space<vmem_shared>>) offsets(%dma_start3A_208 : memref<80xi32, #tpu.memory_space<vmem>>) semaphore(%run_scoped3A_201 : memref<!tpu.dma_semaphore, #tpu.memory_space<semaphore_mem>>) {add = true}
        %dma_wait3A_212 = arith.constant 0 : i32
        %dma_wait3A_213 = arith.constant 0 : i32
        %dma_wait3A_214 = tpu.memref_slice %arg8[%run_scoped3A_146, %dma_wait3A_212, %dma_wait3A_213] : memref<2x80x128xf32, #tpu.memory_space<vmem>> -> memref<1x80x128xf32, #tpu.memory_space<vmem>>
        %dma_wait3A_215 = tpu.memref_squeeze %dma_wait3A_214 : memref<1x80x128xf32, #tpu.memory_space<vmem>> -> memref<80x128xf32, #tpu.memory_space<vmem>>
        %dma_wait3A_216 = arith.constant 0 : i32
        %dma_wait3A_217 = tpu.memref_slice %arg7[%add3A_130, %dma_wait3A_216] : memref<125x80xi32, #tpu.memory_space<vmem>> -> memref<1x80xi32, #tpu.memory_space<vmem>>
        %dma_wait3A_218 = tpu.memref_squeeze %dma_wait3A_217 : memref<1x80xi32, #tpu.memory_space<vmem>> -> memref<80xi32, #tpu.memory_space<vmem>>
        %dma_wait3A_219 = arith.constant 0 : i32
        %dma_wait3A_220 = arith.constant 0 : i32
        %dma_wait3A_221 = tpu.memref_slice %arg9[%dma_wait3A_219, %dma_wait3A_220] : memref<10240x128xf32, #tpu.memory_space<vmem_shared>> -> memref<10240x128xf32, #tpu.memory_space<vmem_shared>>
        tpu.wait_indirect_dma semaphore(%run_scoped3A_201 : memref<!tpu.dma_semaphore, #tpu.memory_space<semaphore_mem>>) src(%dma_wait3A_215 : memref<80x128xf32, #tpu.memory_space<vmem>>) dst(%dma_wait3A_221 : memref<10240x128xf32, #tpu.memory_space<vmem_shared>>)
        tpu.yield
      }) : () -> ()
      %add3A_147 = arith.constant 2 : i32
      %add3A_148 = arith.addi %add3A_130, %add3A_147 : i32
      %mul3A_149 = arith.constant 80 : i32
      %mul3A_150 = arith.muli %add3A_148, %mul3A_149 : i32
      %multiple_of3A_151 = tpu.assume_multiple %mul3A_150, 8 : i32
      %dma_start3A_152 = arith.constant 0 : i32
      %dma_start3A_153 = arith.constant 0 : i32
      %dma_start3A_154 = arith.constant 0 : i32
      %dma_start3A_155 = arith.constant 0 : i32
      %dma_start3A_156 = tpu.memref_slice %arg8[%dma_start3A_152, %dma_start3A_154, %dma_start3A_155] : memref<2x80x128xf32, #tpu.memory_space<vmem>> -> memref<1x80x128xf32, #tpu.memory_space<vmem>>
      %dma_start3A_157 = tpu.memref_squeeze %dma_start3A_156 : memref<1x80x128xf32, #tpu.memory_space<vmem>> -> memref<80x128xf32, #tpu.memory_space<vmem>>
      %dma_start3A_158 = tpu.memref_slice %arg6[%multiple_of3A_151] : memref<10000xi32, #tpu.memory_space<vmem>> -> memref<80xi32, #tpu.memory_space<vmem>>
      %dma_start3A_159 = arith.constant 0 : i32
      %dma_start3A_160 = arith.constant 0 : i32
      %dma_start3A_161 = tpu.memref_slice %arg2[%dma_start3A_159, %dma_start3A_160] : memref<10240x128xf32, #tpu.memory_space<hbm>> -> memref<10240x128xf32, #tpu.memory_space<hbm>>
      %dma_start3A_162 = tpu.memref_slice %arg10[%dma_start3A_153] : memref<2x!tpu.dma_semaphore, #tpu.memory_space<semaphore_mem>> -> memref<1x!tpu.dma_semaphore, #tpu.memory_space<semaphore_mem>>
      %dma_start3A_163 = tpu.memref_squeeze %dma_start3A_162 : memref<1x!tpu.dma_semaphore, #tpu.memory_space<semaphore_mem>> -> memref<!tpu.dma_semaphore, #tpu.memory_space<semaphore_mem>>
      tpu.enqueue_indirect_dma source(%dma_start3A_161 : memref<10240x128xf32, #tpu.memory_space<hbm>>) target(%dma_start3A_157 : memref<80x128xf32, #tpu.memory_space<vmem>>) offsets(%dma_start3A_158 : memref<80xi32, #tpu.memory_space<vmem>>) semaphore(%dma_start3A_163 : memref<!tpu.dma_semaphore, #tpu.memory_space<semaphore_mem>>)
      %mul3A_164 = arith.constant 2 : i32
      %mul3A_165 = arith.muli %scan3A_126, %mul3A_164 : i32
      %add3A_166 = arith.constant 1 : i32
      %add3A_167 = arith.addi %mul3A_165, %add3A_166 : i32
      %mul3A_168 = arith.constant 80 : i32
      %mul3A_169 = arith.muli %add3A_167, %mul3A_168 : i32
      %multiple_of3A_170 = tpu.assume_multiple %mul3A_169, 8 : i32
      %dma_wait3A_171 = arith.constant 1 : i32
      %dma_wait3A_172 = arith.constant 1 : i32
      %dma_wait3A_173 = arith.constant 0 : i32
      %dma_wait3A_174 = arith.constant 0 : i32
      %dma_wait3A_175 = tpu.memref_slice %arg8[%dma_wait3A_171, %dma_wait3A_173, %dma_wait3A_174] : memref<2x80x128xf32, #tpu.memory_space<vmem>> -> memref<1x80x128xf32, #tpu.memory_space<vmem>>
      %dma_wait3A_176 = tpu.memref_squeeze %dma_wait3A_175 : memref<1x80x128xf32, #tpu.memory_space<vmem>> -> memref<80x128xf32, #tpu.memory_space<vmem>>
      %dma_wait3A_177 = tpu.memref_slice %arg6[%multiple_of3A_170] : memref<10000xi32, #tpu.memory_space<vmem>> -> memref<80xi32, #tpu.memory_space<vmem>>
      %dma_wait3A_178 = arith.constant 0 : i32
      %dma_wait3A_179 = arith.constant 0 : i32
      %dma_wait3A_180 = tpu.memref_slice %arg2[%dma_wait3A_178, %dma_wait3A_179] : memref<10240x128xf32, #tpu.memory_space<hbm>> -> memref<10240x128xf32, #tpu.memory_space<hbm>>
      %dma_wait3A_181 = tpu.memref_slice %arg10[%dma_wait3A_172] : memref<2x!tpu.dma_semaphore, #tpu.memory_space<semaphore_mem>> -> memref<1x!tpu.dma_semaphore, #tpu.memory_space<semaphore_mem>>
      %dma_wait3A_182 = tpu.memref_squeeze %dma_wait3A_181 : memref<1x!tpu.dma_semaphore, #tpu.memory_space<semaphore_mem>> -> memref<!tpu.dma_semaphore, #tpu.memory_space<semaphore_mem>>
      tpu.wait_indirect_dma semaphore(%dma_wait3A_182 : memref<!tpu.dma_semaphore, #tpu.memory_space<semaphore_mem>>) src(%dma_wait3A_180 : memref<10240x128xf32, #tpu.memory_space<hbm>>) dst(%dma_wait3A_176 : memref<80x128xf32, #tpu.memory_space<vmem>>)
      %run_scoped3A_183 = arith.constant 1 : i32
      "tpu.region"() ({
        %run_scoped3A_201 = tpu.sem_alloc : memref<!tpu.dma_semaphore, #tpu.memory_space<semaphore_mem>>
        %dma_start3A_202 = arith.constant 0 : i32
        %dma_start3A_203 = arith.constant 0 : i32
        %dma_start3A_204 = tpu.memref_slice %arg8[%run_scoped3A_183, %dma_start3A_202, %dma_start3A_203] : memref<2x80x128xf32, #tpu.memory_space<vmem>> -> memref<1x80x128xf32, #tpu.memory_space<vmem>>
        %dma_start3A_205 = tpu.memref_squeeze %dma_start3A_204 : memref<1x80x128xf32, #tpu.memory_space<vmem>> -> memref<80x128xf32, #tpu.memory_space<vmem>>
        %dma_start3A_206 = arith.constant 0 : i32
        %dma_start3A_207 = tpu.memref_slice %arg7[%add3A_167, %dma_start3A_206] : memref<125x80xi32, #tpu.memory_space<vmem>> -> memref<1x80xi32, #tpu.memory_space<vmem>>
        %dma_start3A_208 = tpu.memref_squeeze %dma_start3A_207 : memref<1x80xi32, #tpu.memory_space<vmem>> -> memref<80xi32, #tpu.memory_space<vmem>>
        %dma_start3A_209 = arith.constant 0 : i32
        %dma_start3A_210 = arith.constant 0 : i32
        %dma_start3A_211 = tpu.memref_slice %arg9[%dma_start3A_209, %dma_start3A_210] : memref<10240x128xf32, #tpu.memory_space<vmem_shared>> -> memref<10240x128xf32, #tpu.memory_space<vmem_shared>>
        tpu.enqueue_indirect_dma source(%dma_start3A_205 : memref<80x128xf32, #tpu.memory_space<vmem>>) target(%dma_start3A_211 : memref<10240x128xf32, #tpu.memory_space<vmem_shared>>) offsets(%dma_start3A_208 : memref<80xi32, #tpu.memory_space<vmem>>) semaphore(%run_scoped3A_201 : memref<!tpu.dma_semaphore, #tpu.memory_space<semaphore_mem>>) {add = true}
        %dma_wait3A_212 = arith.constant 0 : i32
        %dma_wait3A_213 = arith.constant 0 : i32
        %dma_wait3A_214 = tpu.memref_slice %arg8[%run_scoped3A_183, %dma_wait3A_212, %dma_wait3A_213] : memref<2x80x128xf32, #tpu.memory_space<vmem>> -> memref<1x80x128xf32, #tpu.memory_space<vmem>>
        %dma_wait3A_215 = tpu.memref_squeeze %dma_wait3A_214 : memref<1x80x128xf32, #tpu.memory_space<vmem>> -> memref<80x128xf32, #tpu.memory_space<vmem>>
        %dma_wait3A_216 = arith.constant 0 : i32
        %dma_wait3A_217 = tpu.memref_slice %arg7[%add3A_167, %dma_wait3A_216] : memref<125x80xi32, #tpu.memory_space<vmem>> -> memref<1x80xi32, #tpu.memory_space<vmem>>
        %dma_wait3A_218 = tpu.memref_squeeze %dma_wait3A_217 : memref<1x80xi32, #tpu.memory_space<vmem>> -> memref<80xi32, #tpu.memory_space<vmem>>
        %dma_wait3A_219 = arith.constant 0 : i32
        %dma_wait3A_220 = arith.constant 0 : i32
        %dma_wait3A_221 = tpu.memref_slice %arg9[%dma_wait3A_219, %dma_wait3A_220] : memref<10240x128xf32, #tpu.memory_space<vmem_shared>> -> memref<10240x128xf32, #tpu.memory_space<vmem_shared>>
        tpu.wait_indirect_dma semaphore(%run_scoped3A_201 : memref<!tpu.dma_semaphore, #tpu.memory_space<semaphore_mem>>) src(%dma_wait3A_215 : memref<80x128xf32, #tpu.memory_space<vmem>>) dst(%dma_wait3A_221 : memref<10240x128xf32, #tpu.memory_space<vmem_shared>>)
        tpu.yield
      }) : () -> ()
      %add3A_184 = arith.constant 2 : i32
      %add3A_185 = arith.addi %add3A_167, %add3A_184 : i32
      %mul3A_186 = arith.constant 80 : i32
      %mul3A_187 = arith.muli %add3A_185, %mul3A_186 : i32
      %multiple_of3A_188 = tpu.assume_multiple %mul3A_187, 8 : i32
      %dma_start3A_189 = arith.constant 1 : i32
      %dma_start3A_190 = arith.constant 1 : i32
      %dma_start3A_191 = arith.constant 0 : i32
      %dma_start3A_192 = arith.constant 0 : i32
      %dma_start3A_193 = tpu.memref_slice %arg8[%dma_start3A_189, %dma_start3A_191, %dma_start3A_192] : memref<2x80x128xf32, #tpu.memory_space<vmem>> -> memref<1x80x128xf32, #tpu.memory_space<vmem>>
      %dma_start3A_194 = tpu.memref_squeeze %dma_start3A_193 : memref<1x80x128xf32, #tpu.memory_space<vmem>> -> memref<80x128xf32, #tpu.memory_space<vmem>>
      %dma_start3A_195 = tpu.memref_slice %arg6[%multiple_of3A_188] : memref<10000xi32, #tpu.memory_space<vmem>> -> memref<80xi32, #tpu.memory_space<vmem>>
      %dma_start3A_196 = arith.constant 0 : i32
      %dma_start3A_197 = arith.constant 0 : i32
      %dma_start3A_198 = tpu.memref_slice %arg2[%dma_start3A_196, %dma_start3A_197] : memref<10240x128xf32, #tpu.memory_space<hbm>> -> memref<10240x128xf32, #tpu.memory_space<hbm>>
      %dma_start3A_199 = tpu.memref_slice %arg10[%dma_start3A_190] : memref<2x!tpu.dma_semaphore, #tpu.memory_space<semaphore_mem>> -> memref<1x!tpu.dma_semaphore, #tpu.memory_space<semaphore_mem>>
      %dma_start3A_200 = tpu.memref_squeeze %dma_start3A_199 : memref<1x!tpu.dma_semaphore, #tpu.memory_space<semaphore_mem>> -> memref<!tpu.dma_semaphore, #tpu.memory_space<semaphore_mem>>
      tpu.enqueue_indirect_dma source(%dma_start3A_198 : memref<10240x128xf32, #tpu.memory_space<hbm>>) target(%dma_start3A_194 : memref<80x128xf32, #tpu.memory_space<vmem>>) offsets(%dma_start3A_195 : memref<80xi32, #tpu.memory_space<vmem>>) semaphore(%dma_start3A_200 : memref<!tpu.dma_semaphore, #tpu.memory_space<semaphore_mem>>)
    }
    %scan3A_63 = arith.constant 61 : i32
    %multiple_of3A_64 = arith.constant 9760 : i32
    %multiple_of3A_65 = tpu.assume_multiple %multiple_of3A_64, 8 : i32
    %dma_wait3A = arith.constant 0 : i32
    %dma_wait3A_66 = arith.constant 0 : i32
    %dma_wait3A_67 = arith.constant 0 : i32
    %dma_wait3A_68 = arith.constant 0 : i32
    %dma_wait3A_69 = tpu.memref_slice %arg8[%dma_wait3A, %dma_wait3A_67, %dma_wait3A_68] : memref<2x80x128xf32, #tpu.memory_space<vmem>> -> memref<1x80x128xf32, #tpu.memory_space<vmem>>
    %dma_wait3A_70 = tpu.memref_squeeze %dma_wait3A_69 : memref<1x80x128xf32, #tpu.memory_space<vmem>> -> memref<80x128xf32, #tpu.memory_space<vmem>>
    %dma_wait3A_71 = tpu.memref_slice %arg6[%multiple_of3A_65] : memref<10000xi32, #tpu.memory_space<vmem>> -> memref<80xi32, #tpu.memory_space<vmem>>
    %dma_wait3A_72 = arith.constant 0 : i32
    %dma_wait3A_73 = arith.constant 0 : i32
    %dma_wait3A_74 = tpu.memref_slice %arg2[%dma_wait3A_72, %dma_wait3A_73] : memref<10240x128xf32, #tpu.memory_space<hbm>> -> memref<10240x128xf32, #tpu.memory_space<hbm>>
    %dma_wait3A_75 = tpu.memref_slice %arg10[%dma_wait3A_66] : memref<2x!tpu.dma_semaphore, #tpu.memory_space<semaphore_mem>> -> memref<1x!tpu.dma_semaphore, #tpu.memory_space<semaphore_mem>>
    %dma_wait3A_76 = tpu.memref_squeeze %dma_wait3A_75 : memref<1x!tpu.dma_semaphore, #tpu.memory_space<semaphore_mem>> -> memref<!tpu.dma_semaphore, #tpu.memory_space<semaphore_mem>>
    tpu.wait_indirect_dma semaphore(%dma_wait3A_76 : memref<!tpu.dma_semaphore, #tpu.memory_space<semaphore_mem>>) src(%dma_wait3A_74 : memref<10240x128xf32, #tpu.memory_space<hbm>>) dst(%dma_wait3A_70 : memref<80x128xf32, #tpu.memory_space<vmem>>)
    %run_scoped3A_77 = arith.constant 0 : i32
    %run_scoped3A_78 = arith.constant 122 : i32
    "tpu.region"() ({
      %run_scoped3A_126 = tpu.sem_alloc : memref<!tpu.dma_semaphore, #tpu.memory_space<semaphore_mem>>
      %dma_start3A_127 = arith.constant 0 : i32
      %dma_start3A_128 = arith.constant 0 : i32
      %dma_start3A_129 = tpu.memref_slice %arg8[%run_scoped3A_77, %dma_start3A_127, %dma_start3A_128] : memref<2x80x128xf32, #tpu.memory_space<vmem>> -> memref<1x80x128xf32, #tpu.memory_space<vmem>>
      %dma_start3A_130 = tpu.memref_squeeze %dma_start3A_129 : memref<1x80x128xf32, #tpu.memory_space<vmem>> -> memref<80x128xf32, #tpu.memory_space<vmem>>
      %dma_start3A_131 = arith.constant 0 : i32
      %dma_start3A_132 = tpu.memref_slice %arg7[%run_scoped3A_78, %dma_start3A_131] : memref<125x80xi32, #tpu.memory_space<vmem>> -> memref<1x80xi32, #tpu.memory_space<vmem>>
      %dma_start3A_133 = tpu.memref_squeeze %dma_start3A_132 : memref<1x80xi32, #tpu.memory_space<vmem>> -> memref<80xi32, #tpu.memory_space<vmem>>
      %dma_start3A_134 = arith.constant 0 : i32
      %dma_start3A_135 = arith.constant 0 : i32
      %dma_start3A_136 = tpu.memref_slice %arg9[%dma_start3A_134, %dma_start3A_135] : memref<10240x128xf32, #tpu.memory_space<vmem_shared>> -> memref<10240x128xf32, #tpu.memory_space<vmem_shared>>
      tpu.enqueue_indirect_dma source(%dma_start3A_130 : memref<80x128xf32, #tpu.memory_space<vmem>>) target(%dma_start3A_136 : memref<10240x128xf32, #tpu.memory_space<vmem_shared>>) offsets(%dma_start3A_133 : memref<80xi32, #tpu.memory_space<vmem>>) semaphore(%run_scoped3A_126 : memref<!tpu.dma_semaphore, #tpu.memory_space<semaphore_mem>>) {add = true}
      %dma_wait3A_137 = arith.constant 0 : i32
      %dma_wait3A_138 = arith.constant 0 : i32
      %dma_wait3A_139 = tpu.memref_slice %arg8[%run_scoped3A_77, %dma_wait3A_137, %dma_wait3A_138] : memref<2x80x128xf32, #tpu.memory_space<vmem>> -> memref<1x80x128xf32, #tpu.memory_space<vmem>>
      %dma_wait3A_140 = tpu.memref_squeeze %dma_wait3A_139 : memref<1x80x128xf32, #tpu.memory_space<vmem>> -> memref<80x128xf32, #tpu.memory_space<vmem>>
      %dma_wait3A_141 = arith.constant 0 : i32
      %dma_wait3A_142 = tpu.memref_slice %arg7[%run_scoped3A_78, %dma_wait3A_141] : memref<125x80xi32, #tpu.memory_space<vmem>> -> memref<1x80xi32, #tpu.memory_space<vmem>>
      %dma_wait3A_143 = tpu.memref_squeeze %dma_wait3A_142 : memref<1x80xi32, #tpu.memory_space<vmem>> -> memref<80xi32, #tpu.memory_space<vmem>>
      %dma_wait3A_144 = arith.constant 0 : i32
      %dma_wait3A_145 = arith.constant 0 : i32
      %dma_wait3A_146 = tpu.memref_slice %arg9[%dma_wait3A_144, %dma_wait3A_145] : memref<10240x128xf32, #tpu.memory_space<vmem_shared>> -> memref<10240x128xf32, #tpu.memory_space<vmem_shared>>
      tpu.wait_indirect_dma semaphore(%run_scoped3A_126 : memref<!tpu.dma_semaphore, #tpu.memory_space<semaphore_mem>>) src(%dma_wait3A_140 : memref<80x128xf32, #tpu.memory_space<vmem>>) dst(%dma_wait3A_146 : memref<10240x128xf32, #tpu.memory_space<vmem_shared>>)
      tpu.yield
    }) : () -> ()
    %multiple_of3A_79 = arith.constant 9920 : i32
    %multiple_of3A_80 = tpu.assume_multiple %multiple_of3A_79, 8 : i32
    %dma_start3A_81 = arith.constant 0 : i32
    %dma_start3A_82 = arith.constant 0 : i32
    %dma_start3A_83 = arith.constant 0 : i32
    %dma_start3A_84 = arith.constant 0 : i32
    %dma_start3A_85 = tpu.memref_slice %arg8[%dma_start3A_81, %dma_start3A_83, %dma_start3A_84] : memref<2x80x128xf32, #tpu.memory_space<vmem>> -> memref<1x80x128xf32, #tpu.memory_space<vmem>>
    %dma_start3A_86 = tpu.memref_squeeze %dma_start3A_85 : memref<1x80x128xf32, #tpu.memory_space<vmem>> -> memref<80x128xf32, #tpu.memory_space<vmem>>
    %dma_start3A_87 = tpu.memref_slice %arg6[%multiple_of3A_80] : memref<10000xi32, #tpu.memory_space<vmem>> -> memref<80xi32, #tpu.memory_space<vmem>>
    %dma_start3A_88 = arith.constant 0 : i32
    %dma_start3A_89 = arith.constant 0 : i32
    %dma_start3A_90 = tpu.memref_slice %arg2[%dma_start3A_88, %dma_start3A_89] : memref<10240x128xf32, #tpu.memory_space<hbm>> -> memref<10240x128xf32, #tpu.memory_space<hbm>>
    %dma_start3A_91 = tpu.memref_slice %arg10[%dma_start3A_82] : memref<2x!tpu.dma_semaphore, #tpu.memory_space<semaphore_mem>> -> memref<1x!tpu.dma_semaphore, #tpu.memory_space<semaphore_mem>>
    %dma_start3A_92 = tpu.memref_squeeze %dma_start3A_91 : memref<1x!tpu.dma_semaphore, #tpu.memory_space<semaphore_mem>> -> memref<!tpu.dma_semaphore, #tpu.memory_space<semaphore_mem>>
    tpu.enqueue_indirect_dma source(%dma_start3A_90 : memref<10240x128xf32, #tpu.memory_space<hbm>>) target(%dma_start3A_86 : memref<80x128xf32, #tpu.memory_space<vmem>>) offsets(%dma_start3A_87 : memref<80xi32, #tpu.memory_space<vmem>>) semaphore(%dma_start3A_92 : memref<!tpu.dma_semaphore, #tpu.memory_space<semaphore_mem>>)
    %multiple_of3A_93 = arith.constant 9840 : i32
    %multiple_of3A_94 = tpu.assume_multiple %multiple_of3A_93, 8 : i32
    %dma_wait3A_95 = arith.constant 1 : i32
    %dma_wait3A_96 = arith.constant 1 : i32
    %dma_wait3A_97 = arith.constant 0 : i32
    %dma_wait3A_98 = arith.constant 0 : i32
    %dma_wait3A_99 = tpu.memref_slice %arg8[%dma_wait3A_95, %dma_wait3A_97, %dma_wait3A_98] : memref<2x80x128xf32, #tpu.memory_space<vmem>> -> memref<1x80x128xf32, #tpu.memory_space<vmem>>
    %dma_wait3A_100 = tpu.memref_squeeze %dma_wait3A_99 : memref<1x80x128xf32, #tpu.memory_space<vmem>> -> memref<80x128xf32, #tpu.memory_space<vmem>>
    %dma_wait3A_101 = tpu.memref_slice %arg6[%multiple_of3A_94] : memref<10000xi32, #tpu.memory_space<vmem>> -> memref<80xi32, #tpu.memory_space<vmem>>
    %dma_wait3A_102 = arith.constant 0 : i32
    %dma_wait3A_103 = arith.constant 0 : i32
    %dma_wait3A_104 = tpu.memref_slice %arg2[%dma_wait3A_102, %dma_wait3A_103] : memref<10240x128xf32, #tpu.memory_space<hbm>> -> memref<10240x128xf32, #tpu.memory_space<hbm>>
    %dma_wait3A_105 = tpu.memref_slice %arg10[%dma_wait3A_96] : memref<2x!tpu.dma_semaphore, #tpu.memory_space<semaphore_mem>> -> memref<1x!tpu.dma_semaphore, #tpu.memory_space<semaphore_mem>>
    %dma_wait3A_106 = tpu.memref_squeeze %dma_wait3A_105 : memref<1x!tpu.dma_semaphore, #tpu.memory_space<semaphore_mem>> -> memref<!tpu.dma_semaphore, #tpu.memory_space<semaphore_mem>>
    tpu.wait_indirect_dma semaphore(%dma_wait3A_106 : memref<!tpu.dma_semaphore, #tpu.memory_space<semaphore_mem>>) src(%dma_wait3A_104 : memref<10240x128xf32, #tpu.memory_space<hbm>>) dst(%dma_wait3A_100 : memref<80x128xf32, #tpu.memory_space<vmem>>)
    %run_scoped3A_107 = arith.constant 1 : i32
    %run_scoped3A_108 = arith.constant 123 : i32
    "tpu.region"() ({
      %run_scoped3A_126 = tpu.sem_alloc : memref<!tpu.dma_semaphore, #tpu.memory_space<semaphore_mem>>
      %dma_start3A_127 = arith.constant 0 : i32
      %dma_start3A_128 = arith.constant 0 : i32
      %dma_start3A_129 = tpu.memref_slice %arg8[%run_scoped3A_107, %dma_start3A_127, %dma_start3A_128] : memref<2x80x128xf32, #tpu.memory_space<vmem>> -> memref<1x80x128xf32, #tpu.memory_space<vmem>>
      %dma_start3A_130 = tpu.memref_squeeze %dma_start3A_129 : memref<1x80x128xf32, #tpu.memory_space<vmem>> -> memref<80x128xf32, #tpu.memory_space<vmem>>
      %dma_start3A_131 = arith.constant 0 : i32
      %dma_start3A_132 = tpu.memref_slice %arg7[%run_scoped3A_108, %dma_start3A_131] : memref<125x80xi32, #tpu.memory_space<vmem>> -> memref<1x80xi32, #tpu.memory_space<vmem>>
      %dma_start3A_133 = tpu.memref_squeeze %dma_start3A_132 : memref<1x80xi32, #tpu.memory_space<vmem>> -> memref<80xi32, #tpu.memory_space<vmem>>
      %dma_start3A_134 = arith.constant 0 : i32
      %dma_start3A_135 = arith.constant 0 : i32
      %dma_start3A_136 = tpu.memref_slice %arg9[%dma_start3A_134, %dma_start3A_135] : memref<10240x128xf32, #tpu.memory_space<vmem_shared>> -> memref<10240x128xf32, #tpu.memory_space<vmem_shared>>
      tpu.enqueue_indirect_dma source(%dma_start3A_130 : memref<80x128xf32, #tpu.memory_space<vmem>>) target(%dma_start3A_136 : memref<10240x128xf32, #tpu.memory_space<vmem_shared>>) offsets(%dma_start3A_133 : memref<80xi32, #tpu.memory_space<vmem>>) semaphore(%run_scoped3A_126 : memref<!tpu.dma_semaphore, #tpu.memory_space<semaphore_mem>>) {add = true}
      %dma_wait3A_137 = arith.constant 0 : i32
      %dma_wait3A_138 = arith.constant 0 : i32
      %dma_wait3A_139 = tpu.memref_slice %arg8[%run_scoped3A_107, %dma_wait3A_137, %dma_wait3A_138] : memref<2x80x128xf32, #tpu.memory_space<vmem>> -> memref<1x80x128xf32, #tpu.memory_space<vmem>>
      %dma_wait3A_140 = tpu.memref_squeeze %dma_wait3A_139 : memref<1x80x128xf32, #tpu.memory_space<vmem>> -> memref<80x128xf32, #tpu.memory_space<vmem>>
      %dma_wait3A_141 = arith.constant 0 : i32
      %dma_wait3A_142 = tpu.memref_slice %arg7[%run_scoped3A_108, %dma_wait3A_141] : memref<125x80xi32, #tpu.memory_space<vmem>> -> memref<1x80xi32, #tpu.memory_space<vmem>>
      %dma_wait3A_143 = tpu.memref_squeeze %dma_wait3A_142 : memref<1x80xi32, #tpu.memory_space<vmem>> -> memref<80xi32, #tpu.memory_space<vmem>>
      %dma_wait3A_144 = arith.constant 0 : i32
      %dma_wait3A_145 = arith.constant 0 : i32
      %dma_wait3A_146 = tpu.memref_slice %arg9[%dma_wait3A_144, %dma_wait3A_145] : memref<10240x128xf32, #tpu.memory_space<vmem_shared>> -> memref<10240x128xf32, #tpu.memory_space<vmem_shared>>
      tpu.wait_indirect_dma semaphore(%run_scoped3A_126 : memref<!tpu.dma_semaphore, #tpu.memory_space<semaphore_mem>>) src(%dma_wait3A_140 : memref<80x128xf32, #tpu.memory_space<vmem>>) dst(%dma_wait3A_146 : memref<10240x128xf32, #tpu.memory_space<vmem_shared>>)
      tpu.yield
    }) : () -> ()
    %multiple_of3A_109 = arith.constant 9920 : i32
    %multiple_of3A_110 = tpu.assume_multiple %multiple_of3A_109, 8 : i32
    %dma_wait3A_111 = arith.constant 0 : i32
    %dma_wait3A_112 = arith.constant 0 : i32
    %dma_wait3A_113 = arith.constant 0 : i32
    %dma_wait3A_114 = arith.constant 0 : i32
    %dma_wait3A_115 = tpu.memref_slice %arg8[%dma_wait3A_111, %dma_wait3A_113, %dma_wait3A_114] : memref<2x80x128xf32, #tpu.memory_space<vmem>> -> memref<1x80x128xf32, #tpu.memory_space<vmem>>
    %dma_wait3A_116 = tpu.memref_squeeze %dma_wait3A_115 : memref<1x80x128xf32, #tpu.memory_space<vmem>> -> memref<80x128xf32, #tpu.memory_space<vmem>>
    %dma_wait3A_117 = tpu.memref_slice %arg6[%multiple_of3A_110] : memref<10000xi32, #tpu.memory_space<vmem>> -> memref<80xi32, #tpu.memory_space<vmem>>
    %dma_wait3A_118 = arith.constant 0 : i32
    %dma_wait3A_119 = arith.constant 0 : i32
    %dma_wait3A_120 = tpu.memref_slice %arg2[%dma_wait3A_118, %dma_wait3A_119] : memref<10240x128xf32, #tpu.memory_space<hbm>> -> memref<10240x128xf32, #tpu.memory_space<hbm>>
    %dma_wait3A_121 = tpu.memref_slice %arg10[%dma_wait3A_112] : memref<2x!tpu.dma_semaphore, #tpu.memory_space<semaphore_mem>> -> memref<1x!tpu.dma_semaphore, #tpu.memory_space<semaphore_mem>>
    %dma_wait3A_122 = tpu.memref_squeeze %dma_wait3A_121 : memref<1x!tpu.dma_semaphore, #tpu.memory_space<semaphore_mem>> -> memref<!tpu.dma_semaphore, #tpu.memory_space<semaphore_mem>>
    tpu.wait_indirect_dma semaphore(%dma_wait3A_122 : memref<!tpu.dma_semaphore, #tpu.memory_space<semaphore_mem>>) src(%dma_wait3A_120 : memref<10240x128xf32, #tpu.memory_space<hbm>>) dst(%dma_wait3A_116 : memref<80x128xf32, #tpu.memory_space<vmem>>)
    %run_scoped3A_123 = arith.constant 0 : i32
    %run_scoped3A_124 = arith.constant 124 : i32
    "tpu.region"() ({
      %run_scoped3A_126 = tpu.sem_alloc : memref<!tpu.dma_semaphore, #tpu.memory_space<semaphore_mem>>
      %dma_start3A_127 = arith.constant 0 : i32
      %dma_start3A_128 = arith.constant 0 : i32
      %dma_start3A_129 = tpu.memref_slice %arg8[%run_scoped3A_123, %dma_start3A_127, %dma_start3A_128] : memref<2x80x128xf32, #tpu.memory_space<vmem>> -> memref<1x80x128xf32, #tpu.memory_space<vmem>>
      %dma_start3A_130 = tpu.memref_squeeze %dma_start3A_129 : memref<1x80x128xf32, #tpu.memory_space<vmem>> -> memref<80x128xf32, #tpu.memory_space<vmem>>
      %dma_start3A_131 = arith.constant 0 : i32
      %dma_start3A_132 = tpu.memref_slice %arg7[%run_scoped3A_124, %dma_start3A_131] : memref<125x80xi32, #tpu.memory_space<vmem>> -> memref<1x80xi32, #tpu.memory_space<vmem>>
      %dma_start3A_133 = tpu.memref_squeeze %dma_start3A_132 : memref<1x80xi32, #tpu.memory_space<vmem>> -> memref<80xi32, #tpu.memory_space<vmem>>
      %dma_start3A_134 = arith.constant 0 : i32
      %dma_start3A_135 = arith.constant 0 : i32
      %dma_start3A_136 = tpu.memref_slice %arg9[%dma_start3A_134, %dma_start3A_135] : memref<10240x128xf32, #tpu.memory_space<vmem_shared>> -> memref<10240x128xf32, #tpu.memory_space<vmem_shared>>
      tpu.enqueue_indirect_dma source(%dma_start3A_130 : memref<80x128xf32, #tpu.memory_space<vmem>>) target(%dma_start3A_136 : memref<10240x128xf32, #tpu.memory_space<vmem_shared>>) offsets(%dma_start3A_133 : memref<80xi32, #tpu.memory_space<vmem>>) semaphore(%run_scoped3A_126 : memref<!tpu.dma_semaphore, #tpu.memory_space<semaphore_mem>>) {add = true}
      %dma_wait3A_137 = arith.constant 0 : i32
      %dma_wait3A_138 = arith.constant 0 : i32
      %dma_wait3A_139 = tpu.memref_slice %arg8[%run_scoped3A_123, %dma_wait3A_137, %dma_wait3A_138] : memref<2x80x128xf32, #tpu.memory_space<vmem>> -> memref<1x80x128xf32, #tpu.memory_space<vmem>>
      %dma_wait3A_140 = tpu.memref_squeeze %dma_wait3A_139 : memref<1x80x128xf32, #tpu.memory_space<vmem>> -> memref<80x128xf32, #tpu.memory_space<vmem>>
      %dma_wait3A_141 = arith.constant 0 : i32
      %dma_wait3A_142 = tpu.memref_slice %arg7[%run_scoped3A_124, %dma_wait3A_141] : memref<125x80xi32, #tpu.memory_space<vmem>> -> memref<1x80xi32, #tpu.memory_space<vmem>>
      %dma_wait3A_143 = tpu.memref_squeeze %dma_wait3A_142 : memref<1x80xi32, #tpu.memory_space<vmem>> -> memref<80xi32, #tpu.memory_space<vmem>>
      %dma_wait3A_144 = arith.constant 0 : i32
      %dma_wait3A_145 = arith.constant 0 : i32
      %dma_wait3A_146 = tpu.memref_slice %arg9[%dma_wait3A_144, %dma_wait3A_145] : memref<10240x128xf32, #tpu.memory_space<vmem_shared>> -> memref<10240x128xf32, #tpu.memory_space<vmem_shared>>
      tpu.wait_indirect_dma semaphore(%run_scoped3A_126 : memref<!tpu.dma_semaphore, #tpu.memory_space<semaphore_mem>>) src(%dma_wait3A_140 : memref<80x128xf32, #tpu.memory_space<vmem>>) dst(%dma_wait3A_146 : memref<10240x128xf32, #tpu.memory_space<vmem_shared>>)
      tpu.yield
    }) : () -> ()
    %barrier3A_125 = arith.constant 0 : index
    tpu.barrier barrier_id(%barrier3A_125)
    "tpu.region"() ({
      %run_scoped3A_126 = tpu.sem_alloc : memref<!tpu.dma_semaphore, #tpu.memory_space<semaphore_mem>>
      %dma_start3A_127 = arith.constant 0 : i32
      %dma_start3A_128 = tpu.memref_slice %arg5[%arg0, %mul3A_8, %dma_start3A_127] : memref<2x10240x128xf32, #tpu.memory_space<hbm>> -> memref<1x640x128xf32, #tpu.memory_space<hbm>>
      %dma_start3A_129 = tpu.memref_squeeze %dma_start3A_128 : memref<1x640x128xf32, #tpu.memory_space<hbm>> -> memref<640x128xf32, #tpu.memory_space<hbm>>
      %dma_start3A_130 = arith.constant 0 : i32
      %dma_start3A_131 = tpu.memref_slice %arg9[%mul3A_8, %dma_start3A_130] : memref<10240x128xf32, #tpu.memory_space<vmem_shared>> -> memref<640x128xf32, #tpu.memory_space<vmem_shared>>
      tpu.enqueue_dma source(%dma_start3A_131 : memref<640x128xf32, #tpu.memory_space<vmem_shared>>) target(%dma_start3A_129 : memref<640x128xf32, #tpu.memory_space<hbm>>) target_semaphore(%run_scoped3A_126 : memref<!tpu.dma_semaphore, #tpu.memory_space<semaphore_mem>>)
      %dma_wait3A_132 = arith.constant 0 : i32
      %dma_wait3A_133 = tpu.memref_slice %arg5[%arg0, %mul3A_8, %dma_wait3A_132] : memref<2x10240x128xf32, #tpu.memory_space<hbm>> -> memref<1x640x128xf32, #tpu.memory_space<hbm>>
      %dma_wait3A_134 = tpu.memref_squeeze %dma_wait3A_133 : memref<1x640x128xf32, #tpu.memory_space<hbm>> -> memref<640x128xf32, #tpu.memory_space<hbm>>
      %dma_wait3A_135 = arith.constant 0 : i32
      %dma_wait3A_136 = tpu.memref_slice %arg9[%mul3A_8, %dma_wait3A_135] : memref<10240x128xf32, #tpu.memory_space<vmem_shared>> -> memref<640x128xf32, #tpu.memory_space<vmem_shared>>
      tpu.wait_dma2 semaphore(%run_scoped3A_126 : memref<!tpu.dma_semaphore, #tpu.memory_space<semaphore_mem>>) src(%dma_wait3A_136 : memref<640x128xf32, #tpu.memory_space<vmem_shared>>) dst(%dma_wait3A_134 : memref<640x128xf32, #tpu.memory_space<hbm>>)
      tpu.yield
    }) : () -> ()
    return
  }
}

module attributes {stable_mosaic.version = 14 : i64} {
  func.func @_tc_in_body(%arg0: i32, %arg1: memref<32x256xf32, #tpu.memory_space<vmem>>, %arg2: memref<256x128xf32, #tpu.memory_space<vmem>>, %arg3: memref<128x128xf32, #tpu.memory_space<vmem>>, %arg4: memref<256x128xf32, #tpu.memory_space<vmem>>, %arg5: memref<256x1xf32, #tpu.memory_space<vmem>>) attributes {dimension_semantics = [#tpu.dimension_semantics<arbitrary>], iteration_bounds = array<i64: 40>, scalar_prefetch = 0 : i64, scratch_operands = 0 : i64, tpu.core_type = #tpu.core_type<tc>, window_params = [{transform_indices = @transform_0, window_bounds = array<i64: 32, 256>}, {transform_indices = @transform_1, window_bounds = array<i64: 256, 128>}, {pipeline_mode = #tpu.pipeline_mode<synchronous>, transform_indices = @transform_2, window_bounds = array<i64: 128, 128>}, {transform_indices = @transform_3, window_bounds = array<i64: 256, 128>}, {transform_indices = @transform_4, window_bounds = array<i64: 256, 1>}]} {
    %broadcast_in_dim3A = arith.constant 1.000000e+00 : f32
    %broadcast_in_dim3A_0 = vector.broadcast %broadcast_in_dim3A : f32 to vector<32x1xf32>
    %get3A = arith.constant 0 : index
    %get3A_1 = arith.constant 0 : index
    %get3A_2 = vector.load %arg1[%get3A, %get3A_1] : memref<32x256xf32, #tpu.memory_space<vmem>>, vector<32x256xf32>
    %dot_general3A = arith.constant dense<0.000000e+00> : vector<256x1xf32>
    %dot_general3A_3 = tpu.matmul %get3A_2, %broadcast_in_dim3A_0, %dot_general3A {dimension_numbers = #tpu.dot_dimension_numbers<[0], [0], [1], [1], [0, 1, 1, 1], [], []>, transpose_lhs_hint = false} : vector<32x256xf32>, vector<32x1xf32>, vector<256x1xf32> -> vector<256x1xf32>
    %add3A = arith.constant 1.000000e+00 : f32
    %add3A_4 = vector.broadcast %add3A : f32 to vector<256x1xf32>
    %add3A_5 = arith.addf %dot_general3A_3, %add3A_4 : vector<256x1xf32>
    %rsqrt3A = math.rsqrt %add3A_5 : vector<256x1xf32>
    %get3A_6 = arith.constant 0 : index
    %get3A_7 = arith.constant 0 : index
    %get3A_8 = vector.load %arg2[%get3A_6, %get3A_7] : memref<256x128xf32, #tpu.memory_space<vmem>>, vector<256x128xf32>
    %get3A_9 = arith.constant 0 : index
    %get3A_10 = arith.constant 0 : index
    %get3A_11 = vector.load %arg3[%get3A_9, %get3A_10] : memref<128x128xf32, #tpu.memory_space<vmem>>, vector<128x128xf32>
    %dot_general3A_12 = arith.constant dense<0.000000e+00> : vector<256x128xf32>
    %dot_general3A_13 = tpu.matmul %get3A_8, %get3A_11, %dot_general3A_12 {dimension_numbers = #tpu.dot_dimension_numbers<[1], [0], [0], [1], [0, 0, 1, 1], [], []>, transpose_lhs_hint = false} : vector<256x128xf32>, vector<128x128xf32>, vector<256x128xf32> -> vector<256x128xf32>
    %mul3A = vector.broadcast %rsqrt3A : vector<256x1xf32> to vector<256x128xf32>
    %mul3A_14 = arith.mulf %dot_general3A_13, %mul3A : vector<256x128xf32>
    %swap3A = arith.constant 0 : index
    %swap3A_15 = arith.constant 0 : index
    %swap3A_16 = vector.load %arg4[%swap3A, %swap3A_15] : memref<256x128xf32, #tpu.memory_space<vmem>>, vector<256x128xf32>
    tpu.vector_store %arg4[%swap3A, %swap3A_15], %mul3A_14 {strides = array<i32>} : memref<256x128xf32, #tpu.memory_space<vmem>>, vector<256x128xf32>,
    %swap3A_17 = arith.constant 0 : index
    %swap3A_18 = arith.constant 0 : index
    %swap3A_19 = vector.load %arg5[%swap3A_17, %swap3A_18] : memref<256x1xf32, #tpu.memory_space<vmem>>, vector<256x1xf32>
    tpu.vector_store %arg5[%swap3A_17, %swap3A_18], %rsqrt3A {strides = array<i32>} : memref<256x1xf32, #tpu.memory_space<vmem>>, vector<256x1xf32>,
    return
  }
  func.func @transform_0(%arg0: i32) -> (i32, i32) {
    %c0_i32 = arith.constant 0 : i32
    %c0_i32_0 = arith.constant 0 : i32
    return %c0_i32, %arg0 : i32, i32
  }
  func.func @transform_1(%arg0: i32) -> (i32, i32) {
    %c0_i32 = arith.constant 0 : i32
    %c0_i32_0 = arith.constant 0 : i32
    return %arg0, %c0_i32 : i32, i32
  }
  func.func @transform_2(%arg0: i32) -> (i32, i32) {
    %c0_i32 = arith.constant 0 : i32
    %c0_i32_0 = arith.constant 0 : i32
    %c0_i32_1 = arith.constant 0 : i32
    return %c0_i32, %c0_i32_0 : i32, i32
  }
  func.func @transform_3(%arg0: i32) -> (i32, i32) {
    %c0_i32 = arith.constant 0 : i32
    %c0_i32_0 = arith.constant 0 : i32
    return %arg0, %c0_i32 : i32, i32
  }
  func.func @transform_4(%arg0: i32) -> (i32, i32) {
    %c0_i32 = arith.constant 0 : i32
    %c0_i32_0 = arith.constant 0 : i32
    return %arg0, %c0_i32 : i32, i32
  }
}

module attributes {stable_mosaic.version = 14 : i64} {
  func.func @_tc_mid_body(%arg0: i32, %arg1: memref<2x256x128xf32, #tpu.memory_space<vmem>>, %arg2: memref<256x128xf32, #tpu.memory_space<vmem>>, %arg3: memref<256x1xf32, #tpu.memory_space<vmem>>, %arg4: memref<128xf32, #tpu.memory_space<vmem>>, %arg5: memref<128x128xf32, #tpu.memory_space<vmem>>, %arg6: memref<256x128xf32, #tpu.memory_space<vmem>>) attributes {dimension_semantics = [#tpu.dimension_semantics<arbitrary>], iteration_bounds = array<i64: 40>, scalar_prefetch = 0 : i64, scratch_operands = 0 : i64, tpu.core_type = #tpu.core_type<tc>, window_params = [{transform_indices = @transform_0, window_bounds = array<i64: 2, 256, 128>}, {transform_indices = @transform_1, window_bounds = array<i64: 256, 128>}, {transform_indices = @transform_2, window_bounds = array<i64: 256, 1>}, {pipeline_mode = #tpu.pipeline_mode<synchronous>, transform_indices = @transform_3, window_bounds = array<i64: 128>}, {pipeline_mode = #tpu.pipeline_mode<synchronous>, transform_indices = @transform_4, window_bounds = array<i64: 128, 128>}, {transform_indices = @transform_5, window_bounds = array<i64: 256, 128>}]} {
    %get3A = arith.constant 0 : index
    %get3A_0 = arith.constant 0 : index
    %get3A_1 = arith.constant 0 : index
    %get3A_2 = vector.load %arg1[%get3A, %get3A_0, %get3A_1] : memref<2x256x128xf32, #tpu.memory_space<vmem>>, vector<1x256x128xf32>
    %get3A_3 = vector.shape_cast %get3A_2 : vector<1x256x128xf32> to vector<256x128xf32>
    %get3A_4 = arith.constant 1 : index
    %get3A_5 = arith.constant 0 : index
    %get3A_6 = arith.constant 0 : index
    %get3A_7 = vector.load %arg1[%get3A_4, %get3A_5, %get3A_6] : memref<2x256x128xf32, #tpu.memory_space<vmem>>, vector<1x256x128xf32>
    %get3A_8 = vector.shape_cast %get3A_7 : vector<1x256x128xf32> to vector<256x128xf32>
    %add3A = arith.addf %get3A_3, %get3A_8 : vector<256x128xf32>
    %get3A_9 = arith.constant 0 : index
    %get3A_10 = arith.constant 0 : index
    %get3A_11 = vector.load %arg3[%get3A_9, %get3A_10] : memref<256x1xf32, #tpu.memory_space<vmem>>, vector<256x1xf32>
    %get3A_12 = arith.constant 0 : index
    %get3A_13 = arith.constant 0 : index
    %get3A_14 = vector.load %arg2[%get3A_12, %get3A_13] : memref<256x128xf32, #tpu.memory_space<vmem>>, vector<256x128xf32>
    %add3A_15 = arith.addf %add3A, %get3A_14 : vector<256x128xf32>
    %mul3A = vector.broadcast %get3A_11 : vector<256x1xf32> to vector<256x128xf32>
    %mul3A_16 = arith.mulf %add3A_15, %mul3A : vector<256x128xf32>
    %get3A_17 = arith.constant 0 : index
    %get3A_18 = vector.load %arg4[%get3A_17] : memref<128xf32, #tpu.memory_space<vmem>>, vector<128xf32>
    %broadcast_in_dim3A = vector.shape_cast %get3A_18 : vector<128xf32> to vector<1x128xf32>
    %add3A_19 = vector.broadcast %broadcast_in_dim3A : vector<1x128xf32> to vector<256x128xf32>
    %add3A_20 = arith.addf %mul3A_16, %add3A_19 : vector<256x128xf32>
    %max3A = arith.constant 0.000000e+00 : f32
    %max3A_21 = vector.broadcast %max3A : f32 to vector<256x128xf32>
    %max3A_22 = arith.maximumf %add3A_20, %max3A_21 : vector<256x128xf32>
    %get3A_23 = arith.constant 0 : index
    %get3A_24 = arith.constant 0 : index
    %get3A_25 = vector.load %arg5[%get3A_23, %get3A_24] : memref<128x128xf32, #tpu.memory_space<vmem>>, vector<128x128xf32>
    %dot_general3A = arith.constant dense<0.000000e+00> : vector<256x128xf32>
    %dot_general3A_26 = tpu.matmul %max3A_22, %get3A_25, %dot_general3A {dimension_numbers = #tpu.dot_dimension_numbers<[1], [0], [0], [1], [0, 0, 1, 1], [], []>, transpose_lhs_hint = false} : vector<256x128xf32>, vector<128x128xf32>, vector<256x128xf32> -> vector<256x128xf32>
    %mul3A_27 = vector.broadcast %get3A_11 : vector<256x1xf32> to vector<256x128xf32>
    %mul3A_28 = arith.mulf %dot_general3A_26, %mul3A_27 : vector<256x128xf32>
    %swap3A = arith.constant 0 : index
    %swap3A_29 = arith.constant 0 : index
    %swap3A_30 = vector.load %arg6[%swap3A, %swap3A_29] : memref<256x128xf32, #tpu.memory_space<vmem>>, vector<256x128xf32>
    tpu.vector_store %arg6[%swap3A, %swap3A_29], %mul3A_28 {strides = array<i32>} : memref<256x128xf32, #tpu.memory_space<vmem>>, vector<256x128xf32>,
    return
  }
  func.func @transform_0(%arg0: i32) -> (i32, i32, i32) {
    %c0_i32 = arith.constant 0 : i32
    %c0_i32_0 = arith.constant 0 : i32
    %c0_i32_1 = arith.constant 0 : i32
    return %c0_i32, %arg0, %c0_i32_0 : i32, i32, i32
  }
  func.func @transform_1(%arg0: i32) -> (i32, i32) {
    %c0_i32 = arith.constant 0 : i32
    %c0_i32_0 = arith.constant 0 : i32
    return %arg0, %c0_i32 : i32, i32
  }
  func.func @transform_2(%arg0: i32) -> (i32, i32) {
    %c0_i32 = arith.constant 0 : i32
    %c0_i32_0 = arith.constant 0 : i32
    return %arg0, %c0_i32 : i32, i32
  }
  func.func @transform_3(%arg0: i32) -> i32 {
    %c0_i32 = arith.constant 0 : i32
    %c0_i32_0 = arith.constant 0 : i32
    return %c0_i32 : i32
  }
  func.func @transform_4(%arg0: i32) -> (i32, i32) {
    %c0_i32 = arith.constant 0 : i32
    %c0_i32_0 = arith.constant 0 : i32
    %c0_i32_1 = arith.constant 0 : i32
    return %c0_i32, %c0_i32_0 : i32, i32
  }
  func.func @transform_5(%arg0: i32) -> (i32, i32) {
    %c0_i32 = arith.constant 0 : i32
    %c0_i32_0 = arith.constant 0 : i32
    return %arg0, %c0_i32 : i32, i32
  }
}

module attributes {stable_mosaic.version = 14 : i64} {
  func.func @_tc_fin_body(%arg0: i32, %arg1: memref<2x256x128xf32, #tpu.memory_space<vmem>>, %arg2: memref<256x128xf32, #tpu.memory_space<vmem>>, %arg3: memref<256x1xf32, #tpu.memory_space<vmem>>, %arg4: memref<128xf32, #tpu.memory_space<vmem>>, %arg5: memref<256x1xi32, #tpu.memory_space<vmem>>, %arg6: memref<128x1xf32, #tpu.memory_space<vmem>>, %arg7: memref<1x1xf32, #tpu.memory_space<vmem>>, %arg8: memref<128x1xf32, #tpu.memory_space<vmem>>, %arg9: memref<128x128xf32, #tpu.memory_space<vmem>>, %arg10: memref<128x1xf32, #tpu.memory_space<vmem>>) attributes {dimension_semantics = [#tpu.dimension_semantics<arbitrary>], iteration_bounds = array<i64: 40>, scalar_prefetch = 0 : i64, scratch_operands = 2 : i64, tpu.core_type = #tpu.core_type<tc>, window_params = [{transform_indices = @transform_0, window_bounds = array<i64: 2, 256, 128>}, {transform_indices = @transform_1, window_bounds = array<i64: 256, 128>}, {transform_indices = @transform_2, window_bounds = array<i64: 256, 1>}, {pipeline_mode = #tpu.pipeline_mode<synchronous>, transform_indices = @transform_3, window_bounds = array<i64: 128>}, {transform_indices = @transform_4, window_bounds = array<i64: 256, 1>}, {pipeline_mode = #tpu.pipeline_mode<synchronous>, transform_indices = @transform_5, window_bounds = array<i64: 128, 1>}, {pipeline_mode = #tpu.pipeline_mode<synchronous>, transform_indices = @transform_6, window_bounds = array<i64: 1, 1>}, {pipeline_mode = #tpu.pipeline_mode<synchronous>, transform_indices = @transform_7, window_bounds = array<i64: 128, 1>}]} {
    %eq3A = arith.constant 0 : i32
    %eq3A_0 = arith.cmpi eq, %arg0, %eq3A : i32
    %convert_element_type3A = arith.extui %eq3A_0 : i1 to i32
    %cond3A = arith.constant 0 : i32
    %cond3A_1 = arith.cmpi ne, %convert_element_type3A, %cond3A : i32
    scf.if %cond3A_1 {
      %broadcast_in_dim3A_53 = arith.constant 0.000000e+00 : f32
      %broadcast_in_dim3A_54 = vector.broadcast %broadcast_in_dim3A_53 : f32 to vector<128x128xf32>
      %swap3A_55 = arith.constant 0 : index
      %swap3A_56 = arith.constant 0 : index
      %swap3A_57 = vector.load %arg9[%swap3A_55, %swap3A_56] : memref<128x128xf32, #tpu.memory_space<vmem>>, vector<128x128xf32>
      tpu.vector_store %arg9[%swap3A_55, %swap3A_56], %broadcast_in_dim3A_54 {strides = array<i32>} : memref<128x128xf32, #tpu.memory_space<vmem>>, vector<128x128xf32>,
      %broadcast_in_dim3A_58 = arith.constant 0.000000e+00 : f32
      %broadcast_in_dim3A_59 = vector.broadcast %broadcast_in_dim3A_58 : f32 to vector<128x1xf32>
      %swap3A_60 = arith.constant 0 : index
      %swap3A_61 = arith.constant 0 : index
      %swap3A_62 = vector.load %arg10[%swap3A_60, %swap3A_61] : memref<128x1xf32, #tpu.memory_space<vmem>>, vector<128x1xf32>
      tpu.vector_store %arg10[%swap3A_60, %swap3A_61], %broadcast_in_dim3A_59 {strides = array<i32>} : memref<128x1xf32, #tpu.memory_space<vmem>>, vector<128x1xf32>,
    } else {
    }
    %get3A = arith.constant 0 : index
    %get3A_2 = arith.constant 0 : index
    %get3A_3 = arith.constant 0 : index
    %get3A_4 = vector.load %arg1[%get3A, %get3A_2, %get3A_3] : memref<2x256x128xf32, #tpu.memory_space<vmem>>, vector<1x256x128xf32>
    %get3A_5 = vector.shape_cast %get3A_4 : vector<1x256x128xf32> to vector<256x128xf32>
    %get3A_6 = arith.constant 1 : index
    %get3A_7 = arith.constant 0 : index
    %get3A_8 = arith.constant 0 : index
    %get3A_9 = vector.load %arg1[%get3A_6, %get3A_7, %get3A_8] : memref<2x256x128xf32, #tpu.memory_space<vmem>>, vector<1x256x128xf32>
    %get3A_10 = vector.shape_cast %get3A_9 : vector<1x256x128xf32> to vector<256x128xf32>
    %add3A = arith.addf %get3A_5, %get3A_10 : vector<256x128xf32>
    %get3A_11 = arith.constant 0 : index
    %get3A_12 = arith.constant 0 : index
    %get3A_13 = vector.load %arg2[%get3A_11, %get3A_12] : memref<256x128xf32, #tpu.memory_space<vmem>>, vector<256x128xf32>
    %add3A_14 = arith.addf %add3A, %get3A_13 : vector<256x128xf32>
    %get3A_15 = arith.constant 0 : index
    %get3A_16 = arith.constant 0 : index
    %get3A_17 = vector.load %arg3[%get3A_15, %get3A_16] : memref<256x1xf32, #tpu.memory_space<vmem>>, vector<256x1xf32>
    %mul3A = vector.broadcast %get3A_17 : vector<256x1xf32> to vector<256x128xf32>
    %mul3A_18 = arith.mulf %add3A_14, %mul3A : vector<256x128xf32>
    %get3A_19 = arith.constant 0 : index
    %get3A_20 = vector.load %arg4[%get3A_19] : memref<128xf32, #tpu.memory_space<vmem>>, vector<128xf32>
    %broadcast_in_dim3A = vector.shape_cast %get3A_20 : vector<128xf32> to vector<1x128xf32>
    %add3A_21 = vector.broadcast %broadcast_in_dim3A : vector<1x128xf32> to vector<256x128xf32>
    %add3A_22 = arith.addf %mul3A_18, %add3A_21 : vector<256x128xf32>
    %get3A_23 = arith.constant 0 : index
    %get3A_24 = arith.constant 0 : index
    %get3A_25 = vector.load %arg5[%get3A_23, %get3A_24] : memref<256x1xi32, #tpu.memory_space<vmem>>, vector<256x1xi32>
    %iota3A = tpu.iota {dimensions = array<i32: 1>} : vector<256x128xi32>
    %eq3A_26 = vector.broadcast %get3A_25 : vector<256x1xi32> to vector<256x128xi32>
    %eq3A_27 = arith.cmpi eq, %eq3A_26, %iota3A : vector<256x128xi32>
    %convert_element_type3A_28 = arith.extui %eq3A_27 : vector<256x128xi1> to vector<256x128xi32>
    %convert_element_type3A_29 = arith.sitofp %convert_element_type3A_28 : vector<256x128xi32> to vector<256x128xf32>
    %get3A_30 = arith.constant 0 : index
    %get3A_31 = arith.constant 0 : index
    %get3A_32 = vector.load %arg9[%get3A_30, %get3A_31] : memref<128x128xf32, #tpu.memory_space<vmem>>, vector<128x128xf32>
    %dot_general3A = arith.constant dense<0.000000e+00> : vector<128x128xf32>
    %dot_general3A_33 = tpu.matmul %convert_element_type3A_29, %add3A_22, %dot_general3A {dimension_numbers = #tpu.dot_dimension_numbers<[0], [0], [1], [1], [0, 1, 1, 1], [], []>, transpose_lhs_hint = false} : vector<256x128xf32>, vector<256x128xf32>, vector<128x128xf32> -> vector<128x128xf32>
    %add3A_34 = arith.addf %get3A_32, %dot_general3A_33 : vector<128x128xf32>
    %swap3A = arith.constant 0 : index
    %swap3A_35 = arith.constant 0 : index
    %swap3A_36 = vector.load %arg9[%swap3A, %swap3A_35] : memref<128x128xf32, #tpu.memory_space<vmem>>, vector<128x128xf32>
    tpu.vector_store %arg9[%swap3A, %swap3A_35], %add3A_34 {strides = array<i32>} : memref<128x128xf32, #tpu.memory_space<vmem>>, vector<128x128xf32>,
    %get3A_37 = arith.constant 0 : index
    %get3A_38 = arith.constant 0 : index
    %get3A_39 = vector.load %arg10[%get3A_37, %get3A_38] : memref<128x1xf32, #tpu.memory_space<vmem>>, vector<128x1xf32>
    %broadcast_in_dim3A_40 = arith.constant 1.000000e+00 : f32
    %broadcast_in_dim3A_41 = vector.broadcast %broadcast_in_dim3A_40 : f32 to vector<256x1xf32>
    %dot_general3A_42 = arith.constant dense<0.000000e+00> : vector<128x1xf32>
    %dot_general3A_43 = tpu.matmul %convert_element_type3A_29, %broadcast_in_dim3A_41, %dot_general3A_42 {dimension_numbers = #tpu.dot_dimension_numbers<[0], [0], [1], [1], [0, 1, 1, 1], [], []>, transpose_lhs_hint = false} : vector<256x128xf32>, vector<256x1xf32>, vector<128x1xf32> -> vector<128x1xf32>
    %add3A_44 = arith.addf %get3A_39, %dot_general3A_43 : vector<128x1xf32>
    %swap3A_45 = arith.constant 0 : index
    %swap3A_46 = arith.constant 0 : index
    %swap3A_47 = vector.load %arg10[%swap3A_45, %swap3A_46] : memref<128x1xf32, #tpu.memory_space<vmem>>, vector<128x1xf32>
    tpu.vector_store %arg10[%swap3A_45, %swap3A_46], %add3A_44 {strides = array<i32>} : memref<128x1xf32, #tpu.memory_space<vmem>>, vector<128x1xf32>,
    %eq3A_48 = arith.constant 39 : i32
    %eq3A_49 = arith.cmpi eq, %arg0, %eq3A_48 : i32
    %convert_element_type3A_50 = arith.extui %eq3A_49 : i1 to i32
    %cond3A_51 = arith.constant 0 : i32
    %cond3A_52 = arith.cmpi ne, %convert_element_type3A_50, %cond3A_51 : i32
    scf.if %cond3A_52 {
      %get3A_53 = arith.constant 0 : index
      %get3A_54 = arith.constant 0 : index
      %get3A_55 = vector.load %arg9[%get3A_53, %get3A_54] : memref<128x128xf32, #tpu.memory_space<vmem>>, vector<128x128xf32>
      %get3A_56 = arith.constant 0 : index
      %get3A_57 = arith.constant 0 : index
      %get3A_58 = vector.load %arg10[%get3A_56, %get3A_57] : memref<128x1xf32, #tpu.memory_space<vmem>>, vector<128x1xf32>
      %max3A = arith.constant 1.000000e+00 : f32
      %max3A_59 = vector.broadcast %max3A : f32 to vector<128x1xf32>
      %max3A_60 = arith.maximumf %get3A_58, %max3A_59 : vector<128x1xf32>
      %div3A = vector.broadcast %max3A_60 : vector<128x1xf32> to vector<128x128xf32>
      %div3A_61 = arith.divf %get3A_55, %div3A : vector<128x128xf32>
      %get3A_62 = arith.constant 0 : index
      %get3A_63 = arith.constant 0 : index
      %get3A_64 = vector.load %arg6[%get3A_62, %get3A_63] : memref<128x1xf32, #tpu.memory_space<vmem>>, vector<128x1xf32>
      %dot_general3A_65 = arith.constant dense<0.000000e+00> : vector<128x1xf32>
      %dot_general3A_66 = tpu.matmul %div3A_61, %get3A_64, %dot_general3A_65 {dimension_numbers = #tpu.dot_dimension_numbers<[1], [0], [0], [1], [0, 0, 1, 1], [], []>, transpose_lhs_hint = false} : vector<128x128xf32>, vector<128x1xf32>, vector<128x1xf32> -> vector<128x1xf32>
      %get3A_67 = arith.constant 0 : index
      %get3A_68 = arith.constant 0 : index
      %get3A_69 = vector.load %arg7[%get3A_67, %get3A_68] : memref<1x1xf32, #tpu.memory_space<vmem>>, vector<1x1xf32>
      %add3A_70 = vector.broadcast %get3A_69 : vector<1x1xf32> to vector<128x1xf32>
      %add3A_71 = arith.addf %dot_general3A_66, %add3A_70 : vector<128x1xf32>
      %swap3A_72 = arith.constant 0 : index
      %swap3A_73 = arith.constant 0 : index
      %swap3A_74 = vector.load %arg8[%swap3A_72, %swap3A_73] : memref<128x1xf32, #tpu.memory_space<vmem>>, vector<128x1xf32>
      tpu.vector_store %arg8[%swap3A_72, %swap3A_73], %add3A_71 {strides = array<i32>} : memref<128x1xf32, #tpu.memory_space<vmem>>, vector<128x1xf32>,
    } else {
    }
    return
  }
  func.func @transform_0(%arg0: i32) -> (i32, i32, i32) {
    %c0_i32 = arith.constant 0 : i32
    %c0_i32_0 = arith.constant 0 : i32
    %c0_i32_1 = arith.constant 0 : i32
    return %c0_i32, %arg0, %c0_i32_0 : i32, i32, i32
  }
  func.func @transform_1(%arg0: i32) -> (i32, i32) {
    %c0_i32 = arith.constant 0 : i32
    %c0_i32_0 = arith.constant 0 : i32
    return %arg0, %c0_i32 : i32, i32
  }
  func.func @transform_2(%arg0: i32) -> (i32, i32) {
    %c0_i32 = arith.constant 0 : i32
    %c0_i32_0 = arith.constant 0 : i32
    return %arg0, %c0_i32 : i32, i32
  }
  func.func @transform_3(%arg0: i32) -> i32 {
    %c0_i32 = arith.constant 0 : i32
    %c0_i32_0 = arith.constant 0 : i32
    return %c0_i32 : i32
  }
  func.func @transform_4(%arg0: i32) -> (i32, i32) {
    %c0_i32 = arith.constant 0 : i32
    %c0_i32_0 = arith.constant 0 : i32
    return %arg0, %c0_i32 : i32, i32
  }
  func.func @transform_5(%arg0: i32) -> (i32, i32) {
    %c0_i32 = arith.constant 0 : i32
    %c0_i32_0 = arith.constant 0 : i32
    %c0_i32_1 = arith.constant 0 : i32
    return %c0_i32, %c0_i32_0 : i32, i32
  }
  func.func @transform_6(%arg0: i32) -> (i32, i32) {
    %c0_i32 = arith.constant 0 : i32
    %c0_i32_0 = arith.constant 0 : i32
    %c0_i32_1 = arith.constant 0 : i32
    return %c0_i32, %c0_i32_0 : i32, i32
  }
  func.func @transform_7(%arg0: i32) -> (i32, i32) {
    %c0_i32 = arith.constant 0 : i32
    %c0_i32_0 = arith.constant 0 : i32
    %c0_i32_1 = arith.constant 0 : i32
    return %c0_i32, %c0_i32_0 : i32, i32
  }
}

</mosaic_0001>

<sc_bundles>
// kernel: kernel.11.cloned.1.call-start
scs
__scs_entry_jumppad:
0x0: {  	(pc) =	sbr.rel $0x88, $3  }
0x1: {  	(tag) =	ssettag $0x0;
	lr =	simm.s32 $0x1  }
0x2: {  	[smem:$0x3F98] =	sst lr;
	_ =	strace $0xD0000000  }
0x3: {  	_ = 	snop  }
0x4: {  	_ = 	snop  }
0x5: {  	_ = 	snop  }
0x6: {  	_ = 	snop  }
0x7: {  	_ = 	snop  }
__scs_overlays_trampoline_lowered:
0x8: {  	[smem:$0x3FA7] =	sst s0  }
0x9: {  	[smem:$0x3FA8] =	sst s1  }
0xa: {  	[smem:$0x3FA9] =	sst s2  }
0xb: {  	[smem:$0x3FAA] =	sst s3  }
0xc: {  	[smem:$0x3FAB] =	sst s4  }
0xd: {  	[smem:$0x3FAC] =	sst s5  }
0xe: {  	[smem:$0x3FAD] =	sst s6  }
0xf: {  	[smem:$0x3FAE] =	sst s7  }
0x10: {  	[smem:$0x3FAF] =	sst s8  }
0x11: {  	[smem:$0x3FB0] =	sst s9;
	s0 =	simm.s32 @!p0 $0x0  }
0x12: {  	s1 =	sld [smem:$0x3F96];
	s0 =	simm.s32 @p0 $0x1  }
0x13: {  	[smem:$0x3FB1] =	sst s0;
	s0 =	simm.s32 @!p1 $0x0  }
0x14: {  	s2 =	sld [smem:$0x3F95];
	s0 =	simm.s32 @p1 $0x1  }
0x15: {  	[smem:$0x3FB2] =	sst s0;
	s0 =	simm.s32 @!p2 $0x0  }
0x16: {  	s3 =	sld [smem:$0x3FDB];
	s0 =	simm.s32 @p2 $0x1  }
0x17: {  	s4 =	simm.s32 $0x1BF5;
	[smem:$0x3FB4] =	sst s0  }
0x18: {  	s0 =	sld [smem:$0x3F97];
	_ =	swait.ge [sflag:s4], $0x0  }
0x19: {  	s7 =	sld [smem:$0x3F98]  }
0x1a: {  	s8 =	sadd.s32 $0xFFFFE003, lr  }
0x1b: {  	s9 =	sadd.s32 $0xFFFFFEF7, lr;
	s5 =	simm.s32 $0xFFFFFFFF;
	p2 =	slt.u32 s8, $0xFFFFF086  }
0x1c: {  	p1 =	slt.u32 s9, $0xF7A;
	s5 =	simm.s32 @!p2 $0x0  }
0x1d: {  	s5 =	simm.s32 @p1 $0x1;
	p0 =	seq.s32 s7, s2  }
0x1e: {  	s7 =	smul.u32 @!p0 $0xF7A, s2;
	p2 =	seq.s32 @!p0 s5, $0x0  }
0x1f: {  	s9 =	smul.u32 $0xF7A, s1;
	s8 =	simm.s32 @!p0 $0x1BF5;
	p2 =	por !p2, p0  }
0x20: {  	[sflag:s8] =	ssyncset.s32 @!p0 $0xFFFFF086;
	s6 =	sadd.s32 @!p0 s3, s7;
	s7 =	simm.s32 @!p0 $0x108  }
0x21: {  	s3 =	sadd.s32 s3, s9;
	s6 =	sadd.s32 @!p0 $0x88, s6;
	s7 =	simm.s32 @p2 $0x1082  }
0x22: {  	[simem:s7], [sflag:s8] =	dma.local @!p0 [hbm:s6], $0xF7A  }
0x23: {  	s9 =	sor.u32 $0xD0000000, s2;
	s6 =	simm.s32 $0x108;
	_ =	swait.ge @!p0 [sflag:s8], $0x0  }
0x24: {  	s3 =	sadd.s32 $0x88, s3;
	s6 =	simm.s32 @!p1 $0x1082;
	[sflag:s4] =	ssyncset.s32 $0xFFFFF086  }
0x25: {  	[simem:s6], [sflag:s4] =	dma.local [hbm:s3], $0xF7A  }
0x26: {  	[smem:$0x3F98] =	sst s1;
	(tag) =	ssettag s2;
	_ =	strace s9  }
0x27: {  	s1 =	sld [smem:$0x3FA8]  }
0x28: {  	s2 =	sld [smem:$0x3FA9]  }
0x29: {  	s4 =	sld [smem:$0x3FAB]  }
0x2a: {  	p0 =	seq.s32 s5, $0x0;
	s5 =	sld [smem:$0x3FAC]  }
0x2b: {  	s6 =	sld [smem:$0x3FAD]  }
0x2c: {  	s7 =	sld [smem:$0x3FAE]  }
0x2d: {  	s3 =	simm.s32 $0x108;
	s8 =	sld [smem:$0x3FAF]  }
0x2e: {  	s3 =	simm.s32 @!p0 $0x1082;
	s9 =	sld [smem:$0x3FB0]  }
0x2f: {  	lr =	sadd.s32 s0, s3;
	s0 =	sld [smem:$0x3FA7]  }
0x30: {  	s3 =	sld [smem:$0x3FAA]  }
0x31: {  	[smem:$0x3FB3] =	sst s10  }
0x32: {  	s10 =	sld [smem:$0x3FB1];
	_ =	sdelay $0x3  }
0x33: {  	p0 =	seq.s32 s10, $0x1;
	s10 =	sld [smem:$0x3FB3];
	_ =	sdelay $0x3  }
0x34: {  	[smem:$0x3FB3] =	sst s10  }
0x35: {  	s10 =	sld [smem:$0x3FB2];
	_ =	sdelay $0x3  }
0x36: {  	p1 =	seq.s32 s10, $0x1;
	s10 =	sld [smem:$0x3FB3];
	_ =	sdelay $0x3  }
0x37: {  	[smem:$0x3FB3] =	sst s10  }
0x38: {  	s10 =	sld [smem:$0x3FB4]  }
0x39: {  	_ = 	snop;
	(pc) =	sbr.ind lr, $3  }
0x3a: {  	_ = 	snop  }
0x3b: {  	_ = 	snop  }
0x3c: {  	p2 =	seq.s32 s10, $0x1;
	s10 =	sld [smem:$0x3FB3]  }
0x3d: {  	_ =	shalt  }
0x3e: {  	_ =	shalt  }
0x3f: {  	_ =	shalt  }
0x40: {  	_ =	shalt  }
0x41: {  	_ =	shalt  }
0x42: {  	_ =	shalt  }
0x43: {  	_ =	shalt  }
0x44: {  	_ =	shalt  }
0x45: {  	_ =	shalt  }
0x46: {  	_ =	shalt  }
0x47: {  	_ =	shalt  }
0x48: {  	_ =	shalt  }
0x49: {  	_ =	shalt  }
0x4a: {  	_ =	shalt  }
0x4b: {  	_ =	shalt  }
0x4c: {  	_ =	shalt  }
0x4d: {  	_ =	shalt  }
0x4e: {  	_ =	shalt  }
0x4f: {  	_ =	shalt  }
0x50: {  	_ =	shalt  }
0x51: {  	_ =	shalt  }
0x52: {  	_ =	shalt  }
0x53: {  	_ =	shalt  }
0x54: {  	_ =	shalt  }
0x55: {  	_ =	shalt  }
0x56: {  	_ =	shalt  }
0x57: {  	_ =	shalt  }
0x58: {  	_ =	shalt  }
0x59: {  	_ =	shalt  }
0x5a: {  	_ =	shalt  }
0x5b: {  	_ =	shalt  }
0x5c: {  	_ =	shalt  }
0x5d: {  	_ =	shalt  }
0x5e: {  	_ =	shalt  }
0x5f: {  	_ =	shalt  }
0x60: {  	_ =	shalt  }
0x61: {  	_ =	shalt  }
0x62: {  	_ =	shalt  }
0x63: {  	_ =	shalt  }
0x64: {  	_ =	shalt  }
0x65: {  	_ =	shalt  }
0x66: {  	_ =	shalt  }
0x67: {  	_ =	shalt  }
0x68: {  	_ =	shalt  }
0x69: {  	_ =	shalt  }
0x6a: {  	_ =	shalt  }
0x6b: {  	_ =	shalt  }
0x6c: {  	_ =	shalt  }
0x6d: {  	_ =	shalt  }
0x6e: {  	_ =	shalt  }
0x6f: {  	_ =	shalt  }
0x70: {  	_ =	shalt  }
0x71: {  	_ =	shalt  }
0x72: {  	_ =	shalt  }
0x73: {  	_ =	shalt  }
0x74: {  	_ =	shalt  }
0x75: {  	_ =	shalt  }
0x76: {  	_ =	shalt  }
0x77: {  	_ =	shalt  }
0x78: {  	_ =	shalt  }
0x79: {  	_ =	shalt  }
0x7a: {  	_ =	shalt  }
0x7b: {  	_ =	shalt  }
0x7c: {  	_ =	shalt  }
0x7d: {  	_ =	shalt  }
0x7e: {  	_ =	shalt  }
0x7f: {  	_ =	shalt  }
0x80: {  	_ =	shalt  }
0x81: {  	_ =	shalt  }
0x82: {  	_ =	shalt  }
0x83: {  	_ =	shalt  }
0x84: {  	_ =	shalt  }
0x85: {  	_ =	shalt  }
0x86: {  	_ =	shalt  }
0x87: {  	_ =	shalt  }
.Lfunc_end0:
.L_simem_size_0:
called_computation.1_lowered:
.L_overlay_start_0:
0x88: {  	s2 =	sld [smem:$0x3FD9]  }
0x89: {  	s3 =	sld [smem:$0x3FFE];
	_ =	sdelay $0x1  }
0x8a: {  	s1 =	srdreg.scid  }
0x8b: {  	s0 =	sand.u32 $0x1, s1  }
0x8c: {  	s16 =	sshll.u32 s0, $0xA;
	s2 =	sadd.s32 s3, s2  }
0x8d: {  	s2 =	sadd.s32 s2, s16  }
0x8e: {  	[smem:$0x3FBF] =	sst s2  }
0x8f: {  	_ = 	snop  }
0x90: {  	(tm) =	ssettm $0x1  }
0x91: {  	s17 =	sld [smem:$0x3FFB];
	_ =	sdelay $0x3  }
0x92: {  	_ =	strace s17  }
0x93: {  	s2 =	sld [smem:$0x3FFC];
	_ =	sdelay $0x3  }
0x94: {  	_ =	strace s2  }
0x95: {  	s2 =	sld [smem:$0x3FFD];
	_ =	sdelay $0x3  }
0x96: {  	_ =	strace s2  }
0x97: {  	_ =	strace $0x8FFFFFFF  }
0x98: {  	s18 =	sld [smem:$0x3FDB];
	_ =	sdelay $0x1  }
0x99: {  	s19 =	simm.s32 $_scs_section_size  }
0x9a: {  	s4 =	simm.s32 $_size__tile_overlayer_lowered;
	s5 =	simm.s32 $_tile_overlayer_lowered  }
0x9b: {  	s22 =	simm.s32 $0x1BFF;
	s21 =	sshll.u32 s5, $0x1;
	s2 =	sadd.s32 s19, s18  }
0x9c: {  	s6 =	simm.s32 $0x0;
	s20 =	sshll.u32 s4, $0x1;
	s4 =	sadd.s32 s21, s2  }
0x9d: {  	[timem:s6], [sflag:s22] =	dma.local [hbm:s4], s20  }
0x9e: {  	_ =	swait.ge [sflag:s22], s20  }
0x9f: {  	s3 =	ssub.s32 $0x0, s20;
	[sflag:s22] =	ssyncset.done $0x0  }
0xa0: {  	[sflag:s22] =	ssyncadd.s32 s3;
	_ =	sdelay $0x1  }
0xa1: {  	s23 =	simm.s32 $0x1B8B  }
0xa2: {  	_ =	swait.ge [sflag:s23], $0x1  }
0xa3: {  	[sflag:s23] =	ssyncset.done $0x0  }
0xa4: {  	s25 =	simm.s32 $0x1B8E;
	s24 =	sld [smem:$0x3FFE];
	[sflag:s23] =	ssyncadd.s32 $0xFFFFFFFF  }
0xa5: {  	s26 =	simm.s32 $execute0_lowered;
	[smem:$0x3FD2] =	sst s25  }
0xa6: {  	s4 =	sshll.u32 s26, $0x1;
	_ =	strace $0x80000049;
	[dreg:$0x1] =	wrdreg $0xFFFFFFFF  }
0xa7: {  	s28 =	simm.s32 $_size_execute0_lowered;
	s2 =	sadd.s32 s2, s4;
	[dreg:$0x0] =	wrdreg $0x0  }
0xa8: {  	s4 =	sshll.u32 s28, $0x1;
	[dreg:$0x2] =	wrdreg s2  }
0xa9: {  	[dreg:$0x3] =	wrdreg s4  }
0xaa: {  	[dreg:$0x4] =	wrdreg $0xC0  }
0xab: {  	_ =	task [dreg:s6], $0x5FFFF  }
0xac: {  	[dreg:$0x1] =	wrdreg $0xFFFFFFFF  }
0xad: {  	[dreg:$0x0] =	wrdreg $0x60  }
0xae: {  	[dreg:$0x2] =	wrdreg s24  }
0xaf: {  	[dreg:$0x3] =	wrdreg $0xB7800  }
0xb0: {  	[dreg:$0x4] =	wrdreg $0x9  }
0xb1: {  	_ =	task.clear_ibuf [dreg:s6], $0x5FFFF;
	_ =	strace $0x90000049  }
0xb2: {  	s29 =	simm.s32 $0x9;
	_ =	strace $0x8000004B  }
0xb3: {  	_ =	swait.ge [sflag:s29], $0x1  }
0xb4: {  	[sflag:s29] =	ssyncadd.s32 $0xFFFFFFFF  }
0xb5: {  	_ =	strace $0x9000004B  }
0xb6: {  	_ =	sfence  }
0xb7: {  	s30 =	sld [smem:$0x0];
	_ =	sdelay $0x2  }
0xb8: {  	s31 =	sshll.u32 s1, $0xD;
	s1 =	sshrl.u32 s1, $0x2  }
0xb9: {  	s3 =	sand.u32 $0x4000, s31;
	s1 =	sadd.s32 s1, s30  }
0xba: {  	s0 =	sor.u32 s3, s0;
	s1 =	sshll.u32 s1, $0x11  }
0xbb: {  	s0 =	sor.u32 s1, s0  }
0xbc: {  	s0 =	sadd.s32 $0x8F2B, s0  }
0xbd: {  	[sflag:s0] =	ssyncadd.remote.s32 $0x1  }
0xbe: {  	_ =	sfence.sel $0xFFFF  }
0xbf: {  	[dreg:$0x0] =	wrdreg $0xFFFFFFFF;
	(pc) =	sbr.abs _section_cstart, $3  }
0xc0: {  	[dreg:$0x1] =	wrdreg $0xFFFFFFFF  }
0xc1: {  	_ =	task.clear_ibuf [dreg:s6], $0x2FFFF;
	_ =	strace $0x9FFFFFFF  }
0xc2: {  	(tm) =	ssettm $0x7FFFFFFF  }
0xc3: {  	_ =	shalt  }
tec
execute0_lowered:
.L_overlay_start_1:
0x0: {  	(tag) =	ssettag $0x1  }
0x1: {  	s0 =	srdreg.scid;
	s5 =	rddreg [dreg:$0x0]  }
0x2: {  	s9 =	stileid.u32;
	s2 =	rddreg [dreg:$0x1];
	s19 =	simm.s32 $0x3  }
0x3: {  	s21 =	simm.s32 $0x6780;
	s28 =	simm.s32 $0x26C0;
	s29 =	simm.s32 $0x6500  }
0x4: {  	s30 =	simm.s32 $0x6580;
	s31 =	simm.s32 $0x0;
	s8 =	smul.u32 $0x14000, s9  }
0x5: {  	s0 =	sand.u32 $0x1, s0;
	s22 =	sshll.u32 s9, $0x7;
	s24 =	smul.u32 $0x50000, s9  }
0x6: {  	s1 =	sshll.u32 s0, $0x4;
	s6 =	sand.u32 $0x380, s22;
	s23 =	smul.u32 $0x140000, s0  }
0x7: {  	s0 =	ssub.s32 $0x2, s0;
	s22 =	simm.s32 $0x50;
	s1 =	sor.u32 s9, s1  }
0x8: {  	s25 =	sshrl.u32 s0, $0x1;
	s26 =	sshrl.u32 s24, $0x2;
	s24 =	simm.s32 $0x1  }
0x9: {  	s3 =	sshrl.u32 s1, $0x3;
	s1 =	sshll.u32 s1, $0xB;
	s0 =	ssub.s32 s0, s25  }
0xa: {  	s25 =	simm.s32 $0x2;
	s4 =	smul.u32 $0x13C00, s3;
	s3 =	simm.s32 $0x0  }
0xb: {  	s1 =	sadd.s32 s1, s5;
	s16 =	smax.u32 s0, $0x1;
	[smem:$0x7FF] =	sst s3  }
0xc: {  	s4 =	sor.u32 s6, s4;
	_ =	strace $0x8000004A;
	s6 =	sadd.s32 s8, s23  }
0xd: {  	s23 =	simm.s32 $0x8F80;
	s7 =	sshrl.u32 s4, $0x3;
	s6 =	sshrl.u32 s6, $0x3  }
0xe: {  	s4 =	sadd.s32 $0x3000, s5;
	s7 =	sadd.s32 s7, s5;
	s15 =	sadd.s32 s6, s5  }
0xf: {  	s6 =	sadd.s32 s26, s2;
	s26 =	simm.s32 $0x6480;
	s5 =	sadd.s32 $0x6C000, s7  }
0x10: {  	s7 =	sadd.s32 $0x5C000, s1;
	s8 =	sadd.s32 $0x2800, s6;
	s9 =	sadd.s32 $0x5000, s6  }
0x11: {  	s10 =	sadd.s32 $0x7800, s6;
	s11 =	sadd.s32 $0xA000, s6;
	s12 =	sadd.s32 $0xC800, s6  }
0x12: {  	v0 =	vimm.f32 $0.0e+00;
	s13 =	sadd.s32 $0xF000, s6;
	s14 =	sadd.s32 $0x11800, s6;
	s15 =	sadd.s32 $0x75E00, s15  }
.LBB2_1:
0x13: {  	s0 =	simm.s32 $0x80;
	s1 =	simm.s32 $0x400  }
0x14: {  	[tilespmem:s3], [sflag:$0x3] =	stream.strided.gather [hbm4b:s5+s0], $0x2780, s1, s0, $0x38;
	[tilespmem:$0x1F780] =	vst v63  }
0x15: {  	_ =	swait.ge [sflag:s19], $0x2780  }
0x16: {  	[sflag:s19] =	ssyncset.done $0x0  }
0x17: {  	s17 =	simm.s32 $0x2780;
	[sflag:s19] =	ssyncadd.s32 $0xFFFFD880  }
0x18: {  	[tilespmem:s17], [sflag:$0x3] =	stream.linear.gather [hbm4b:s7+s3], $0x3E80, $0x38;
	[tilespmem:$0x1F780] =	vst v63  }
0x19: {  	s18 =	sand.u32 $0xFE00, s3;
	s20 =	sand.u32 $0x70, s3;
	_ =	swait.ge [sflag:s19], $0x3E80  }
0x1a: {  	s0 =	simm.s32 $0x40;
	s17 =	sshrl.u32 s18, $0x2;
	[sflag:s19] =	ssyncset.done $0x0  }
0x1b: {  	s1 =	simm.s32 $0x0;
	s17 =	sor.u32 s20, s17;
	[sflag:s19] =	ssyncadd.s32 $0xFFFFC180  }
.LBB2_2:
0x1c: {  	p0 =	sne.s32 s0, $0x9FC0  }
0x1d: {  	[tilespmem:s17+$0x6780] =	vst v0;
	s1 =	sadd.s32 $0x10, s1;
	s17 =	smov.u32 s0;
	s0 =	sadd.s32 $0x40, s0  }
.Ltmp0:
0x1e: {  	(pc) =	sbr.rel @p0 .LBB2_2-.Ltmp0, $4  }
0x1f: {  	_ = 	snop  }
0x20: {  	s17 =	sand.u32 $0xFE00, s17  }
0x21: {  	s18 =	sand.u32 $0x70, s1;
	s17 =	sshrl.u32 s17, $0x2  }
0x22: {  	s17 =	sor.u32 s18, s17  }
0x23: {  	[tilespmem:s17+$0x6780] =	vst v0  }
0x24: {  	[spmem:s6] =	stream.linear.scatter [tilespmem:s21], [sflag:$0x3], $0x2800, $0x38;
	[tilespmem:$0x1F780] =	vst v63  }
0x25: {  	_ =	swait.ge [sflag:s19], $0x2800  }
0x26: {  	[sflag:s19] =	ssyncset.done $0x0  }
0x27: {  	[sflag:s19] =	ssyncadd.s32 $0xFFFFD800  }
0x28: {  	[spmem:s8] =	stream.linear.scatter [tilespmem:s21], [sflag:$0x3], $0x2800, $0x38;
	[tilespmem:$0x1F780] =	vst v63  }
0x29: {  	_ =	swait.ge [sflag:s19], $0x2800  }
0x2a: {  	[sflag:s19] =	ssyncset.done $0x0  }
0x2b: {  	[sflag:s19] =	ssyncadd.s32 $0xFFFFD800  }
0x2c: {  	[spmem:s9] =	stream.linear.scatter [tilespmem:s21], [sflag:$0x3], $0x2800, $0x38;
	[tilespmem:$0x1F780] =	vst v63  }
0x2d: {  	_ =	swait.ge [sflag:s19], $0x2800  }
0x2e: {  	[sflag:s19] =	ssyncset.done $0x0  }
0x2f: {  	[sflag:s19] =	ssyncadd.s32 $0xFFFFD800  }
0x30: {  	[spmem:s10] =	stream.linear.scatter [tilespmem:s21], [sflag:$0x3], $0x2800, $0x38;
	[tilespmem:$0x1F780] =	vst v63  }
0x31: {  	_ =	swait.ge [sflag:s19], $0x2800  }
0x32: {  	[sflag:s19] =	ssyncset.done $0x0  }
0x33: {  	[sflag:s19] =	ssyncadd.s32 $0xFFFFD800  }
0x34: {  	[spmem:s11] =	stream.linear.scatter [tilespmem:s21], [sflag:$0x3], $0x2800, $0x38;
	[tilespmem:$0x1F780] =	vst v63  }
0x35: {  	_ =	swait.ge [sflag:s19], $0x2800  }
0x36: {  	[sflag:s19] =	ssyncset.done $0x0  }
0x37: {  	[sflag:s19] =	ssyncadd.s32 $0xFFFFD800  }
0x38: {  	[spmem:s12] =	stream.linear.scatter [tilespmem:s21], [sflag:$0x3], $0x2800, $0x38;
	[tilespmem:$0x1F780] =	vst v63  }
0x39: {  	_ =	swait.ge [sflag:s19], $0x2800  }
0x3a: {  	[sflag:s19] =	ssyncset.done $0x0  }
0x3b: {  	[sflag:s19] =	ssyncadd.s32 $0xFFFFD800  }
0x3c: {  	[spmem:s13] =	stream.linear.scatter [tilespmem:s21], [sflag:$0x3], $0x2800, $0x38;
	[tilespmem:$0x1F780] =	vst v63  }
0x3d: {  	_ =	swait.ge [sflag:s19], $0x2800  }
0x3e: {  	[sflag:s19] =	ssyncset.done $0x0  }
0x3f: {  	[sflag:s19] =	ssyncadd.s32 $0xFFFFD800  }
0x40: {  	[spmem:s14] =	stream.linear.scatter [tilespmem:s21], [sflag:$0x3], $0x2800, $0x38;
	[tilespmem:$0x1F780] =	vst v63  }
0x41: {  	_ =	swait.ge [sflag:s19], $0x2800  }
0x42: {  	[sflag:s19] =	ssyncset.done $0x0  }
0x43: {  	s0 =	simm.s32 $0x0;
	[sflag:s19] =	ssyncadd.s32 $0xFFFFD800  }
0x44: {  	[tilespmem:s21], [sflag:$0x1] =	stream.indirect.gather [hbm4b:s4+s22], $0x80, s0, s22, $0xb8;
	[tilespmem:$0x1F780] =	vst v63  }
0x45: {  	_ = 	snop  }
0x46: {  	[tilespmem:s23], [sflag:$0x2] =	stream.indirect.gather [hbm4b:s4+s22], $0x80, s22, s22, $0xb8;
	[tilespmem:$0x1F780] =	vst v63  }
0x47: {  	[bflag:$0x0] =	sbarrier.arrive $0xFFFF  }
0x48: {  	_ =	swait.ge [sflag:s24], $0x2800  }
0x49: {  	[sflag:s24] =	ssyncset.done $0x0  }
0x4a: {  	s17 =	simm.s32 $0x2780;
	[sflag:s24] =	ssyncadd.s32 $0xFFFFD800  }
0x4b: {  	[spmem:s2] =	stream.indirect.scatter.add.f32 [tilespmem:s21], [sflag:$0x3], $0x80, s17, s22, $0xb8;
	[tilespmem:$0x1F780] =	vst v63  }
0x4c: {  	_ =	swait.ge [sflag:s19], $0x2800  }
0x4d: {  	[sflag:s19] =	ssyncset.done $0x0  }
0x4e: {  	s18 =	simm.s32 $0xA0;
	[sflag:s19] =	ssyncadd.s32 $0xFFFFD800  }
0x4f: {  	[tilespmem:s21], [sflag:$0x1] =	stream.indirect.gather [hbm4b:s4+s22], $0x80, s18, s22, $0xb8;
	[tilespmem:$0x1F780] =	vst v63  }
0x50: {  	_ =	swait.ge [sflag:s25], $0x2800  }
0x51: {  	[sflag:s25] =	ssyncset.done $0x0  }
0x52: {  	s20 =	simm.s32 $0x2800;
	[sflag:s25] =	ssyncadd.s32 $0xFFFFD800  }
0x53: {  	[spmem:s2] =	stream.indirect.scatter.add.f32 [tilespmem:s23], [sflag:$0x3], $0x80, s20, s22, $0xb8;
	[tilespmem:$0x1F780] =	vst v63  }
0x54: {  	_ =	swait.ge [sflag:s19], $0x2800  }
0x55: {  	s1 =	simm.s32 $0xF0;
	[sflag:s19] =	ssyncset.done $0x0  }
0x56: {  	s0 =	simm.s32 $0x400;
	s17 =	simm.s32 $0x190;
	[sflag:s19] =	ssyncadd.s32 $0xFFFFD800  }
.LBB2_4:
0x57: {  	[tilespmem:s23], [sflag:$0x2] =	stream.indirect.gather [hbm4b:s4+s22], $0x80, s1, s22, $0xb8;
	[tilespmem:$0x1F780] =	vst v63  }
0x58: {  	s18 =	smov.u32 s0;
	s1 =	smov.u32 s17  }
0x59: {  	p0 =	sne.s32 s0, $0xF000;
	s0 =	sadd.s32 $0x400, s0;
	_ =	swait.ge [sflag:s24], $0x2800  }
0x5a: {  	s18 =	sshra.s32 s18, $0x2;
	[sflag:s24] =	ssyncset.done $0x0  }
0x5b: {  	s20 =	sadd.s32 $0x2780, s18;
	[sflag:s24] =	ssyncadd.s32 $0xFFFFD800  }
0x5c: {  	[spmem:s2] =	stream.indirect.scatter.add.f32 [tilespmem:s21], [sflag:$0x3], $0x80, s20, s22, $0xb8;
	[tilespmem:$0x1F780] =	vst v63  }
0x5d: {  	_ =	swait.ge [sflag:s19], $0x2800  }
0x5e: {  	[sflag:s19] =	ssyncset.done $0x0  }
0x5f: {  	s20 =	sadd.s32 $0xFFFFFFB0, s17;
	[sflag:s19] =	ssyncadd.s32 $0xFFFFD800  }
0x60: {  	[tilespmem:s21], [sflag:$0x1] =	stream.indirect.gather [hbm4b:s4+s22], $0x80, s20, s22, $0xb8;
	[tilespmem:$0x1F780] =	vst v63  }
0x61: {  	_ =	swait.ge [sflag:s25], $0x2800  }
0x62: {  	[sflag:s25] =	ssyncset.done $0x0  }
.Ltmp1:
0x63: {  	s18 =	sadd.s32 $0x2800, s18;
	[sflag:s25] =	ssyncadd.s32 $0xFFFFD800;
	(pc) =	sbr.rel @p0 .LBB2_4-.Ltmp1, $4  }
0x64: {  	[spmem:s2] =	stream.indirect.scatter.add.f32 [tilespmem:s23], [sflag:$0x3], $0x80, s18, s22, $0xb8;
	[tilespmem:$0x1F780] =	vst v63  }
0x65: {  	_ =	swait.ge [sflag:s19], $0x2800  }
0x66: {  	[sflag:s19] =	ssyncset.done $0x0  }
0x67: {  	s17 =	sadd.s32 $0xA0, s17;
	[sflag:s19] =	ssyncadd.s32 $0xFFFFD800  }
0x68: {  	[tilespmem:s23], [sflag:$0x2] =	stream.indirect.gather [hbm4b:s4+s22], $0x80, s1, s22, $0xb8;
	[tilespmem:$0x1F780] =	vst v63  }
0x69: {  	_ =	swait.ge [sflag:s24], $0x2800  }
0x6a: {  	[sflag:s24] =	ssyncset.done $0x0  }
0x6b: {  	[sflag:s24] =	ssyncadd.s32 $0xFFFFD800  }
0x6c: {  	[spmem:s2] =	stream.indirect.scatter.add.f32 [tilespmem:s21], [sflag:$0x3], $0x80, s26, s22, $0xb8;
	[tilespmem:$0x1F780] =	vst v63  }
0x6d: {  	_ =	swait.ge [sflag:s19], $0x2800  }
0x6e: {  	[sflag:s19] =	ssyncset.done $0x0  }
0x6f: {  	[sflag:s19] =	ssyncadd.s32 $0xFFFFD800  }
0x70: {  	[tilespmem:s21], [sflag:$0x1] =	stream.indirect.gather [hbm4b:s4+s22], $0x80, s28, s22, $0xb8;
	[tilespmem:$0x1F780] =	vst v63  }
0x71: {  	_ =	swait.ge [sflag:s25], $0x2800  }
0x72: {  	[sflag:s25] =	ssyncset.done $0x0  }
0x73: {  	[sflag:s25] =	ssyncadd.s32 $0xFFFFD800  }
0x74: {  	[spmem:s2] =	stream.indirect.scatter.add.f32 [tilespmem:s23], [sflag:$0x3], $0x80, s29, s22, $0xb8;
	[tilespmem:$0x1F780] =	vst v63  }
0x75: {  	_ =	swait.ge [sflag:s19], $0x2800  }
0x76: {  	[sflag:s19] =	ssyncset.done $0x0  }
0x77: {  	[sflag:s19] =	ssyncadd.s32 $0xFFFFD800  }
0x78: {  	_ =	swait.ge [sflag:s24], $0x2800  }
0x79: {  	[sflag:s24] =	ssyncset.done $0x0  }
0x7a: {  	[sflag:s24] =	ssyncadd.s32 $0xFFFFD800  }
0x7b: {  	[spmem:s2] =	stream.indirect.scatter.add.f32 [tilespmem:s21], [sflag:$0x3], $0x80, s30, s22, $0xb8;
	[tilespmem:$0x1F780] =	vst v63  }
0x7c: {  	s0 =	stileid.u32;
	_ =	swait.ge [sflag:s19], $0x2800  }
0x7d: {  	s20 =	sshrl.u32 s6, $0x3;
	s31 =	sadd.s32 $0x1, s31;
	[sflag:s19] =	ssyncset.done $0x0  }
0x7e: {  	s0 =	sshll.u32 s0, $0x6;
	p0 =	sne.s32 s31, s16;
	[sflag:s19] =	ssyncadd.s32 $0xFFFFD800  }
.Ltmp2:
0x7f: {  	s0 =	sor.u32 $0x1C03, s0;
	[bflag:$0x0] =	sbarrier.arrive $0xFFFF;
	(pc) =	sbr.rel @p0 .LBB2_1-.Ltmp2, $4  }
0x80: {  	[hbm:s15], [sflag:s0] =	dma.local [spmem:s20], $0x2800  }
0x81: {  	_ =	swait.ge [sflag:s19], $0x2800  }
0x82: {  	[sflag:s19] =	ssyncset.done $0x0  }
0x83: {  	[sflag:s19] =	ssyncadd.s32 $0xFFFFD800  }
0x84: {  	_ =	sfence.sel $0x180000  }
0x85: {  	[bflag:$0x0] =	sbarrier.arrive $0xFFFF  }
0x86: {  	_ =	strace $0x9000004A  }
0x87: {  	s0 =	stileid.u32;
	[bflag:$0x2] =	sbarrier.arrive $0xFFFF  }
0x88: {  	p0 =	sne.s32 s0, $0x0;
	s0 =	rddreg [dreg:$0x2]  }
0x89: {  	s0 =	sadd.s32 @!p0 $0x100000, s0  }
0x8a: {  	[sflag:s0] =	ssyncadd.tile.s32 @!p0 $0x1;
	_ =	shalt  }
.Lfunc_end2:
_tile_overlayer_lowered:
.L_overlay_start_2:
0x8b: {  	(tag) =	ssettag $0x2  }
0x8c: {  	s0 =	rddreg [dreg:$0x0];
	s2 =	stileid.u32  }
0x8d: {  	s1 =	rddreg [dreg:$0x1];
	p0 =	sne.s32 s2, $0x0  }
0x8e: {  	s3 =	rddreg [dreg:$0x2];
	[bflag:$0x3] =	sbarrier.arrive $0xFFFF;
	s2 =	simm.s32 @!p0 $0x1C03  }
0x8f: {  	[timem:s3], [sflag:s2] =	dma.local @!p0 [hbm:s0], s1  }
0x90: {  	s0 =	simm.s32 @!p0 $0x3  }
0x91: {  	_ =	swait.ge @!p0 [sflag:s0], s1  }
0x92: {  	s1 =	ssub.s32 @!p0 $0x0, s1;
	[sflag:s0] =	ssyncset.done @!p0 $0x0  }
0x93: {  	[sflag:s0] =	ssyncadd.s32 @!p0 s1  }
0x94: {  	[bflag:$0x3] =	sbarrier.arrive $0xFFFF  }
0x95: {  	_ =	shalt  }

// kernel: kernel.14.cloned.1.call-start
scs
__scs_entry_jumppad:
0x0: {  	(pc) =	sbr.rel $0x88, $3  }
0x1: {  	(tag) =	ssettag $0x0;
	lr =	simm.s32 $0x1  }
0x2: {  	[smem:$0x3F98] =	sst lr;
	_ =	strace $0xD0000000  }
0x3: {  	_ = 	snop  }
0x4: {  	_ = 	snop  }
0x5: {  	_ = 	snop  }
0x6: {  	_ = 	snop  }
0x7: {  	_ = 	snop  }
__scs_overlays_trampoline_lowered:
0x8: {  	[smem:$0x3FA7] =	sst s0  }
0x9: {  	[smem:$0x3FA8] =	sst s1  }
0xa: {  	[smem:$0x3FA9] =	sst s2  }
0xb: {  	[smem:$0x3FAA] =	sst s3  }
0xc: {  	[smem:$0x3FAB] =	sst s4  }
0xd: {  	[smem:$0x3FAC] =	sst s5  }
0xe: {  	[smem:$0x3FAD] =	sst s6  }
0xf: {  	[smem:$0x3FAE] =	sst s7  }
0x10: {  	[smem:$0x3FAF] =	sst s8  }
0x11: {  	[smem:$0x3FB0] =	sst s9;
	s0 =	simm.s32 @!p0 $0x0  }
0x12: {  	s1 =	sld [smem:$0x3F96];
	s0 =	simm.s32 @p0 $0x1  }
0x13: {  	[smem:$0x3FB1] =	sst s0;
	s0 =	simm.s32 @!p1 $0x0  }
0x14: {  	s2 =	sld [smem:$0x3F95];
	s0 =	simm.s32 @p1 $0x1  }
0x15: {  	[smem:$0x3FB2] =	sst s0;
	s0 =	simm.s32 @!p2 $0x0  }
0x16: {  	s3 =	sld [smem:$0x3FDB];
	s0 =	simm.s32 @p2 $0x1  }
0x17: {  	s4 =	simm.s32 $0x1BF5;
	[smem:$0x3FB4] =	sst s0  }
0x18: {  	s0 =	sld [smem:$0x3F97];
	_ =	swait.ge [sflag:s4], $0x0  }
0x19: {  	s7 =	sld [smem:$0x3F98]  }
0x1a: {  	s8 =	sadd.s32 $0xFFFFE003, lr  }
0x1b: {  	s9 =	sadd.s32 $0xFFFFFEF7, lr;
	s5 =	simm.s32 $0xFFFFFFFF;
	p2 =	slt.u32 s8, $0xFFFFF086  }
0x1c: {  	p1 =	slt.u32 s9, $0xF7A;
	s5 =	simm.s32 @!p2 $0x0  }
0x1d: {  	s5 =	simm.s32 @p1 $0x1;
	p0 =	seq.s32 s7, s2  }
0x1e: {  	s7 =	smul.u32 @!p0 $0xF7A, s2;
	p2 =	seq.s32 @!p0 s5, $0x0  }
0x1f: {  	s9 =	smul.u32 $0xF7A, s1;
	s8 =	simm.s32 @!p0 $0x1BF5;
	p2 =	por !p2, p0  }
0x20: {  	[sflag:s8] =	ssyncset.s32 @!p0 $0xFFFFF086;
	s6 =	sadd.s32 @!p0 s3, s7;
	s7 =	simm.s32 @!p0 $0x108  }
0x21: {  	s3 =	sadd.s32 s3, s9;
	s6 =	sadd.s32 @!p0 $0x88, s6;
	s7 =	simm.s32 @p2 $0x1082  }
0x22: {  	[simem:s7], [sflag:s8] =	dma.local @!p0 [hbm:s6], $0xF7A  }
0x23: {  	s9 =	sor.u32 $0xD0000000, s2;
	s6 =	simm.s32 $0x108;
	_ =	swait.ge @!p0 [sflag:s8], $0x0  }
0x24: {  	s3 =	sadd.s32 $0x88, s3;
	s6 =	simm.s32 @!p1 $0x1082;
	[sflag:s4] =	ssyncset.s32 $0xFFFFF086  }
0x25: {  	[simem:s6], [sflag:s4] =	dma.local [hbm:s3], $0xF7A  }
0x26: {  	[smem:$0x3F98] =	sst s1;
	(tag) =	ssettag s2;
	_ =	strace s9  }
0x27: {  	s1 =	sld [smem:$0x3FA8]  }
0x28: {  	s2 =	sld [smem:$0x3FA9]  }
0x29: {  	s4 =	sld [smem:$0x3FAB]  }
0x2a: {  	p0 =	seq.s32 s5, $0x0;
	s5 =	sld [smem:$0x3FAC]  }
0x2b: {  	s6 =	sld [smem:$0x3FAD]  }
0x2c: {  	s7 =	sld [smem:$0x3FAE]  }
0x2d: {  	s3 =	simm.s32 $0x108;
	s8 =	sld [smem:$0x3FAF]  }
0x2e: {  	s3 =	simm.s32 @!p0 $0x1082;
	s9 =	sld [smem:$0x3FB0]  }
0x2f: {  	lr =	sadd.s32 s0, s3;
	s0 =	sld [smem:$0x3FA7]  }
0x30: {  	s3 =	sld [smem:$0x3FAA]  }
0x31: {  	[smem:$0x3FB3] =	sst s10  }
0x32: {  	s10 =	sld [smem:$0x3FB1];
	_ =	sdelay $0x3  }
0x33: {  	p0 =	seq.s32 s10, $0x1;
	s10 =	sld [smem:$0x3FB3];
	_ =	sdelay $0x3  }
0x34: {  	[smem:$0x3FB3] =	sst s10  }
0x35: {  	s10 =	sld [smem:$0x3FB2];
	_ =	sdelay $0x3  }
0x36: {  	p1 =	seq.s32 s10, $0x1;
	s10 =	sld [smem:$0x3FB3];
	_ =	sdelay $0x3  }
0x37: {  	[smem:$0x3FB3] =	sst s10  }
0x38: {  	s10 =	sld [smem:$0x3FB4]  }
0x39: {  	_ = 	snop;
	(pc) =	sbr.ind lr, $3  }
0x3a: {  	_ = 	snop  }
0x3b: {  	_ = 	snop  }
0x3c: {  	p2 =	seq.s32 s10, $0x1;
	s10 =	sld [smem:$0x3FB3]  }
0x3d: {  	_ =	shalt  }
0x3e: {  	_ =	shalt  }
0x3f: {  	_ =	shalt  }
0x40: {  	_ =	shalt  }
0x41: {  	_ =	shalt  }
0x42: {  	_ =	shalt  }
0x43: {  	_ =	shalt  }
0x44: {  	_ =	shalt  }
0x45: {  	_ =	shalt  }
0x46: {  	_ =	shalt  }
0x47: {  	_ =	shalt  }
0x48: {  	_ =	shalt  }
0x49: {  	_ =	shalt  }
0x4a: {  	_ =	shalt  }
0x4b: {  	_ =	shalt  }
0x4c: {  	_ =	shalt  }
0x4d: {  	_ =	shalt  }
0x4e: {  	_ =	shalt  }
0x4f: {  	_ =	shalt  }
0x50: {  	_ =	shalt  }
0x51: {  	_ =	shalt  }
0x52: {  	_ =	shalt  }
0x53: {  	_ =	shalt  }
0x54: {  	_ =	shalt  }
0x55: {  	_ =	shalt  }
0x56: {  	_ =	shalt  }
0x57: {  	_ =	shalt  }
0x58: {  	_ =	shalt  }
0x59: {  	_ =	shalt  }
0x5a: {  	_ =	shalt  }
0x5b: {  	_ =	shalt  }
0x5c: {  	_ =	shalt  }
0x5d: {  	_ =	shalt  }
0x5e: {  	_ =	shalt  }
0x5f: {  	_ =	shalt  }
0x60: {  	_ =	shalt  }
0x61: {  	_ =	shalt  }
0x62: {  	_ =	shalt  }
0x63: {  	_ =	shalt  }
0x64: {  	_ =	shalt  }
0x65: {  	_ =	shalt  }
0x66: {  	_ =	shalt  }
0x67: {  	_ =	shalt  }
0x68: {  	_ =	shalt  }
0x69: {  	_ =	shalt  }
0x6a: {  	_ =	shalt  }
0x6b: {  	_ =	shalt  }
0x6c: {  	_ =	shalt  }
0x6d: {  	_ =	shalt  }
0x6e: {  	_ =	shalt  }
0x6f: {  	_ =	shalt  }
0x70: {  	_ =	shalt  }
0x71: {  	_ =	shalt  }
0x72: {  	_ =	shalt  }
0x73: {  	_ =	shalt  }
0x74: {  	_ =	shalt  }
0x75: {  	_ =	shalt  }
0x76: {  	_ =	shalt  }
0x77: {  	_ =	shalt  }
0x78: {  	_ =	shalt  }
0x79: {  	_ =	shalt  }
0x7a: {  	_ =	shalt  }
0x7b: {  	_ =	shalt  }
0x7c: {  	_ =	shalt  }
0x7d: {  	_ =	shalt  }
0x7e: {  	_ =	shalt  }
0x7f: {  	_ =	shalt  }
0x80: {  	_ =	shalt  }
0x81: {  	_ =	shalt  }
0x82: {  	_ =	shalt  }
0x83: {  	_ =	shalt  }
0x84: {  	_ =	shalt  }
0x85: {  	_ =	shalt  }
0x86: {  	_ =	shalt  }
0x87: {  	_ =	shalt  }
.Lfunc_end0:
.L_simem_size_0:
called_computation.2_lowered:
.L_overlay_start_0:
0x88: {  	s2 =	sld [smem:$0x3FD9]  }
0x89: {  	s3 =	sld [smem:$0x3FFE];
	_ =	sdelay $0x1  }
0x8a: {  	s1 =	srdreg.scid  }
0x8b: {  	s0 =	sand.u32 $0x1, s1  }
0x8c: {  	s16 =	sshll.u32 s0, $0xA;
	s2 =	sadd.s32 s3, s2  }
0x8d: {  	s2 =	sadd.s32 s2, s16  }
0x8e: {  	[smem:$0x3FBF] =	sst s2  }
0x8f: {  	_ = 	snop  }
0x90: {  	(tm) =	ssettm $0x1  }
0x91: {  	s17 =	sld [smem:$0x3FFB];
	_ =	sdelay $0x3  }
0x92: {  	_ =	strace s17  }
0x93: {  	s2 =	sld [smem:$0x3FFC];
	_ =	sdelay $0x3  }
0x94: {  	_ =	strace s2  }
0x95: {  	s2 =	sld [smem:$0x3FFD];
	_ =	sdelay $0x3  }
0x96: {  	_ =	strace s2  }
0x97: {  	_ =	strace $0x8FFFFFFF  }
0x98: {  	s18 =	sld [smem:$0x3FDB];
	_ =	sdelay $0x1  }
0x99: {  	s19 =	simm.s32 $_scs_section_size  }
0x9a: {  	s4 =	simm.s32 $_size__tile_overlayer_lowered;
	s5 =	simm.s32 $_tile_overlayer_lowered  }
0x9b: {  	s22 =	simm.s32 $0x1BFF;
	s21 =	sshll.u32 s5, $0x1;
	s2 =	sadd.s32 s19, s18  }
0x9c: {  	s6 =	simm.s32 $0x0;
	s20 =	sshll.u32 s4, $0x1;
	s4 =	sadd.s32 s21, s2  }
0x9d: {  	[timem:s6], [sflag:s22] =	dma.local [hbm:s4], s20  }
0x9e: {  	_ =	swait.ge [sflag:s22], s20  }
0x9f: {  	s3 =	ssub.s32 $0x0, s20;
	[sflag:s22] =	ssyncset.done $0x0  }
0xa0: {  	[sflag:s22] =	ssyncadd.s32 s3;
	_ =	sdelay $0x1  }
0xa1: {  	s23 =	simm.s32 $0x1B8B  }
0xa2: {  	_ =	swait.ge [sflag:s23], $0x1  }
0xa3: {  	[sflag:s23] =	ssyncset.done $0x0  }
0xa4: {  	s25 =	simm.s32 $0x1B8E;
	s24 =	sld [smem:$0x3FFE];
	[sflag:s23] =	ssyncadd.s32 $0xFFFFFFFF  }
0xa5: {  	s26 =	simm.s32 $execute0_lowered;
	[smem:$0x3FD2] =	sst s25  }
0xa6: {  	s4 =	sshll.u32 s26, $0x1;
	_ =	strace $0x8000004C;
	[dreg:$0x1] =	wrdreg $0xFFFFFFFF  }
0xa7: {  	s28 =	simm.s32 $_size_execute0_lowered;
	s2 =	sadd.s32 s2, s4;
	[dreg:$0x0] =	wrdreg $0x0  }
0xa8: {  	s4 =	sshll.u32 s28, $0x1;
	[dreg:$0x2] =	wrdreg s2  }
0xa9: {  	[dreg:$0x3] =	wrdreg s4  }
0xaa: {  	[dreg:$0x4] =	wrdreg $0xC0  }
0xab: {  	_ =	task [dreg:s6], $0x5FFFF  }
0xac: {  	[dreg:$0x1] =	wrdreg $0xFFFFFFFF  }
0xad: {  	[dreg:$0x0] =	wrdreg $0x60  }
0xae: {  	[dreg:$0x2] =	wrdreg s24  }
0xaf: {  	[dreg:$0x3] =	wrdreg $0xB7800  }
0xb0: {  	[dreg:$0x4] =	wrdreg $0x9  }
0xb1: {  	_ =	task.clear_ibuf [dreg:s6], $0x5FFFF;
	_ =	strace $0x9000004C  }
0xb2: {  	s29 =	simm.s32 $0x9;
	_ =	strace $0x8000004E  }
0xb3: {  	_ =	swait.ge [sflag:s29], $0x1  }
0xb4: {  	[sflag:s29] =	ssyncadd.s32 $0xFFFFFFFF  }
0xb5: {  	_ =	strace $0x9000004E  }
0xb6: {  	_ =	sfence  }
0xb7: {  	s30 =	sld [smem:$0x0];
	_ =	sdelay $0x2  }
0xb8: {  	s31 =	sshll.u32 s1, $0xD;
	s1 =	sshrl.u32 s1, $0x2  }
0xb9: {  	s3 =	sand.u32 $0x4000, s31;
	s1 =	sadd.s32 s1, s30  }
0xba: {  	s0 =	sor.u32 s3, s0;
	s1 =	sshll.u32 s1, $0x11  }
0xbb: {  	s0 =	sor.u32 s1, s0  }
0xbc: {  	s0 =	sadd.s32 $0x8F2B, s0  }
0xbd: {  	[sflag:s0] =	ssyncadd.remote.s32 $0x1  }
0xbe: {  	_ =	sfence.sel $0xFFFF  }
0xbf: {  	[dreg:$0x0] =	wrdreg $0xFFFFFFFF;
	(pc) =	sbr.abs _section_cstart, $3  }
0xc0: {  	[dreg:$0x1] =	wrdreg $0xFFFFFFFF  }
0xc1: {  	_ =	task.clear_ibuf [dreg:s6], $0x2FFFF;
	_ =	strace $0x9FFFFFFF  }
0xc2: {  	(tm) =	ssettm $0x7FFFFFFF  }
0xc3: {  	_ =	shalt  }
tec
execute0_lowered:
.L_overlay_start_1:
0x0: {  	(tag) =	ssettag $0x1  }
0x1: {  	s0 =	srdreg.scid;
	s5 =	rddreg [dreg:$0x0]  }
0x2: {  	s9 =	stileid.u32;
	s2 =	rddreg [dreg:$0x1];
	s19 =	simm.s32 $0x3  }
0x3: {  	s21 =	simm.s32 $0x6780;
	s28 =	simm.s32 $0x26C0;
	s29 =	simm.s32 $0x6500  }
0x4: {  	s30 =	simm.s32 $0x6580;
	s31 =	simm.s32 $0x0;
	s8 =	smul.u32 $0x14000, s9  }
0x5: {  	s0 =	sand.u32 $0x1, s0;
	s22 =	sshll.u32 s9, $0x7;
	s24 =	smul.u32 $0x50000, s9  }
0x6: {  	s1 =	sshll.u32 s0, $0x4;
	s6 =	sand.u32 $0x380, s22;
	s23 =	smul.u32 $0x140000, s0  }
0x7: {  	s0 =	ssub.s32 $0x2, s0;
	s22 =	simm.s32 $0x50;
	s1 =	sor.u32 s9, s1  }
0x8: {  	s25 =	sshrl.u32 s0, $0x1;
	s26 =	sshrl.u32 s24, $0x2;
	s24 =	simm.s32 $0x1  }
0x9: {  	s3 =	sshrl.u32 s1, $0x3;
	s1 =	sshll.u32 s1, $0xB;
	s0 =	ssub.s32 s0, s25  }
0xa: {  	s25 =	simm.s32 $0x2;
	s4 =	smul.u32 $0x13C00, s3;
	s3 =	simm.s32 $0x0  }
0xb: {  	s1 =	sadd.s32 s1, s5;
	s16 =	smax.u32 s0, $0x1;
	[smem:$0x7FF] =	sst s3  }
0xc: {  	s4 =	sor.u32 s6, s4;
	_ =	strace $0x8000004D;
	s6 =	sadd.s32 s8, s23  }
0xd: {  	s23 =	simm.s32 $0x8F80;
	s7 =	sshrl.u32 s4, $0x3;
	s6 =	sshrl.u32 s6, $0x3  }
0xe: {  	s4 =	sadd.s32 $0x3000, s5;
	s7 =	sadd.s32 s7, s5;
	s15 =	sadd.s32 s6, s5  }
0xf: {  	s6 =	sadd.s32 s26, s2;
	s26 =	simm.s32 $0x6480;
	s5 =	sadd.s32 $0x6C000, s7  }
0x10: {  	s7 =	sadd.s32 $0x5C000, s1;
	s8 =	sadd.s32 $0x2800, s6;
	s9 =	sadd.s32 $0x5000, s6  }
0x11: {  	s10 =	sadd.s32 $0x7800, s6;
	s11 =	sadd.s32 $0xA000, s6;
	s12 =	sadd.s32 $0xC800, s6  }
0x12: {  	v0 =	vimm.f32 $0.0e+00;
	s13 =	sadd.s32 $0xF000, s6;
	s14 =	sadd.s32 $0x11800, s6;
	s15 =	sadd.s32 $0x75E00, s15  }
.LBB2_1:
0x13: {  	s0 =	simm.s32 $0x80;
	s1 =	simm.s32 $0x400  }
0x14: {  	[tilespmem:s3], [sflag:$0x3] =	stream.strided.gather [hbm4b:s5+s0], $0x2780, s1, s0, $0x38;
	[tilespmem:$0x1F780] =	vst v63  }
0x15: {  	_ =	swait.ge [sflag:s19], $0x2780  }
0x16: {  	[sflag:s19] =	ssyncset.done $0x0  }
0x17: {  	s17 =	simm.s32 $0x2780;
	[sflag:s19] =	ssyncadd.s32 $0xFFFFD880  }
0x18: {  	[tilespmem:s17], [sflag:$0x3] =	stream.linear.gather [hbm4b:s7+s3], $0x3E80, $0x38;
	[tilespmem:$0x1F780] =	vst v63  }
0x19: {  	s18 =	sand.u32 $0xFE00, s3;
	s20 =	sand.u32 $0x70, s3;
	_ =	swait.ge [sflag:s19], $0x3E80  }
0x1a: {  	s0 =	simm.s32 $0x40;
	s17 =	sshrl.u32 s18, $0x2;
	[sflag:s19] =	ssyncset.done $0x0  }
0x1b: {  	s1 =	simm.s32 $0x0;
	s17 =	sor.u32 s20, s17;
	[sflag:s19] =	ssyncadd.s32 $0xFFFFC180  }
.LBB2_2:
0x1c: {  	p0 =	sne.s32 s0, $0x9FC0  }
0x1d: {  	[tilespmem:s17+$0x6780] =	vst v0;
	s1 =	sadd.s32 $0x10, s1;
	s17 =	smov.u32 s0;
	s0 =	sadd.s32 $0x40, s0  }
.Ltmp0:
0x1e: {  	(pc) =	sbr.rel @p0 .LBB2_2-.Ltmp0, $4  }
0x1f: {  	_ = 	snop  }
0x20: {  	s17 =	sand.u32 $0xFE00, s17  }
0x21: {  	s18 =	sand.u32 $0x70, s1;
	s17 =	sshrl.u32 s17, $0x2  }
0x22: {  	s17 =	sor.u32 s18, s17  }
0x23: {  	[tilespmem:s17+$0x6780] =	vst v0  }
0x24: {  	[spmem:s6] =	stream.linear.scatter [tilespmem:s21], [sflag:$0x3], $0x2800, $0x38;
	[tilespmem:$0x1F780] =	vst v63  }
0x25: {  	_ =	swait.ge [sflag:s19], $0x2800  }
0x26: {  	[sflag:s19] =	ssyncset.done $0x0  }
0x27: {  	[sflag:s19] =	ssyncadd.s32 $0xFFFFD800  }
0x28: {  	[spmem:s8] =	stream.linear.scatter [tilespmem:s21], [sflag:$0x3], $0x2800, $0x38;
	[tilespmem:$0x1F780] =	vst v63  }
0x29: {  	_ =	swait.ge [sflag:s19], $0x2800  }
0x2a: {  	[sflag:s19] =	ssyncset.done $0x0  }
0x2b: {  	[sflag:s19] =	ssyncadd.s32 $0xFFFFD800  }
0x2c: {  	[spmem:s9] =	stream.linear.scatter [tilespmem:s21], [sflag:$0x3], $0x2800, $0x38;
	[tilespmem:$0x1F780] =	vst v63  }
0x2d: {  	_ =	swait.ge [sflag:s19], $0x2800  }
0x2e: {  	[sflag:s19] =	ssyncset.done $0x0  }
0x2f: {  	[sflag:s19] =	ssyncadd.s32 $0xFFFFD800  }
0x30: {  	[spmem:s10] =	stream.linear.scatter [tilespmem:s21], [sflag:$0x3], $0x2800, $0x38;
	[tilespmem:$0x1F780] =	vst v63  }
0x31: {  	_ =	swait.ge [sflag:s19], $0x2800  }
0x32: {  	[sflag:s19] =	ssyncset.done $0x0  }
0x33: {  	[sflag:s19] =	ssyncadd.s32 $0xFFFFD800  }
0x34: {  	[spmem:s11] =	stream.linear.scatter [tilespmem:s21], [sflag:$0x3], $0x2800, $0x38;
	[tilespmem:$0x1F780] =	vst v63  }
0x35: {  	_ =	swait.ge [sflag:s19], $0x2800  }
0x36: {  	[sflag:s19] =	ssyncset.done $0x0  }
0x37: {  	[sflag:s19] =	ssyncadd.s32 $0xFFFFD800  }
0x38: {  	[spmem:s12] =	stream.linear.scatter [tilespmem:s21], [sflag:$0x3], $0x2800, $0x38;
	[tilespmem:$0x1F780] =	vst v63  }
0x39: {  	_ =	swait.ge [sflag:s19], $0x2800  }
0x3a: {  	[sflag:s19] =	ssyncset.done $0x0  }
0x3b: {  	[sflag:s19] =	ssyncadd.s32 $0xFFFFD800  }
0x3c: {  	[spmem:s13] =	stream.linear.scatter [tilespmem:s21], [sflag:$0x3], $0x2800, $0x38;
	[tilespmem:$0x1F780] =	vst v63  }
0x3d: {  	_ =	swait.ge [sflag:s19], $0x2800  }
0x3e: {  	[sflag:s19] =	ssyncset.done $0x0  }
0x3f: {  	[sflag:s19] =	ssyncadd.s32 $0xFFFFD800  }
0x40: {  	[spmem:s14] =	stream.linear.scatter [tilespmem:s21], [sflag:$0x3], $0x2800, $0x38;
	[tilespmem:$0x1F780] =	vst v63  }
0x41: {  	_ =	swait.ge [sflag:s19], $0x2800  }
0x42: {  	[sflag:s19] =	ssyncset.done $0x0  }
0x43: {  	s0 =	simm.s32 $0x0;
	[sflag:s19] =	ssyncadd.s32 $0xFFFFD800  }
0x44: {  	[tilespmem:s21], [sflag:$0x1] =	stream.indirect.gather [hbm4b:s4+s22], $0x80, s0, s22, $0xb8;
	[tilespmem:$0x1F780] =	vst v63  }
0x45: {  	_ = 	snop  }
0x46: {  	[tilespmem:s23], [sflag:$0x2] =	stream.indirect.gather [hbm4b:s4+s22], $0x80, s22, s22, $0xb8;
	[tilespmem:$0x1F780] =	vst v63  }
0x47: {  	[bflag:$0x0] =	sbarrier.arrive $0xFFFF  }
0x48: {  	_ =	swait.ge [sflag:s24], $0x2800  }
0x49: {  	[sflag:s24] =	ssyncset.done $0x0  }
0x4a: {  	s17 =	simm.s32 $0x2780;
	[sflag:s24] =	ssyncadd.s32 $0xFFFFD800  }
0x4b: {  	[spmem:s2] =	stream.indirect.scatter.add.f32 [tilespmem:s21], [sflag:$0x3], $0x80, s17, s22, $0xb8;
	[tilespmem:$0x1F780] =	vst v63  }
0x4c: {  	_ =	swait.ge [sflag:s19], $0x2800  }
0x4d: {  	[sflag:s19] =	ssyncset.done $0x0  }
0x4e: {  	s18 =	simm.s32 $0xA0;
	[sflag:s19] =	ssyncadd.s32 $0xFFFFD800  }
0x4f: {  	[tilespmem:s21], [sflag:$0x1] =	stream.indirect.gather [hbm4b:s4+s22], $0x80, s18, s22, $0xb8;
	[tilespmem:$0x1F780] =	vst v63  }
0x50: {  	_ =	swait.ge [sflag:s25], $0x2800  }
0x51: {  	[sflag:s25] =	ssyncset.done $0x0  }
0x52: {  	s20 =	simm.s32 $0x2800;
	[sflag:s25] =	ssyncadd.s32 $0xFFFFD800  }
0x53: {  	[spmem:s2] =	stream.indirect.scatter.add.f32 [tilespmem:s23], [sflag:$0x3], $0x80, s20, s22, $0xb8;
	[tilespmem:$0x1F780] =	vst v63  }
0x54: {  	_ =	swait.ge [sflag:s19], $0x2800  }
0x55: {  	s1 =	simm.s32 $0xF0;
	[sflag:s19] =	ssyncset.done $0x0  }
0x56: {  	s0 =	simm.s32 $0x400;
	s17 =	simm.s32 $0x190;
	[sflag:s19] =	ssyncadd.s32 $0xFFFFD800  }
.LBB2_4:
0x57: {  	[tilespmem:s23], [sflag:$0x2] =	stream.indirect.gather [hbm4b:s4+s22], $0x80, s1, s22, $0xb8;
	[tilespmem:$0x1F780] =	vst v63  }
0x58: {  	s18 =	smov.u32 s0;
	s1 =	smov.u32 s17  }
0x59: {  	p0 =	sne.s32 s0, $0xF000;
	s0 =	sadd.s32 $0x400, s0;
	_ =	swait.ge [sflag:s24], $0x2800  }
0x5a: {  	s18 =	sshra.s32 s18, $0x2;
	[sflag:s24] =	ssyncset.done $0x0  }
0x5b: {  	s20 =	sadd.s32 $0x2780, s18;
	[sflag:s24] =	ssyncadd.s32 $0xFFFFD800  }
0x5c: {  	[spmem:s2] =	stream.indirect.scatter.add.f32 [tilespmem:s21], [sflag:$0x3], $0x80, s20, s22, $0xb8;
	[tilespmem:$0x1F780] =	vst v63  }
0x5d: {  	_ =	swait.ge [sflag:s19], $0x2800  }
0x5e: {  	[sflag:s19] =	ssyncset.done $0x0  }
0x5f: {  	s20 =	sadd.s32 $0xFFFFFFB0, s17;
	[sflag:s19] =	ssyncadd.s32 $0xFFFFD800  }
0x60: {  	[tilespmem:s21], [sflag:$0x1] =	stream.indirect.gather [hbm4b:s4+s22], $0x80, s20, s22, $0xb8;
	[tilespmem:$0x1F780] =	vst v63  }
0x61: {  	_ =	swait.ge [sflag:s25], $0x2800  }
0x62: {  	[sflag:s25] =	ssyncset.done $0x0  }
.Ltmp1:
0x63: {  	s18 =	sadd.s32 $0x2800, s18;
	[sflag:s25] =	ssyncadd.s32 $0xFFFFD800;
	(pc) =	sbr.rel @p0 .LBB2_4-.Ltmp1, $4  }
0x64: {  	[spmem:s2] =	stream.indirect.scatter.add.f32 [tilespmem:s23], [sflag:$0x3], $0x80, s18, s22, $0xb8;
	[tilespmem:$0x1F780] =	vst v63  }
0x65: {  	_ =	swait.ge [sflag:s19], $0x2800  }
0x66: {  	[sflag:s19] =	ssyncset.done $0x0  }
0x67: {  	s17 =	sadd.s32 $0xA0, s17;
	[sflag:s19] =	ssyncadd.s32 $0xFFFFD800  }
0x68: {  	[tilespmem:s23], [sflag:$0x2] =	stream.indirect.gather [hbm4b:s4+s22], $0x80, s1, s22, $0xb8;
	[tilespmem:$0x1F780] =	vst v63  }
0x69: {  	_ =	swait.ge [sflag:s24], $0x2800  }
0x6a: {  	[sflag:s24] =	ssyncset.done $0x0  }
0x6b: {  	[sflag:s24] =	ssyncadd.s32 $0xFFFFD800  }
0x6c: {  	[spmem:s2] =	stream.indirect.scatter.add.f32 [tilespmem:s21], [sflag:$0x3], $0x80, s26, s22, $0xb8;
	[tilespmem:$0x1F780] =	vst v63  }
0x6d: {  	_ =	swait.ge [sflag:s19], $0x2800  }
0x6e: {  	[sflag:s19] =	ssyncset.done $0x0  }
0x6f: {  	[sflag:s19] =	ssyncadd.s32 $0xFFFFD800  }
0x70: {  	[tilespmem:s21], [sflag:$0x1] =	stream.indirect.gather [hbm4b:s4+s22], $0x80, s28, s22, $0xb8;
	[tilespmem:$0x1F780] =	vst v63  }
0x71: {  	_ =	swait.ge [sflag:s25], $0x2800  }
0x72: {  	[sflag:s25] =	ssyncset.done $0x0  }
0x73: {  	[sflag:s25] =	ssyncadd.s32 $0xFFFFD800  }
0x74: {  	[spmem:s2] =	stream.indirect.scatter.add.f32 [tilespmem:s23], [sflag:$0x3], $0x80, s29, s22, $0xb8;
	[tilespmem:$0x1F780] =	vst v63  }
0x75: {  	_ =	swait.ge [sflag:s19], $0x2800  }
0x76: {  	[sflag:s19] =	ssyncset.done $0x0  }
0x77: {  	[sflag:s19] =	ssyncadd.s32 $0xFFFFD800  }
0x78: {  	_ =	swait.ge [sflag:s24], $0x2800  }
0x79: {  	[sflag:s24] =	ssyncset.done $0x0  }
0x7a: {  	[sflag:s24] =	ssyncadd.s32 $0xFFFFD800  }
0x7b: {  	[spmem:s2] =	stream.indirect.scatter.add.f32 [tilespmem:s21], [sflag:$0x3], $0x80, s30, s22, $0xb8;
	[tilespmem:$0x1F780] =	vst v63  }
0x7c: {  	s0 =	stileid.u32;
	_ =	swait.ge [sflag:s19], $0x2800  }
0x7d: {  	s20 =	sshrl.u32 s6, $0x3;
	s31 =	sadd.s32 $0x1, s31;
	[sflag:s19] =	ssyncset.done $0x0  }
0x7e: {  	s0 =	sshll.u32 s0, $0x6;
	p0 =	sne.s32 s31, s16;
	[sflag:s19] =	ssyncadd.s32 $0xFFFFD800  }
.Ltmp2:
0x7f: {  	s0 =	sor.u32 $0x1C03, s0;
	[bflag:$0x0] =	sbarrier.arrive $0xFFFF;
	(pc) =	sbr.rel @p0 .LBB2_1-.Ltmp2, $4  }
0x80: {  	[hbm:s15], [sflag:s0] =	dma.local [spmem:s20], $0x2800  }
0x81: {  	_ =	swait.ge [sflag:s19], $0x2800  }
0x82: {  	[sflag:s19] =	ssyncset.done $0x0  }
0x83: {  	[sflag:s19] =	ssyncadd.s32 $0xFFFFD800  }
0x84: {  	_ =	sfence.sel $0x180000  }
0x85: {  	[bflag:$0x0] =	sbarrier.arrive $0xFFFF  }
0x86: {  	_ =	strace $0x9000004D  }
0x87: {  	s0 =	stileid.u32;
	[bflag:$0x2] =	sbarrier.arrive $0xFFFF  }
0x88: {  	p0 =	sne.s32 s0, $0x0;
	s0 =	rddreg [dreg:$0x2]  }
0x89: {  	s0 =	sadd.s32 @!p0 $0x100000, s0  }
0x8a: {  	[sflag:s0] =	ssyncadd.tile.s32 @!p0 $0x1;
	_ =	shalt  }
.Lfunc_end2:
_tile_overlayer_lowered:
.L_overlay_start_2:
0x8b: {  	(tag) =	ssettag $0x2  }
0x8c: {  	s0 =	rddreg [dreg:$0x0];
	s2 =	stileid.u32  }
0x8d: {  	s1 =	rddreg [dreg:$0x1];
	p0 =	sne.s32 s2, $0x0  }
0x8e: {  	s3 =	rddreg [dreg:$0x2];
	[bflag:$0x3] =	sbarrier.arrive $0xFFFF;
	s2 =	simm.s32 @!p0 $0x1C03  }
0x8f: {  	[timem:s3], [sflag:s2] =	dma.local @!p0 [hbm:s0], s1  }
0x90: {  	s0 =	simm.s32 @!p0 $0x3  }
0x91: {  	_ =	swait.ge @!p0 [sflag:s0], s1  }
0x92: {  	s1 =	ssub.s32 @!p0 $0x0, s1;
	[sflag:s0] =	ssyncset.done @!p0 $0x0  }
0x93: {  	[sflag:s0] =	ssyncadd.s32 @!p0 s1  }
0x94: {  	[bflag:$0x3] =	sbarrier.arrive $0xFFFF  }
0x95: {  	_ =	shalt  }

// kernel: kernel.8.cloned.1.call-start
scs
__scs_entry_jumppad:
0x0: {  	(pc) =	sbr.rel $0x88, $3  }
0x1: {  	(tag) =	ssettag $0x0;
	lr =	simm.s32 $0x1  }
0x2: {  	[smem:$0x3F98] =	sst lr;
	_ =	strace $0xD0000000  }
0x3: {  	_ = 	snop  }
0x4: {  	_ = 	snop  }
0x5: {  	_ = 	snop  }
0x6: {  	_ = 	snop  }
0x7: {  	_ = 	snop  }
__scs_overlays_trampoline_lowered:
0x8: {  	[smem:$0x3FA7] =	sst s0  }
0x9: {  	[smem:$0x3FA8] =	sst s1  }
0xa: {  	[smem:$0x3FA9] =	sst s2  }
0xb: {  	[smem:$0x3FAA] =	sst s3  }
0xc: {  	[smem:$0x3FAB] =	sst s4  }
0xd: {  	[smem:$0x3FAC] =	sst s5  }
0xe: {  	[smem:$0x3FAD] =	sst s6  }
0xf: {  	[smem:$0x3FAE] =	sst s7  }
0x10: {  	[smem:$0x3FAF] =	sst s8  }
0x11: {  	[smem:$0x3FB0] =	sst s9;
	s0 =	simm.s32 @!p0 $0x0  }
0x12: {  	s1 =	sld [smem:$0x3F96];
	s0 =	simm.s32 @p0 $0x1  }
0x13: {  	[smem:$0x3FB1] =	sst s0;
	s0 =	simm.s32 @!p1 $0x0  }
0x14: {  	s2 =	sld [smem:$0x3F95];
	s0 =	simm.s32 @p1 $0x1  }
0x15: {  	[smem:$0x3FB2] =	sst s0;
	s0 =	simm.s32 @!p2 $0x0  }
0x16: {  	s3 =	sld [smem:$0x3FDB];
	s0 =	simm.s32 @p2 $0x1  }
0x17: {  	s4 =	simm.s32 $0x1BF5;
	[smem:$0x3FB4] =	sst s0  }
0x18: {  	s0 =	sld [smem:$0x3F97];
	_ =	swait.ge [sflag:s4], $0x0  }
0x19: {  	s7 =	sld [smem:$0x3F98]  }
0x1a: {  	s8 =	sadd.s32 $0xFFFFE003, lr  }
0x1b: {  	s9 =	sadd.s32 $0xFFFFFEF7, lr;
	s5 =	simm.s32 $0xFFFFFFFF;
	p2 =	slt.u32 s8, $0xFFFFF086  }
0x1c: {  	p1 =	slt.u32 s9, $0xF7A;
	s5 =	simm.s32 @!p2 $0x0  }
0x1d: {  	s5 =	simm.s32 @p1 $0x1;
	p0 =	seq.s32 s7, s2  }
0x1e: {  	s7 =	smul.u32 @!p0 $0xF7A, s2;
	p2 =	seq.s32 @!p0 s5, $0x0  }
0x1f: {  	s9 =	smul.u32 $0xF7A, s1;
	s8 =	simm.s32 @!p0 $0x1BF5;
	p2 =	por !p2, p0  }
0x20: {  	[sflag:s8] =	ssyncset.s32 @!p0 $0xFFFFF086;
	s6 =	sadd.s32 @!p0 s3, s7;
	s7 =	simm.s32 @!p0 $0x108  }
0x21: {  	s3 =	sadd.s32 s3, s9;
	s6 =	sadd.s32 @!p0 $0x88, s6;
	s7 =	simm.s32 @p2 $0x1082  }
0x22: {  	[simem:s7], [sflag:s8] =	dma.local @!p0 [hbm:s6], $0xF7A  }
0x23: {  	s9 =	sor.u32 $0xD0000000, s2;
	s6 =	simm.s32 $0x108;
	_ =	swait.ge @!p0 [sflag:s8], $0x0  }
0x24: {  	s3 =	sadd.s32 $0x88, s3;
	s6 =	simm.s32 @!p1 $0x1082;
	[sflag:s4] =	ssyncset.s32 $0xFFFFF086  }
0x25: {  	[simem:s6], [sflag:s4] =	dma.local [hbm:s3], $0xF7A  }
0x26: {  	[smem:$0x3F98] =	sst s1;
	(tag) =	ssettag s2;
	_ =	strace s9  }
0x27: {  	s1 =	sld [smem:$0x3FA8]  }
0x28: {  	s2 =	sld [smem:$0x3FA9]  }
0x29: {  	s4 =	sld [smem:$0x3FAB]  }
0x2a: {  	p0 =	seq.s32 s5, $0x0;
	s5 =	sld [smem:$0x3FAC]  }
0x2b: {  	s6 =	sld [smem:$0x3FAD]  }
0x2c: {  	s7 =	sld [smem:$0x3FAE]  }
0x2d: {  	s3 =	simm.s32 $0x108;
	s8 =	sld [smem:$0x3FAF]  }
0x2e: {  	s3 =	simm.s32 @!p0 $0x1082;
	s9 =	sld [smem:$0x3FB0]  }
0x2f: {  	lr =	sadd.s32 s0, s3;
	s0 =	sld [smem:$0x3FA7]  }
0x30: {  	s3 =	sld [smem:$0x3FAA]  }
0x31: {  	[smem:$0x3FB3] =	sst s10  }
0x32: {  	s10 =	sld [smem:$0x3FB1];
	_ =	sdelay $0x3  }
0x33: {  	p0 =	seq.s32 s10, $0x1;
	s10 =	sld [smem:$0x3FB3];
	_ =	sdelay $0x3  }
0x34: {  	[smem:$0x3FB3] =	sst s10  }
0x35: {  	s10 =	sld [smem:$0x3FB2];
	_ =	sdelay $0x3  }
0x36: {  	p1 =	seq.s32 s10, $0x1;
	s10 =	sld [smem:$0x3FB3];
	_ =	sdelay $0x3  }
0x37: {  	[smem:$0x3FB3] =	sst s10  }
0x38: {  	s10 =	sld [smem:$0x3FB4]  }
0x39: {  	_ = 	snop;
	(pc) =	sbr.ind lr, $3  }
0x3a: {  	_ = 	snop  }
0x3b: {  	_ = 	snop  }
0x3c: {  	p2 =	seq.s32 s10, $0x1;
	s10 =	sld [smem:$0x3FB3]  }
0x3d: {  	_ =	shalt  }
0x3e: {  	_ =	shalt  }
0x3f: {  	_ =	shalt  }
0x40: {  	_ =	shalt  }
0x41: {  	_ =	shalt  }
0x42: {  	_ =	shalt  }
0x43: {  	_ =	shalt  }
0x44: {  	_ =	shalt  }
0x45: {  	_ =	shalt  }
0x46: {  	_ =	shalt  }
0x47: {  	_ =	shalt  }
0x48: {  	_ =	shalt  }
0x49: {  	_ =	shalt  }
0x4a: {  	_ =	shalt  }
0x4b: {  	_ =	shalt  }
0x4c: {  	_ =	shalt  }
0x4d: {  	_ =	shalt  }
0x4e: {  	_ =	shalt  }
0x4f: {  	_ =	shalt  }
0x50: {  	_ =	shalt  }
0x51: {  	_ =	shalt  }
0x52: {  	_ =	shalt  }
0x53: {  	_ =	shalt  }
0x54: {  	_ =	shalt  }
0x55: {  	_ =	shalt  }
0x56: {  	_ =	shalt  }
0x57: {  	_ =	shalt  }
0x58: {  	_ =	shalt  }
0x59: {  	_ =	shalt  }
0x5a: {  	_ =	shalt  }
0x5b: {  	_ =	shalt  }
0x5c: {  	_ =	shalt  }
0x5d: {  	_ =	shalt  }
0x5e: {  	_ =	shalt  }
0x5f: {  	_ =	shalt  }
0x60: {  	_ =	shalt  }
0x61: {  	_ =	shalt  }
0x62: {  	_ =	shalt  }
0x63: {  	_ =	shalt  }
0x64: {  	_ =	shalt  }
0x65: {  	_ =	shalt  }
0x66: {  	_ =	shalt  }
0x67: {  	_ =	shalt  }
0x68: {  	_ =	shalt  }
0x69: {  	_ =	shalt  }
0x6a: {  	_ =	shalt  }
0x6b: {  	_ =	shalt  }
0x6c: {  	_ =	shalt  }
0x6d: {  	_ =	shalt  }
0x6e: {  	_ =	shalt  }
0x6f: {  	_ =	shalt  }
0x70: {  	_ =	shalt  }
0x71: {  	_ =	shalt  }
0x72: {  	_ =	shalt  }
0x73: {  	_ =	shalt  }
0x74: {  	_ =	shalt  }
0x75: {  	_ =	shalt  }
0x76: {  	_ =	shalt  }
0x77: {  	_ =	shalt  }
0x78: {  	_ =	shalt  }
0x79: {  	_ =	shalt  }
0x7a: {  	_ =	shalt  }
0x7b: {  	_ =	shalt  }
0x7c: {  	_ =	shalt  }
0x7d: {  	_ =	shalt  }
0x7e: {  	_ =	shalt  }
0x7f: {  	_ =	shalt  }
0x80: {  	_ =	shalt  }
0x81: {  	_ =	shalt  }
0x82: {  	_ =	shalt  }
0x83: {  	_ =	shalt  }
0x84: {  	_ =	shalt  }
0x85: {  	_ =	shalt  }
0x86: {  	_ =	shalt  }
0x87: {  	_ =	shalt  }
.Lfunc_end0:
.L_simem_size_0:
called_computation_lowered:
.L_overlay_start_0:
0x88: {  	s2 =	sld [smem:$0x3FD9]  }
0x89: {  	s3 =	sld [smem:$0x3FFE];
	_ =	sdelay $0x1  }
0x8a: {  	s1 =	srdreg.scid  }
0x8b: {  	s0 =	sand.u32 $0x1, s1  }
0x8c: {  	s16 =	sshll.u32 s0, $0xA;
	s2 =	sadd.s32 s3, s2  }
0x8d: {  	s2 =	sadd.s32 s2, s16  }
0x8e: {  	[smem:$0x3FBF] =	sst s2  }
0x8f: {  	_ = 	snop  }
0x90: {  	(tm) =	ssettm $0x1  }
0x91: {  	s17 =	sld [smem:$0x3FFB];
	_ =	sdelay $0x3  }
0x92: {  	_ =	strace s17  }
0x93: {  	s2 =	sld [smem:$0x3FFC];
	_ =	sdelay $0x3  }
0x94: {  	_ =	strace s2  }
0x95: {  	s2 =	sld [smem:$0x3FFD];
	_ =	sdelay $0x3  }
0x96: {  	_ =	strace s2  }
0x97: {  	_ =	strace $0x8FFFFFFF  }
0x98: {  	s18 =	sld [smem:$0x3FDB];
	_ =	sdelay $0x1  }
0x99: {  	s19 =	simm.s32 $_scs_section_size  }
0x9a: {  	s4 =	simm.s32 $_size__tile_overlayer_lowered;
	s5 =	simm.s32 $_tile_overlayer_lowered  }
0x9b: {  	s22 =	simm.s32 $0x1BFF;
	s21 =	sshll.u32 s5, $0x1;
	s2 =	sadd.s32 s19, s18  }
0x9c: {  	s6 =	simm.s32 $0x0;
	s20 =	sshll.u32 s4, $0x1;
	s4 =	sadd.s32 s21, s2  }
0x9d: {  	[timem:s6], [sflag:s22] =	dma.local [hbm:s4], s20  }
0x9e: {  	_ =	swait.ge [sflag:s22], s20  }
0x9f: {  	s3 =	ssub.s32 $0x0, s20;
	[sflag:s22] =	ssyncset.done $0x0  }
0xa0: {  	[sflag:s22] =	ssyncadd.s32 s3;
	_ =	sdelay $0x1  }
0xa1: {  	s23 =	simm.s32 $0x1B8B  }
0xa2: {  	_ =	swait.ge [sflag:s23], $0x1  }
0xa3: {  	[sflag:s23] =	ssyncset.done $0x0  }
0xa4: {  	s25 =	simm.s32 $0x1B8E;
	s24 =	sld [smem:$0x3FFE];
	[sflag:s23] =	ssyncadd.s32 $0xFFFFFFFF  }
0xa5: {  	s26 =	simm.s32 $execute0_lowered;
	[smem:$0x3FD2] =	sst s25  }
0xa6: {  	s4 =	sshll.u32 s26, $0x1;
	_ =	strace $0x80000046;
	[dreg:$0x1] =	wrdreg $0xFFFFFFFF  }
0xa7: {  	s28 =	simm.s32 $_size_execute0_lowered;
	s2 =	sadd.s32 s2, s4;
	[dreg:$0x0] =	wrdreg $0x0  }
0xa8: {  	s4 =	sshll.u32 s28, $0x1;
	[dreg:$0x2] =	wrdreg s2  }
0xa9: {  	[dreg:$0x3] =	wrdreg s4  }
0xaa: {  	[dreg:$0x4] =	wrdreg $0xC0  }
0xab: {  	_ =	task [dreg:s6], $0x5FFFF  }
0xac: {  	[dreg:$0x1] =	wrdreg $0xFFFFFFFF  }
0xad: {  	[dreg:$0x0] =	wrdreg $0x60  }
0xae: {  	[dreg:$0x2] =	wrdreg s24  }
0xaf: {  	[dreg:$0x3] =	wrdreg $0x9  }
0xb0: {  	_ =	task.clear_ibuf [dreg:s6], $0x4FFFF;
	_ =	strace $0x90000046  }
0xb1: {  	s29 =	simm.s32 $0x9;
	_ =	strace $0x80000048  }
0xb2: {  	_ =	swait.ge [sflag:s29], $0x1  }
0xb3: {  	[sflag:s29] =	ssyncadd.s32 $0xFFFFFFFF  }
0xb4: {  	_ =	strace $0x90000048  }
0xb5: {  	_ =	sfence  }
0xb6: {  	s30 =	sld [smem:$0x0];
	_ =	sdelay $0x2  }
0xb7: {  	s31 =	sshll.u32 s1, $0xD;
	s1 =	sshrl.u32 s1, $0x2  }
0xb8: {  	s3 =	sand.u32 $0x4000, s31;
	s1 =	sadd.s32 s1, s30  }
0xb9: {  	s0 =	sor.u32 s3, s0;
	s1 =	sshll.u32 s1, $0x11  }
0xba: {  	s0 =	sor.u32 s1, s0  }
0xbb: {  	s0 =	sadd.s32 $0x8F2B, s0  }
0xbc: {  	[sflag:s0] =	ssyncadd.remote.s32 $0x1  }
0xbd: {  	_ =	sfence.sel $0xFFFF  }
0xbe: {  	[dreg:$0x0] =	wrdreg $0xFFFFFFFF;
	(pc) =	sbr.abs _section_cstart, $3  }
0xbf: {  	[dreg:$0x1] =	wrdreg $0xFFFFFFFF  }
0xc0: {  	_ =	task.clear_ibuf [dreg:s6], $0x2FFFF;
	_ =	strace $0x9FFFFFFF  }
0xc1: {  	(tm) =	ssettm $0x7FFFFFFF  }
tec
execute0_lowered:
.L_overlay_start_1:
0x0: {  	(tag) =	ssettag $0x1  }
0x1: {  	s0 =	srdreg.scid  }
0x2: {  	s5 =	rddreg [dreg:$0x0];
	s3 =	sand.u32 $0x1, s0  }
0x3: {  	s2 =	simm.s32 $0x0;
	s0 =	stileid.u32;
	s1 =	sshll.u32 s3, $0x4  }
0x4: {  	s8 =	simm.s32 $0x80;
	s9 =	simm.s32 $0x400;
	s4 =	sor.u32 s0, s1  }
0x5: {  	s10 =	simm.s32 $0x0;
	[smem:$0x7FF] =	sst s2;
	s1 =	sshrl.u32 s4, $0x3  }
0x6: {  	s7 =	sshll.u32 s0, $0x7;
	s3 =	ssub.s32 $0x2, s3;
	s6 =	smul.u32 $0x14000, s1  }
0x7: {  	s7 =	sand.u32 $0x380, s7;
	s31 =	sshrl.u32 s3, $0x1;
	s4 =	smul.u32 $0x2780, s4  }
0x8: {  	s1 =	rddreg [dreg:$0x1];
	_ =	strace $0x80000047;
	s6 =	sor.u32 s7, s6  }
0x9: {  	s4 =	sadd.s32 s4, s5;
	s7 =	simm.s32 $0x13C00;
	s6 =	sshrl.u32 s6, $0x3  }
0xa: {  	s5 =	sadd.s32 s6, s5;
	s6 =	ssub.s32 s3, s31;
	s3 =	sadd.s32 $0x3000, s4  }
0xb: {  	v0 =	vimm.f32 $0.0e+00;
	v1 =	vimm.f32 $1.000000000e+00;
	s4 =	sadd.s32 $0x52000, s5;
	s5 =	smax.u32 s6, $0x1;
	s6 =	simm.s32 $0x1  }
.LBB2_1:
0xc: {  	[tilespmem:s2], [sflag:$0x1] =	stream.linear.gather [hbm4b:s3+s2], $0x13880, $0x38;
	[tilespmem:$0x16400] =	vst v63  }
0xd: {  	_ =	swait.ge [sflag:s6], $0x13880  }
0xe: {  	[sflag:s6] =	ssyncset.done $0x0  }
0xf: {  	s11 =	simm.s32 $0x0;
	[sflag:s6] =	ssyncadd.s32 $0xFFFEC780  }
.LBB2_2:
0x10: {  	p0 =	sne.s32 s11, $0x9FC0  }
.Ltmp0:
0x11: {  	_ = 	snop;
	(pc) =	sbr.rel @p0 .LBB2_2-.Ltmp0, $3  }
0x12: {  	_ =	sdelay $0x1  }
0x13: {  	s12 =	sshra.s32 s11, $0x2  }
0x14: {  	s11 =	sadd.s32 $0x40, s11;
	[tilespmem:s12+$0x13C00] =	vst v0  }
0x15: {  	s12 =	simm.s32 $0x0;
	s11 =	simm.s32 $0x200  }
.LBB2_4:
0x16: {  	p0 =	sne.s32 s11, $0x4E000;
	v2 =	vld [tilespmem:s12+$0x0];
	_ =	sdelay $0x3  }
.Ltmp1:
0x17: {  	(pc) =	sbr.rel @p0 .LBB2_4-.Ltmp1, $2  }
0x18: {  	_ =	sdelay $0x2  }
0x19: {  	s12 =	sshra.s32 s11, $0x2;
	s11 =	sadd.s32 $0x200, s11;
	[tilespmem:v2+s7+$0x0] =	vst.idx.add.f32.msk $0xffff, v1  }
0x1a: {  	v2 =	vld [tilespmem:s12+$0x0];
	_ =	sdelay $0x5  }
0x1b: {  	s10 =	sadd.s32 $0x1, s10  }
0x1c: {  	p0 =	sne.s32 s10, s5  }
.Ltmp2:
0x1d: {  	[tilespmem:v2+s7+$0x0] =	vst.idx.add.f32.msk $0xffff, v1;
	(pc) =	sbr.rel @p0 .LBB2_1-.Ltmp2, $4  }
0x1e: {  	[hbm4b:s4+s8] =	stream.strided.scatter [tilespmem:s7], [sflag:$0x1], $0x2800, s9, s8, $0x38;
	[tilespmem:$0x16400] =	vst v63  }
0x1f: {  	_ =	swait.ge [sflag:s6], $0x2800  }
0x20: {  	[sflag:s6] =	ssyncset.done $0x0  }
0x21: {  	[sflag:s6] =	ssyncadd.s32 $0xFFFFD800  }
0x22: {  	_ =	sfence.sel $0x180000  }
0x23: {  	[bflag:$0x0] =	sbarrier.arrive $0xFFFF  }
0x24: {  	p0 =	sne.s32 s0, $0x0;
	_ =	strace $0x90000047  }
0x25: {  	s0 =	sadd.s32 @!p0 $0x100000, s1;
	[bflag:$0x2] =	sbarrier.arrive $0xFFFF  }
0x26: {  	[sflag:s0] =	ssyncadd.tile.s32 @!p0 $0x1;
	_ =	shalt  }
.Lfunc_end2:
_tile_overlayer_lowered:
.L_overlay_start_2:
0x27: {  	(tag) =	ssettag $0x2  }
0x28: {  	s0 =	rddreg [dreg:$0x0];
	s2 =	stileid.u32  }
0x29: {  	s1 =	rddreg [dreg:$0x1];
	p0 =	sne.s32 s2, $0x0  }
0x2a: {  	s3 =	rddreg [dreg:$0x2];
	[bflag:$0x3] =	sbarrier.arrive $0xFFFF;
	s2 =	simm.s32 @!p0 $0x1C01  }
0x2b: {  	[timem:s3], [sflag:s2] =	dma.local @!p0 [hbm:s0], s1  }
0x2c: {  	s0 =	simm.s32 @!p0 $0x1  }
0x2d: {  	_ =	swait.ge @!p0 [sflag:s0], s1  }
0x2e: {  	s1 =	ssub.s32 @!p0 $0x0, s1;
	[sflag:s0] =	ssyncset.done @!p0 $0x0  }
0x2f: {  	[sflag:s0] =	ssyncadd.s32 @!p0 s1  }
0x30: {  	[bflag:$0x3] =	sbarrier.arrive $0xFFFF  }
0x31: {  	_ =	shalt  }

</sc_bundles>
